<compile_context>
chip_gen: v7x
topology: tpu7x:2x2x1
jax: 0.10.2.dev20260603
libtpu: 0.0.44.dev20260713+nightly
codegen_flags: <defaults>
</compile_context>

<pallas_src>
import functools

import jax
import jax.numpy as jnp
import numpy as np
from jax.experimental import pallas as pl
from jax.experimental.pallas import tpu as pltpu

_B = 3
_D = 13
_T = 2 ** (_D + 1) - 1
_LEAF = 2 ** _D
_HALF = _LEAF // 2
_H = 128
_CH = 2048
_SMALL = 1024


def _bitrev(n_bits: int) -> np.ndarray:
    idx = np.arange(1 << n_bits)
    rev = np.zeros_like(idx)
    for b in range(n_bits):
        rev |= ((idx >> b) & 1) << (n_bits - 1 - b)
    return rev


_LEAF_ROWS = np.concatenate(
    [b * _T + (_LEAF - 1) + _bitrev(_D) for b in range(_B)]
).astype(np.int32)
_ROOT_ROWS = (np.arange(_B) * _T).astype(np.int32)

_mm = functools.partial(
    jnp.dot,
    preferred_element_type=jnp.float32,
    precision=jax.lax.Precision.DEFAULT,
)


def _gates(iou, b_iou, c_node):
    i = jax.nn.sigmoid(iou[:, 0:_H] + b_iou[:, 0:_H])
    o = jax.nn.sigmoid(iou[:, _H:2 * _H] + b_iou[:, _H:2 * _H])
    u = jnp.tanh(iou[:, 2 * _H:3 * _H] + b_iou[:, 2 * _H:3 * _H])
    c = i * u + c_node
    h = o * jnp.tanh(c)
    return h, c


def _tree_kernel(xl_ref, xr_ref, w_iou_bu_ref, wfu_bu_ref, b_iou_bu_ref,
                 u_f_bu_b_ref, w_iou_td_ref, wfu_td_ref, b_iou_td_ref,
                 u_f_td_b_ref, out_ref, ah, ac, bh, bc):
    w_iou_bu = w_iou_bu_ref[...]
    b_bu = b_iou_bu_ref[...]
    uf_bu = wfu_bu_ref[:, 0:_H]
    u_iou_bu = wfu_bu_ref[:, _H:]
    uf_bu_b = u_f_bu_b_ref[...]

    for t in range(_B):
        for s in range(0, _HALF, _CH):
            xa = xl_ref[pl.ds(t * _LEAF + s, _CH), :]
            xb = xl_ref[pl.ds(t * _LEAF + _HALF + s, _CH), :]
            x2 = jnp.concatenate([xa, xb], axis=0)
            h_leaf, c_leaf = _gates(_mm(x2, w_iou_bu), b_bu, 0.0)
            f = jax.nn.sigmoid(_mm(h_leaf, uf_bu) + uf_bu_b)
            fc = f * c_leaf
            c_node = fc[0:_CH] + fc[_CH:2 * _CH]
            h_sum = h_leaf[0:_CH] + h_leaf[_CH:2 * _CH]
            hn, cn = _gates(_mm(h_sum, u_iou_bu), b_bu, c_node)
            ah[pl.ds(t * _HALF + s, _CH), :] = hn
            ac[pl.ds(t * _HALF + s, _CH), :] = cn

    bufs = ((ah, ac), (bh, bc))
    mi = _HALF
    src = 0
    for _k in range(2, _D + 1):
        mo = mi // 2
        ih, ic = bufs[src]
        oh, oc = bufs[1 - src]
        if mi > _SMALL:
            ch = min(mo, _CH)
            for t in range(_B):
                for s in range(0, mo, ch):
                    h1 = ih[pl.ds(t * mi + s, ch), :]
                    h2 = ih[pl.ds(t * mi + mo + s, ch), :]
                    c1 = ic[pl.ds(t * mi + s, ch), :]
                    c2 = ic[pl.ds(t * mi + mo + s, ch), :]
                    h12 = jnp.concatenate([h1, h2], axis=0)
                    c12 = jnp.concatenate([c1, c2], axis=0)
                    f = jax.nn.sigmoid(_mm(h12, uf_bu) + uf_bu_b)
                    fc = f * c12
                    c_node = fc[0:ch] + fc[ch:2 * ch]
                    h_sum = h1 + h2
                    hn, cn = _gates(_mm(h_sum, u_iou_bu), b_bu, c_node)
                    oh[pl.ds(t * mo + s, ch), :] = hn
                    oc[pl.ds(t * mo + s, ch), :] = cn
        else:
            rows = _B * mi
            z = _mm(ih[pl.ds(0, rows), :], wfu_bu_ref[...])
            f = jax.nn.sigmoid(z[:, 0:_H] + uf_bu_b)
            fc = f * ic[pl.ds(0, rows), :]
            cns, ious = [], []
            for t in range(_B):
                cns.append(fc[t * mi:t * mi + mo] + fc[t * mi + mo:(t + 1) * mi])
                ious.append(z[t * mi:t * mi + mo, _H:]
                            + z[t * mi + mo:(t + 1) * mi, _H:])
            c_node = jnp.concatenate(cns, axis=0)
            iou = jnp.concatenate(ious, axis=0)
            hn, cn = _gates(iou, b_bu, c_node)
            oh[pl.ds(0, _B * mo), :] = hn
            oc[pl.ds(0, _B * mo), :] = cn
        mi = mo
        src = 1 - src

    rh = bufs[src][0][pl.ds(0, _B), :]

    b_td = b_iou_td_ref[...]
    uf_td_b = u_f_td_b_ref[...]
    wfu_td = wfu_td_ref[...]

    xt = jnp.concatenate([xr_ref[...], rh], axis=1)
    sh, sc = _gates(_mm(xt, w_iou_td_ref[...]), b_td, 0.0)
    for _ in range(_D):
        z = _mm(sh, wfu_td)
        f = jax.nn.sigmoid(z[:, 0:_H] + uf_td_b)
        c_node = f * sc
        sh, sc = _gates(z[:, _H:], b_td, c_node)

    out_ref[:, 0:_H] = rh
    out_ref[:, _H:2 * _H] = sh


def kernel(X, h0, c0, W_iou_bu, U_iou_bu, b_iou_bu, U_f_bu_W, U_f_bu_b,
           W_iou_td, U_iou_td, b_iou_td, U_f_td_W, U_f_td_b):
    del h0, c0
    xl = jnp.take(X, jnp.asarray(_LEAF_ROWS), axis=0)
    xr = jnp.take(X, jnp.asarray(_ROOT_ROWS), axis=0)
    wfu_bu = jnp.concatenate([U_f_bu_W, U_iou_bu], axis=1)
    wfu_td = jnp.concatenate([U_f_td_W, U_iou_td], axis=1)
    return pl.pallas_call(
        _tree_kernel,
        out_shape=jax.ShapeDtypeStruct((_B, 2 * _H), jnp.float32),
        scratch_shapes=[
            pltpu.VMEM((_B * _HALF, _H), jnp.float32),
            pltpu.VMEM((_B * _HALF, _H), jnp.float32),
            pltpu.VMEM((_B * _HALF // 2, _H), jnp.float32),
            pltpu.VMEM((_B * _HALF // 2, _H), jnp.float32),
        ],
    )(xl, xr, W_iou_bu, wfu_bu, b_iou_bu, U_f_bu_b.reshape(1, _H),
      W_iou_td, wfu_td, b_iou_td, U_f_td_b.reshape(1, _H))

# --- scband reference (transcript-rebuilt; emitter-appended) ---
"""Pipeline reference for scband-bi-di-tree-lstm-94489281136 (READ-ONLY COPY).

The authoritative reference and input builder live on the scoring server;
editing this copy changes nothing except your own understanding.
"""

import jax, jax.numpy as jnp
import numpy as np

B = 3
D = 13
T = 2 ** (D + 1) - 1
N = B * T
X_SIZE = 128
H_SIZE = 128


def _level_idx(l):
    lo = 2 ** l - 1
    loc = np.arange(lo, lo + 2 ** l)
    offs = np.arange(B) * T
    return jnp.asarray((offs[:, None] + loc[None, :]).reshape(-1))


def _child_idx(l, which):
    loc = np.arange(2 ** l - 1, 2 ** (l + 1) - 1)
    ch = 2 * loc + which
    offs = np.arange(B) * T
    return jnp.asarray((offs[:, None] + ch[None, :]).reshape(-1))


def _parent_idx(l):
    loc = np.arange(2 ** l - 1, 2 ** (l + 1) - 1)
    par = (loc - 1) // 2
    offs = np.arange(B) * T
    return jnp.asarray((offs[:, None] + par[None, :]).reshape(-1))


def setup_inputs(seed: int = 0):
    key = jax.random.key(seed)
    ks = jax.random.split(key, 12)

    def lin(k, fan_in, shape):
        bound = 1.0 / np.sqrt(fan_in)
        return jax.random.uniform(k, shape, minval=-bound, maxval=bound, dtype=jnp.float32)

    return {
        "X": jax.random.normal(ks[0], (N, X_SIZE), dtype=jnp.float32),
        "h0": jnp.zeros((N, H_SIZE), jnp.float32),
        "c0": jnp.zeros((N, H_SIZE), jnp.float32),
        "W_iou_bu": lin(ks[1], X_SIZE, (X_SIZE, 3 * H_SIZE)),
        "U_iou_bu": lin(ks[2], H_SIZE, (H_SIZE, 3 * H_SIZE)),
        "b_iou_bu": jnp.zeros((1, 3 * H_SIZE), jnp.float32),
        "U_f_bu_W": lin(ks[3], H_SIZE, (H_SIZE, H_SIZE)),
        "U_f_bu_b": lin(ks[4], H_SIZE, (H_SIZE,)),
        "W_iou_td": lin(ks[5], X_SIZE + H_SIZE, (X_SIZE + H_SIZE, 3 * H_SIZE)),
        "U_iou_td": lin(ks[6], H_SIZE, (H_SIZE, 3 * H_SIZE)),
        "b_iou_td": jnp.zeros((1, 3 * H_SIZE), jnp.float32),
        "U_f_td_W": lin(ks[7], H_SIZE, (H_SIZE, H_SIZE)),
        "U_f_td_b": lin(ks[8], H_SIZE, (H_SIZE,)),
    }


def _apply_node(iou, b_iou, c_node):
    iou = iou + b_iou
    i, o, u = jnp.split(iou, 3, axis=1)
    i = jax.nn.sigmoid(i)
    o = jax.nn.sigmoid(o)
    u = jnp.tanh(u)
    c_new = i * u + c_node
    h_new = o * jnp.tanh(c_new)
    return h_new, c_new


def _forward(X, h0, c0, W_iou_bu, U_iou_bu, b_iou_bu, U_f_bu_W, U_f_bu_b,
             W_iou_td, U_iou_td, b_iou_td, U_f_td_W, U_f_td_b):
    # bottom-up pass (DGL prop_nodes_topo over child->parent edges).
    # DGL reduce OVERWRITES 'iou' with U_iou(sum child h) for internal nodes;
    # leaf (source) nodes keep iou = W_iou(X) and c = initial c.
    h, c = h0, c0
    for l in range(D, -1, -1):
        idx = _level_idx(l)
        if l == D:
            iou = X[idx] @ W_iou_bu
            c_node = c0[idx]
        else:
            c1 = _child_idx(l, 1)
            c2 = _child_idx(l, 2)
            h1, h2 = h[c1], h[c2]
            cc1, cc2 = c[c1], c[c2]
            f1 = jax.nn.sigmoid(h1 @ U_f_bu_W + U_f_bu_b)
            f2 = jax.nn.sigmoid(h2 @ U_f_bu_W + U_f_bu_b)
            c_node = f1 * cc1 + f2 * cc2
            iou = (h1 + h2) @ U_iou_bu
        h_new, c_new = _apply_node(iou, b_iou_bu, c_node)
        h = h.at[idx].set(h_new)
        c = c.at[idx].set(c_new)
    h_bu = h

    # top-down pass on reversed graph with X_td = cat([X, h_bottom_up])
    X_td = jnp.concatenate([X, h_bu], axis=1)
    h, c = h0, c0
    for l in range(0, D + 1):
        idx = _level_idx(l)
        if l == 0:
            iou = X_td[idx] @ W_iou_td
            c_node = c0[idx]
        else:
            p = _parent_idx(l)
            hp, cp = h[p], c[p]
            f = jax.nn.sigmoid(hp @ U_f_td_W + U_f_td_b)
            c_node = f * cp
            iou = hp @ U_iou_td
        h_new, c_new = _apply_node(iou, b_iou_td, c_node)
        h = h.at[idx].set(h_new)
        c = c.at[idx].set(c_new)
    h_td = h

    roots = jnp.asarray(np.arange(B) * T)
    root_h_bu = h_bu[roots]
    leaf_loc = np.arange(2 ** D - 1, 2 ** (D + 1) - 1)
    leaves = jnp.asarray(np.arange(B)[:, None] * T + leaf_loc[None, :])
    leaves_h_td = jnp.mean(h_td[leaves], axis=1)
    return jnp.concatenate([root_h_bu, leaves_h_td], axis=1)


def reference(X, h0, c0, W_iou_bu, U_iou_bu, b_iou_bu, U_f_bu_W, U_f_bu_b,
              W_iou_td, U_iou_td, b_iou_td, U_f_td_W, U_f_td_b):
    return _forward(X, h0, c0, W_iou_bu, U_iou_bu, b_iou_bu, U_f_bu_W, U_f_bu_b,
                    W_iou_td, U_iou_td, b_iou_td, U_f_td_W, U_f_td_b)

if __name__ == "__main__":
    import jax
    _d = setup_inputs()
    print(jax.jit(kernel)(*tuple(_d.values())))

</pallas_src>

<mosaic_0001>
module attributes {stable_mosaic.version = 14 : i64} {
  func.func @_tree_kernel(%arg0: memref<24576x128xf32, #tpu.memory_space<vmem>>, %arg1: memref<3x128xf32, #tpu.memory_space<vmem>>, %arg2: memref<128x384xf32, #tpu.memory_space<vmem>>, %arg3: memref<128x512xf32, #tpu.memory_space<vmem>>, %arg4: memref<1x384xf32, #tpu.memory_space<vmem>>, %arg5: memref<1x128xf32, #tpu.memory_space<vmem>>, %arg6: memref<256x384xf32, #tpu.memory_space<vmem>>, %arg7: memref<128x512xf32, #tpu.memory_space<vmem>>, %arg8: memref<1x384xf32, #tpu.memory_space<vmem>>, %arg9: memref<1x128xf32, #tpu.memory_space<vmem>>, %arg10: memref<3x256xf32, #tpu.memory_space<vmem>>, %arg11: memref<12288x128xf32, #tpu.memory_space<vmem>>, %arg12: memref<12288x128xf32, #tpu.memory_space<vmem>>, %arg13: memref<6144x128xf32, #tpu.memory_space<vmem>>, %arg14: memref<6144x128xf32, #tpu.memory_space<vmem>>) attributes {dimension_semantics = [], scalar_prefetch = 0 : i64, scratch_operands = 4 : i64, tpu.core_type = #tpu.core_type<tc>} {
    %get3A = arith.constant 0 : index
    %get3A_0 = arith.constant 0 : index
    %get3A_1 = vector.load %arg2[%get3A, %get3A_0] : memref<128x384xf32, #tpu.memory_space<vmem>>, vector<128x384xf32>
    %get3A_2 = arith.constant 0 : index
    %get3A_3 = arith.constant 0 : index
    %get3A_4 = vector.load %arg4[%get3A_2, %get3A_3] : memref<1x384xf32, #tpu.memory_space<vmem>>, vector<1x384xf32>
    %get3A_5 = arith.constant 0 : index
    %get3A_6 = arith.constant 0 : index
    %get3A_7 = vector.load %arg3[%get3A_5, %get3A_6] : memref<128x512xf32, #tpu.memory_space<vmem>>, vector<128x128xf32>
    %get3A_8 = arith.constant 0 : index
    %get3A_9 = arith.constant 128 : index
    %get3A_10 = vector.load %arg3[%get3A_8, %get3A_9] : memref<128x512xf32, #tpu.memory_space<vmem>>, vector<128x384xf32>
    %get3A_11 = arith.constant 0 : index
    %get3A_12 = arith.constant 0 : index
    %get3A_13 = vector.load %arg5[%get3A_11, %get3A_12] : memref<1x128xf32, #tpu.memory_space<vmem>>, vector<1x128xf32>
    %get3A_14 = arith.constant 0 : index
    %get3A_15 = arith.constant 0 : index
    %get3A_16 = vector.load %arg0[%get3A_14, %get3A_15] : memref<24576x128xf32, #tpu.memory_space<vmem>>, vector<2048x128xf32>
    %get3A_17 = arith.constant 4096 : index
    %get3A_18 = arith.constant 0 : index
    %get3A_19 = vector.load %arg0[%get3A_17, %get3A_18] : memref<24576x128xf32, #tpu.memory_space<vmem>>, vector<2048x128xf32>
    %concatenate3A = tpu.concatenate %get3A_16, %get3A_19 in 0 : vector<2048x128xf32>, vector<2048x128xf32> -> vector<4096x128xf32>
    %dot_general3A = arith.constant dense<0.000000e+00> : vector<4096x384xf32>
    %dot_general3A_20 = tpu.matmul %concatenate3A, %get3A_1, %dot_general3A {dimension_numbers = #tpu.dot_dimension_numbers<[1], [0], [0], [1], [0, 0, 1, 1], [], []>, transpose_lhs_hint = false} : vector<4096x128xf32>, vector<128x384xf32>, vector<4096x384xf32> -> vector<4096x384xf32>
    %slice3A = vector.extract_strided_slice %dot_general3A_20 {offsets = [0, 0], sizes = [4096, 128], strides = [1, 1]} : vector<4096x384xf32> to vector<4096x128xf32>
    %slice3A_21 = vector.extract_strided_slice %get3A_4 {offsets = [0, 0], sizes = [1, 128], strides = [1, 1]} : vector<1x384xf32> to vector<1x128xf32>
    %add3A = vector.broadcast %slice3A_21 : vector<1x128xf32> to vector<4096x128xf32>
    %add3A_22 = arith.addf %slice3A, %add3A : vector<4096x128xf32>
    %logistic3A = arith.negf %add3A_22 : vector<4096x128xf32>
    %logistic3A_23 = math.exp %logistic3A : vector<4096x128xf32>
    %logistic3A_24 = arith.constant 1.000000e+00 : f32
    %logistic3A_25 = vector.broadcast %logistic3A_24 : f32 to vector<4096x128xf32>
    %logistic3A_26 = arith.addf %logistic3A_25, %logistic3A_23 : vector<4096x128xf32>
    %logistic3A_27 = arith.divf %logistic3A_25, %logistic3A_26 : vector<4096x128xf32>
    %slice3A_28 = vector.extract_strided_slice %dot_general3A_20 {offsets = [0, 128], sizes = [4096, 128], strides = [1, 1]} : vector<4096x384xf32> to vector<4096x128xf32>
    %slice3A_29 = vector.extract_strided_slice %get3A_4 {offsets = [0, 128], sizes = [1, 128], strides = [1, 1]} : vector<1x384xf32> to vector<1x128xf32>
    %add3A_30 = vector.broadcast %slice3A_29 : vector<1x128xf32> to vector<4096x128xf32>
    %add3A_31 = arith.addf %slice3A_28, %add3A_30 : vector<4096x128xf32>
    %logistic3A_32 = arith.negf %add3A_31 : vector<4096x128xf32>
    %logistic3A_33 = math.exp %logistic3A_32 : vector<4096x128xf32>
    %logistic3A_34 = arith.constant 1.000000e+00 : f32
    %logistic3A_35 = vector.broadcast %logistic3A_34 : f32 to vector<4096x128xf32>
    %logistic3A_36 = arith.addf %logistic3A_35, %logistic3A_33 : vector<4096x128xf32>
    %logistic3A_37 = arith.divf %logistic3A_35, %logistic3A_36 : vector<4096x128xf32>
    %slice3A_38 = vector.extract_strided_slice %dot_general3A_20 {offsets = [0, 256], sizes = [4096, 128], strides = [1, 1]} : vector<4096x384xf32> to vector<4096x128xf32>
    %slice3A_39 = vector.extract_strided_slice %get3A_4 {offsets = [0, 256], sizes = [1, 128], strides = [1, 1]} : vector<1x384xf32> to vector<1x128xf32>
    %add3A_40 = vector.broadcast %slice3A_39 : vector<1x128xf32> to vector<4096x128xf32>
    %add3A_41 = arith.addf %slice3A_38, %add3A_40 : vector<4096x128xf32>
    %tanh3A = math.tanh %add3A_41 : vector<4096x128xf32>
    %mul3A = arith.mulf %logistic3A_27, %tanh3A : vector<4096x128xf32>
    %add3A_42 = arith.constant 0.000000e+00 : f32
    %add3A_43 = vector.broadcast %add3A_42 : f32 to vector<4096x128xf32>
    %add3A_44 = arith.addf %mul3A, %add3A_43 : vector<4096x128xf32>
    %tanh3A_45 = math.tanh %add3A_44 : vector<4096x128xf32>
    %mul3A_46 = arith.mulf %logistic3A_37, %tanh3A_45 : vector<4096x128xf32>
    %dot_general3A_47 = arith.constant dense<0.000000e+00> : vector<4096x128xf32>
    %dot_general3A_48 = tpu.matmul %mul3A_46, %get3A_7, %dot_general3A_47 {dimension_numbers = #tpu.dot_dimension_numbers<[1], [0], [0], [1], [0, 0, 1, 1], [], []>, transpose_lhs_hint = false} : vector<4096x128xf32>, vector<128x128xf32>, vector<4096x128xf32> -> vector<4096x128xf32>
    %add3A_49 = vector.broadcast %get3A_13 : vector<1x128xf32> to vector<4096x128xf32>
    %add3A_50 = arith.addf %dot_general3A_48, %add3A_49 : vector<4096x128xf32>
    %logistic3A_51 = arith.negf %add3A_50 : vector<4096x128xf32>
    %logistic3A_52 = math.exp %logistic3A_51 : vector<4096x128xf32>
    %logistic3A_53 = arith.constant 1.000000e+00 : f32
    %logistic3A_54 = vector.broadcast %logistic3A_53 : f32 to vector<4096x128xf32>
    %logistic3A_55 = arith.addf %logistic3A_54, %logistic3A_52 : vector<4096x128xf32>
    %logistic3A_56 = arith.divf %logistic3A_54, %logistic3A_55 : vector<4096x128xf32>
    %mul3A_57 = arith.mulf %logistic3A_56, %add3A_44 : vector<4096x128xf32>
    %slice3A_58 = vector.extract_strided_slice %mul3A_57 {offsets = [0, 0], sizes = [2048, 128], strides = [1, 1]} : vector<4096x128xf32> to vector<2048x128xf32>
    %slice3A_59 = vector.extract_strided_slice %mul3A_57 {offsets = [2048, 0], sizes = [2048, 128], strides = [1, 1]} : vector<4096x128xf32> to vector<2048x128xf32>
    %add3A_60 = arith.addf %slice3A_58, %slice3A_59 : vector<2048x128xf32>
    %slice3A_61 = vector.extract_strided_slice %mul3A_46 {offsets = [0, 0], sizes = [2048, 128], strides = [1, 1]} : vector<4096x128xf32> to vector<2048x128xf32>
    %slice3A_62 = vector.extract_strided_slice %mul3A_46 {offsets = [2048, 0], sizes = [2048, 128], strides = [1, 1]} : vector<4096x128xf32> to vector<2048x128xf32>
    %add3A_63 = arith.addf %slice3A_61, %slice3A_62 : vector<2048x128xf32>
    %dot_general3A_64 = arith.constant dense<0.000000e+00> : vector<2048x384xf32>
    %dot_general3A_65 = tpu.matmul %add3A_63, %get3A_10, %dot_general3A_64 {dimension_numbers = #tpu.dot_dimension_numbers<[1], [0], [0], [1], [0, 0, 1, 1], [], []>, transpose_lhs_hint = false} : vector<2048x128xf32>, vector<128x384xf32>, vector<2048x384xf32> -> vector<2048x384xf32>
    %slice3A_66 = vector.extract_strided_slice %dot_general3A_65 {offsets = [0, 0], sizes = [2048, 128], strides = [1, 1]} : vector<2048x384xf32> to vector<2048x128xf32>
    %slice3A_67 = vector.extract_strided_slice %get3A_4 {offsets = [0, 0], sizes = [1, 128], strides = [1, 1]} : vector<1x384xf32> to vector<1x128xf32>
    %add3A_68 = vector.broadcast %slice3A_67 : vector<1x128xf32> to vector<2048x128xf32>
    %add3A_69 = arith.addf %slice3A_66, %add3A_68 : vector<2048x128xf32>
    %logistic3A_70 = arith.negf %add3A_69 : vector<2048x128xf32>
    %logistic3A_71 = math.exp %logistic3A_70 : vector<2048x128xf32>
    %logistic3A_72 = arith.constant 1.000000e+00 : f32
    %logistic3A_73 = vector.broadcast %logistic3A_72 : f32 to vector<2048x128xf32>
    %logistic3A_74 = arith.addf %logistic3A_73, %logistic3A_71 : vector<2048x128xf32>
    %logistic3A_75 = arith.divf %logistic3A_73, %logistic3A_74 : vector<2048x128xf32>
    %slice3A_76 = vector.extract_strided_slice %dot_general3A_65 {offsets = [0, 128], sizes = [2048, 128], strides = [1, 1]} : vector<2048x384xf32> to vector<2048x128xf32>
    %slice3A_77 = vector.extract_strided_slice %get3A_4 {offsets = [0, 128], sizes = [1, 128], strides = [1, 1]} : vector<1x384xf32> to vector<1x128xf32>
    %add3A_78 = vector.broadcast %slice3A_77 : vector<1x128xf32> to vector<2048x128xf32>
    %add3A_79 = arith.addf %slice3A_76, %add3A_78 : vector<2048x128xf32>
    %logistic3A_80 = arith.negf %add3A_79 : vector<2048x128xf32>
    %logistic3A_81 = math.exp %logistic3A_80 : vector<2048x128xf32>
    %logistic3A_82 = arith.constant 1.000000e+00 : f32
    %logistic3A_83 = vector.broadcast %logistic3A_82 : f32 to vector<2048x128xf32>
    %logistic3A_84 = arith.addf %logistic3A_83, %logistic3A_81 : vector<2048x128xf32>
    %logistic3A_85 = arith.divf %logistic3A_83, %logistic3A_84 : vector<2048x128xf32>
    %slice3A_86 = vector.extract_strided_slice %dot_general3A_65 {offsets = [0, 256], sizes = [2048, 128], strides = [1, 1]} : vector<2048x384xf32> to vector<2048x128xf32>
    %slice3A_87 = vector.extract_strided_slice %get3A_4 {offsets = [0, 256], sizes = [1, 128], strides = [1, 1]} : vector<1x384xf32> to vector<1x128xf32>
    %add3A_88 = vector.broadcast %slice3A_87 : vector<1x128xf32> to vector<2048x128xf32>
    %add3A_89 = arith.addf %slice3A_86, %add3A_88 : vector<2048x128xf32>
    %tanh3A_90 = math.tanh %add3A_89 : vector<2048x128xf32>
    %mul3A_91 = arith.mulf %logistic3A_75, %tanh3A_90 : vector<2048x128xf32>
    %add3A_92 = arith.addf %mul3A_91, %add3A_60 : vector<2048x128xf32>
    %tanh3A_93 = math.tanh %add3A_92 : vector<2048x128xf32>
    %mul3A_94 = arith.mulf %logistic3A_85, %tanh3A_93 : vector<2048x128xf32>
    %swap3A = arith.constant 0 : index
    %swap3A_95 = arith.constant 0 : index
    %swap3A_96 = vector.load %arg11[%swap3A, %swap3A_95] : memref<12288x128xf32, #tpu.memory_space<vmem>>, vector<2048x128xf32>
    tpu.vector_store %arg11[%swap3A, %swap3A_95], %mul3A_94 {strides = array<i32>} : memref<12288x128xf32, #tpu.memory_space<vmem>>, vector<2048x128xf32>,
    %swap3A_97 = arith.constant 0 : index
    %swap3A_98 = arith.constant 0 : index
    %swap3A_99 = vector.load %arg12[%swap3A_97, %swap3A_98] : memref<12288x128xf32, #tpu.memory_space<vmem>>, vector<2048x128xf32>
    tpu.vector_store %arg12[%swap3A_97, %swap3A_98], %add3A_92 {strides = array<i32>} : memref<12288x128xf32, #tpu.memory_space<vmem>>, vector<2048x128xf32>,
    %get3A_100 = arith.constant 2048 : index
    %get3A_101 = arith.constant 0 : index
    %get3A_102 = vector.load %arg0[%get3A_100, %get3A_101] : memref<24576x128xf32, #tpu.memory_space<vmem>>, vector<2048x128xf32>
    %get3A_103 = arith.constant 6144 : index
    %get3A_104 = arith.constant 0 : index
    %get3A_105 = vector.load %arg0[%get3A_103, %get3A_104] : memref<24576x128xf32, #tpu.memory_space<vmem>>, vector<2048x128xf32>
    %concatenate3A_106 = tpu.concatenate %get3A_102, %get3A_105 in 0 : vector<2048x128xf32>, vector<2048x128xf32> -> vector<4096x128xf32>
    %dot_general3A_107 = arith.constant dense<0.000000e+00> : vector<4096x384xf32>
    %dot_general3A_108 = tpu.matmul %concatenate3A_106, %get3A_1, %dot_general3A_107 {dimension_numbers = #tpu.dot_dimension_numbers<[1], [0], [0], [1], [0, 0, 1, 1], [], []>, transpose_lhs_hint = false} : vector<4096x128xf32>, vector<128x384xf32>, vector<4096x384xf32> -> vector<4096x384xf32>
    %slice3A_109 = vector.extract_strided_slice %dot_general3A_108 {offsets = [0, 0], sizes = [4096, 128], strides = [1, 1]} : vector<4096x384xf32> to vector<4096x128xf32>
    %slice3A_110 = vector.extract_strided_slice %get3A_4 {offsets = [0, 0], sizes = [1, 128], strides = [1, 1]} : vector<1x384xf32> to vector<1x128xf32>
    %add3A_111 = vector.broadcast %slice3A_110 : vector<1x128xf32> to vector<4096x128xf32>
    %add3A_112 = arith.addf %slice3A_109, %add3A_111 : vector<4096x128xf32>
    %logistic3A_113 = arith.negf %add3A_112 : vector<4096x128xf32>
    %logistic3A_114 = math.exp %logistic3A_113 : vector<4096x128xf32>
    %logistic3A_115 = arith.constant 1.000000e+00 : f32
    %logistic3A_116 = vector.broadcast %logistic3A_115 : f32 to vector<4096x128xf32>
    %logistic3A_117 = arith.addf %logistic3A_116, %logistic3A_114 : vector<4096x128xf32>
    %logistic3A_118 = arith.divf %logistic3A_116, %logistic3A_117 : vector<4096x128xf32>
    %slice3A_119 = vector.extract_strided_slice %dot_general3A_108 {offsets = [0, 128], sizes = [4096, 128], strides = [1, 1]} : vector<4096x384xf32> to vector<4096x128xf32>
    %slice3A_120 = vector.extract_strided_slice %get3A_4 {offsets = [0, 128], sizes = [1, 128], strides = [1, 1]} : vector<1x384xf32> to vector<1x128xf32>
    %add3A_121 = vector.broadcast %slice3A_120 : vector<1x128xf32> to vector<4096x128xf32>
    %add3A_122 = arith.addf %slice3A_119, %add3A_121 : vector<4096x128xf32>
    %logistic3A_123 = arith.negf %add3A_122 : vector<4096x128xf32>
    %logistic3A_124 = math.exp %logistic3A_123 : vector<4096x128xf32>
    %logistic3A_125 = arith.constant 1.000000e+00 : f32
    %logistic3A_126 = vector.broadcast %logistic3A_125 : f32 to vector<4096x128xf32>
    %logistic3A_127 = arith.addf %logistic3A_126, %logistic3A_124 : vector<4096x128xf32>
    %logistic3A_128 = arith.divf %logistic3A_126, %logistic3A_127 : vector<4096x128xf32>
    %slice3A_129 = vector.extract_strided_slice %dot_general3A_108 {offsets = [0, 256], sizes = [4096, 128], strides = [1, 1]} : vector<4096x384xf32> to vector<4096x128xf32>
    %slice3A_130 = vector.extract_strided_slice %get3A_4 {offsets = [0, 256], sizes = [1, 128], strides = [1, 1]} : vector<1x384xf32> to vector<1x128xf32>
    %add3A_131 = vector.broadcast %slice3A_130 : vector<1x128xf32> to vector<4096x128xf32>
    %add3A_132 = arith.addf %slice3A_129, %add3A_131 : vector<4096x128xf32>
    %tanh3A_133 = math.tanh %add3A_132 : vector<4096x128xf32>
    %mul3A_134 = arith.mulf %logistic3A_118, %tanh3A_133 : vector<4096x128xf32>
    %add3A_135 = arith.constant 0.000000e+00 : f32
    %add3A_136 = vector.broadcast %add3A_135 : f32 to vector<4096x128xf32>
    %add3A_137 = arith.addf %mul3A_134, %add3A_136 : vector<4096x128xf32>
    %tanh3A_138 = math.tanh %add3A_137 : vector<4096x128xf32>
    %mul3A_139 = arith.mulf %logistic3A_128, %tanh3A_138 : vector<4096x128xf32>
    %dot_general3A_140 = arith.constant dense<0.000000e+00> : vector<4096x128xf32>
    %dot_general3A_141 = tpu.matmul %mul3A_139, %get3A_7, %dot_general3A_140 {dimension_numbers = #tpu.dot_dimension_numbers<[1], [0], [0], [1], [0, 0, 1, 1], [], []>, transpose_lhs_hint = false} : vector<4096x128xf32>, vector<128x128xf32>, vector<4096x128xf32> -> vector<4096x128xf32>
    %add3A_142 = vector.broadcast %get3A_13 : vector<1x128xf32> to vector<4096x128xf32>
    %add3A_143 = arith.addf %dot_general3A_141, %add3A_142 : vector<4096x128xf32>
    %logistic3A_144 = arith.negf %add3A_143 : vector<4096x128xf32>
    %logistic3A_145 = math.exp %logistic3A_144 : vector<4096x128xf32>
    %logistic3A_146 = arith.constant 1.000000e+00 : f32
    %logistic3A_147 = vector.broadcast %logistic3A_146 : f32 to vector<4096x128xf32>
    %logistic3A_148 = arith.addf %logistic3A_147, %logistic3A_145 : vector<4096x128xf32>
    %logistic3A_149 = arith.divf %logistic3A_147, %logistic3A_148 : vector<4096x128xf32>
    %mul3A_150 = arith.mulf %logistic3A_149, %add3A_137 : vector<4096x128xf32>
    %slice3A_151 = vector.extract_strided_slice %mul3A_150 {offsets = [0, 0], sizes = [2048, 128], strides = [1, 1]} : vector<4096x128xf32> to vector<2048x128xf32>
    %slice3A_152 = vector.extract_strided_slice %mul3A_150 {offsets = [2048, 0], sizes = [2048, 128], strides = [1, 1]} : vector<4096x128xf32> to vector<2048x128xf32>
    %add3A_153 = arith.addf %slice3A_151, %slice3A_152 : vector<2048x128xf32>
    %slice3A_154 = vector.extract_strided_slice %mul3A_139 {offsets = [0, 0], sizes = [2048, 128], strides = [1, 1]} : vector<4096x128xf32> to vector<2048x128xf32>
    %slice3A_155 = vector.extract_strided_slice %mul3A_139 {offsets = [2048, 0], sizes = [2048, 128], strides = [1, 1]} : vector<4096x128xf32> to vector<2048x128xf32>
    %add3A_156 = arith.addf %slice3A_154, %slice3A_155 : vector<2048x128xf32>
    %dot_general3A_157 = arith.constant dense<0.000000e+00> : vector<2048x384xf32>
    %dot_general3A_158 = tpu.matmul %add3A_156, %get3A_10, %dot_general3A_157 {dimension_numbers = #tpu.dot_dimension_numbers<[1], [0], [0], [1], [0, 0, 1, 1], [], []>, transpose_lhs_hint = false} : vector<2048x128xf32>, vector<128x384xf32>, vector<2048x384xf32> -> vector<2048x384xf32>
    %slice3A_159 = vector.extract_strided_slice %dot_general3A_158 {offsets = [0, 0], sizes = [2048, 128], strides = [1, 1]} : vector<2048x384xf32> to vector<2048x128xf32>
    %slice3A_160 = vector.extract_strided_slice %get3A_4 {offsets = [0, 0], sizes = [1, 128], strides = [1, 1]} : vector<1x384xf32> to vector<1x128xf32>
    %add3A_161 = vector.broadcast %slice3A_160 : vector<1x128xf32> to vector<2048x128xf32>
    %add3A_162 = arith.addf %slice3A_159, %add3A_161 : vector<2048x128xf32>
    %logistic3A_163 = arith.negf %add3A_162 : vector<2048x128xf32>
    %logistic3A_164 = math.exp %logistic3A_163 : vector<2048x128xf32>
    %logistic3A_165 = arith.constant 1.000000e+00 : f32
    %logistic3A_166 = vector.broadcast %logistic3A_165 : f32 to vector<2048x128xf32>
    %logistic3A_167 = arith.addf %logistic3A_166, %logistic3A_164 : vector<2048x128xf32>
    %logistic3A_168 = arith.divf %logistic3A_166, %logistic3A_167 : vector<2048x128xf32>
    %slice3A_169 = vector.extract_strided_slice %dot_general3A_158 {offsets = [0, 128], sizes = [2048, 128], strides = [1, 1]} : vector<2048x384xf32> to vector<2048x128xf32>
    %slice3A_170 = vector.extract_strided_slice %get3A_4 {offsets = [0, 128], sizes = [1, 128], strides = [1, 1]} : vector<1x384xf32> to vector<1x128xf32>
    %add3A_171 = vector.broadcast %slice3A_170 : vector<1x128xf32> to vector<2048x128xf32>
    %add3A_172 = arith.addf %slice3A_169, %add3A_171 : vector<2048x128xf32>
    %logistic3A_173 = arith.negf %add3A_172 : vector<2048x128xf32>
    %logistic3A_174 = math.exp %logistic3A_173 : vector<2048x128xf32>
    %logistic3A_175 = arith.constant 1.000000e+00 : f32
    %logistic3A_176 = vector.broadcast %logistic3A_175 : f32 to vector<2048x128xf32>
    %logistic3A_177 = arith.addf %logistic3A_176, %logistic3A_174 : vector<2048x128xf32>
    %logistic3A_178 = arith.divf %logistic3A_176, %logistic3A_177 : vector<2048x128xf32>
    %slice3A_179 = vector.extract_strided_slice %dot_general3A_158 {offsets = [0, 256], sizes = [2048, 128], strides = [1, 1]} : vector<2048x384xf32> to vector<2048x128xf32>
    %slice3A_180 = vector.extract_strided_slice %get3A_4 {offsets = [0, 256], sizes = [1, 128], strides = [1, 1]} : vector<1x384xf32> to vector<1x128xf32>
    %add3A_181 = vector.broadcast %slice3A_180 : vector<1x128xf32> to vector<2048x128xf32>
    %add3A_182 = arith.addf %slice3A_179, %add3A_181 : vector<2048x128xf32>
    %tanh3A_183 = math.tanh %add3A_182 : vector<2048x128xf32>
    %mul3A_184 = arith.mulf %logistic3A_168, %tanh3A_183 : vector<2048x128xf32>
    %add3A_185 = arith.addf %mul3A_184, %add3A_153 : vector<2048x128xf32>
    %tanh3A_186 = math.tanh %add3A_185 : vector<2048x128xf32>
    %mul3A_187 = arith.mulf %logistic3A_178, %tanh3A_186 : vector<2048x128xf32>
    %swap3A_188 = arith.constant 2048 : index
    %swap3A_189 = arith.constant 0 : index
    %swap3A_190 = vector.load %arg11[%swap3A_188, %swap3A_189] : memref<12288x128xf32, #tpu.memory_space<vmem>>, vector<2048x128xf32>
    tpu.vector_store %arg11[%swap3A_188, %swap3A_189], %mul3A_187 {strides = array<i32>} : memref<12288x128xf32, #tpu.memory_space<vmem>>, vector<2048x128xf32>,
    %swap3A_191 = arith.constant 2048 : index
    %swap3A_192 = arith.constant 0 : index
    %swap3A_193 = vector.load %arg12[%swap3A_191, %swap3A_192] : memref<12288x128xf32, #tpu.memory_space<vmem>>, vector<2048x128xf32>
    tpu.vector_store %arg12[%swap3A_191, %swap3A_192], %add3A_185 {strides = array<i32>} : memref<12288x128xf32, #tpu.memory_space<vmem>>, vector<2048x128xf32>,
    %get3A_194 = arith.constant 8192 : index
    %get3A_195 = arith.constant 0 : index
    %get3A_196 = vector.load %arg0[%get3A_194, %get3A_195] : memref<24576x128xf32, #tpu.memory_space<vmem>>, vector<2048x128xf32>
    %get3A_197 = arith.constant 12288 : index
    %get3A_198 = arith.constant 0 : index
    %get3A_199 = vector.load %arg0[%get3A_197, %get3A_198] : memref<24576x128xf32, #tpu.memory_space<vmem>>, vector<2048x128xf32>
    %concatenate3A_200 = tpu.concatenate %get3A_196, %get3A_199 in 0 : vector<2048x128xf32>, vector<2048x128xf32> -> vector<4096x128xf32>
    %dot_general3A_201 = arith.constant dense<0.000000e+00> : vector<4096x384xf32>
    %dot_general3A_202 = tpu.matmul %concatenate3A_200, %get3A_1, %dot_general3A_201 {dimension_numbers = #tpu.dot_dimension_numbers<[1], [0], [0], [1], [0, 0, 1, 1], [], []>, transpose_lhs_hint = false} : vector<4096x128xf32>, vector<128x384xf32>, vector<4096x384xf32> -> vector<4096x384xf32>
    %slice3A_203 = vector.extract_strided_slice %dot_general3A_202 {offsets = [0, 0], sizes = [4096, 128], strides = [1, 1]} : vector<4096x384xf32> to vector<4096x128xf32>
    %slice3A_204 = vector.extract_strided_slice %get3A_4 {offsets = [0, 0], sizes = [1, 128], strides = [1, 1]} : vector<1x384xf32> to vector<1x128xf32>
    %add3A_205 = vector.broadcast %slice3A_204 : vector<1x128xf32> to vector<4096x128xf32>
    %add3A_206 = arith.addf %slice3A_203, %add3A_205 : vector<4096x128xf32>
    %logistic3A_207 = arith.negf %add3A_206 : vector<4096x128xf32>
    %logistic3A_208 = math.exp %logistic3A_207 : vector<4096x128xf32>
    %logistic3A_209 = arith.constant 1.000000e+00 : f32
    %logistic3A_210 = vector.broadcast %logistic3A_209 : f32 to vector<4096x128xf32>
    %logistic3A_211 = arith.addf %logistic3A_210, %logistic3A_208 : vector<4096x128xf32>
    %logistic3A_212 = arith.divf %logistic3A_210, %logistic3A_211 : vector<4096x128xf32>
    %slice3A_213 = vector.extract_strided_slice %dot_general3A_202 {offsets = [0, 128], sizes = [4096, 128], strides = [1, 1]} : vector<4096x384xf32> to vector<4096x128xf32>
    %slice3A_214 = vector.extract_strided_slice %get3A_4 {offsets = [0, 128], sizes = [1, 128], strides = [1, 1]} : vector<1x384xf32> to vector<1x128xf32>
    %add3A_215 = vector.broadcast %slice3A_214 : vector<1x128xf32> to vector<4096x128xf32>
    %add3A_216 = arith.addf %slice3A_213, %add3A_215 : vector<4096x128xf32>
    %logistic3A_217 = arith.negf %add3A_216 : vector<4096x128xf32>
    %logistic3A_218 = math.exp %logistic3A_217 : vector<4096x128xf32>
    %logistic3A_219 = arith.constant 1.000000e+00 : f32
    %logistic3A_220 = vector.broadcast %logistic3A_219 : f32 to vector<4096x128xf32>
    %logistic3A_221 = arith.addf %logistic3A_220, %logistic3A_218 : vector<4096x128xf32>
    %logistic3A_222 = arith.divf %logistic3A_220, %logistic3A_221 : vector<4096x128xf32>
    %slice3A_223 = vector.extract_strided_slice %dot_general3A_202 {offsets = [0, 256], sizes = [4096, 128], strides = [1, 1]} : vector<4096x384xf32> to vector<4096x128xf32>
    %slice3A_224 = vector.extract_strided_slice %get3A_4 {offsets = [0, 256], sizes = [1, 128], strides = [1, 1]} : vector<1x384xf32> to vector<1x128xf32>
    %add3A_225 = vector.broadcast %slice3A_224 : vector<1x128xf32> to vector<4096x128xf32>
    %add3A_226 = arith.addf %slice3A_223, %add3A_225 : vector<4096x128xf32>
    %tanh3A_227 = math.tanh %add3A_226 : vector<4096x128xf32>
    %mul3A_228 = arith.mulf %logistic3A_212, %tanh3A_227 : vector<4096x128xf32>
    %add3A_229 = arith.constant 0.000000e+00 : f32
    %add3A_230 = vector.broadcast %add3A_229 : f32 to vector<4096x128xf32>
    %add3A_231 = arith.addf %mul3A_228, %add3A_230 : vector<4096x128xf32>
    %tanh3A_232 = math.tanh %add3A_231 : vector<4096x128xf32>
    %mul3A_233 = arith.mulf %logistic3A_222, %tanh3A_232 : vector<4096x128xf32>
    %dot_general3A_234 = arith.constant dense<0.000000e+00> : vector<4096x128xf32>
    %dot_general3A_235 = tpu.matmul %mul3A_233, %get3A_7, %dot_general3A_234 {dimension_numbers = #tpu.dot_dimension_numbers<[1], [0], [0], [1], [0, 0, 1, 1], [], []>, transpose_lhs_hint = false} : vector<4096x128xf32>, vector<128x128xf32>, vector<4096x128xf32> -> vector<4096x128xf32>
    %add3A_236 = vector.broadcast %get3A_13 : vector<1x128xf32> to vector<4096x128xf32>
    %add3A_237 = arith.addf %dot_general3A_235, %add3A_236 : vector<4096x128xf32>
    %logistic3A_238 = arith.negf %add3A_237 : vector<4096x128xf32>
    %logistic3A_239 = math.exp %logistic3A_238 : vector<4096x128xf32>
    %logistic3A_240 = arith.constant 1.000000e+00 : f32
    %logistic3A_241 = vector.broadcast %logistic3A_240 : f32 to vector<4096x128xf32>
    %logistic3A_242 = arith.addf %logistic3A_241, %logistic3A_239 : vector<4096x128xf32>
    %logistic3A_243 = arith.divf %logistic3A_241, %logistic3A_242 : vector<4096x128xf32>
    %mul3A_244 = arith.mulf %logistic3A_243, %add3A_231 : vector<4096x128xf32>
    %slice3A_245 = vector.extract_strided_slice %mul3A_244 {offsets = [0, 0], sizes = [2048, 128], strides = [1, 1]} : vector<4096x128xf32> to vector<2048x128xf32>
    %slice3A_246 = vector.extract_strided_slice %mul3A_244 {offsets = [2048, 0], sizes = [2048, 128], strides = [1, 1]} : vector<4096x128xf32> to vector<2048x128xf32>
    %add3A_247 = arith.addf %slice3A_245, %slice3A_246 : vector<2048x128xf32>
    %slice3A_248 = vector.extract_strided_slice %mul3A_233 {offsets = [0, 0], sizes = [2048, 128], strides = [1, 1]} : vector<4096x128xf32> to vector<2048x128xf32>
    %slice3A_249 = vector.extract_strided_slice %mul3A_233 {offsets = [2048, 0], sizes = [2048, 128], strides = [1, 1]} : vector<4096x128xf32> to vector<2048x128xf32>
    %add3A_250 = arith.addf %slice3A_248, %slice3A_249 : vector<2048x128xf32>
    %dot_general3A_251 = arith.constant dense<0.000000e+00> : vector<2048x384xf32>
    %dot_general3A_252 = tpu.matmul %add3A_250, %get3A_10, %dot_general3A_251 {dimension_numbers = #tpu.dot_dimension_numbers<[1], [0], [0], [1], [0, 0, 1, 1], [], []>, transpose_lhs_hint = false} : vector<2048x128xf32>, vector<128x384xf32>, vector<2048x384xf32> -> vector<2048x384xf32>
    %slice3A_253 = vector.extract_strided_slice %dot_general3A_252 {offsets = [0, 0], sizes = [2048, 128], strides = [1, 1]} : vector<2048x384xf32> to vector<2048x128xf32>
    %slice3A_254 = vector.extract_strided_slice %get3A_4 {offsets = [0, 0], sizes = [1, 128], strides = [1, 1]} : vector<1x384xf32> to vector<1x128xf32>
    %add3A_255 = vector.broadcast %slice3A_254 : vector<1x128xf32> to vector<2048x128xf32>
    %add3A_256 = arith.addf %slice3A_253, %add3A_255 : vector<2048x128xf32>
    %logistic3A_257 = arith.negf %add3A_256 : vector<2048x128xf32>
    %logistic3A_258 = math.exp %logistic3A_257 : vector<2048x128xf32>
    %logistic3A_259 = arith.constant 1.000000e+00 : f32
    %logistic3A_260 = vector.broadcast %logistic3A_259 : f32 to vector<2048x128xf32>
    %logistic3A_261 = arith.addf %logistic3A_260, %logistic3A_258 : vector<2048x128xf32>
    %logistic3A_262 = arith.divf %logistic3A_260, %logistic3A_261 : vector<2048x128xf32>
    %slice3A_263 = vector.extract_strided_slice %dot_general3A_252 {offsets = [0, 128], sizes = [2048, 128], strides = [1, 1]} : vector<2048x384xf32> to vector<2048x128xf32>
    %slice3A_264 = vector.extract_strided_slice %get3A_4 {offsets = [0, 128], sizes = [1, 128], strides = [1, 1]} : vector<1x384xf32> to vector<1x128xf32>
    %add3A_265 = vector.broadcast %slice3A_264 : vector<1x128xf32> to vector<2048x128xf32>
    %add3A_266 = arith.addf %slice3A_263, %add3A_265 : vector<2048x128xf32>
    %logistic3A_267 = arith.negf %add3A_266 : vector<2048x128xf32>
    %logistic3A_268 = math.exp %logistic3A_267 : vector<2048x128xf32>
    %logistic3A_269 = arith.constant 1.000000e+00 : f32
    %logistic3A_270 = vector.broadcast %logistic3A_269 : f32 to vector<2048x128xf32>
    %logistic3A_271 = arith.addf %logistic3A_270, %logistic3A_268 : vector<2048x128xf32>
    %logistic3A_272 = arith.divf %logistic3A_270, %logistic3A_271 : vector<2048x128xf32>
    %slice3A_273 = vector.extract_strided_slice %dot_general3A_252 {offsets = [0, 256], sizes = [2048, 128], strides = [1, 1]} : vector<2048x384xf32> to vector<2048x128xf32>
    %slice3A_274 = vector.extract_strided_slice %get3A_4 {offsets = [0, 256], sizes = [1, 128], strides = [1, 1]} : vector<1x384xf32> to vector<1x128xf32>
    %add3A_275 = vector.broadcast %slice3A_274 : vector<1x128xf32> to vector<2048x128xf32>
    %add3A_276 = arith.addf %slice3A_273, %add3A_275 : vector<2048x128xf32>
    %tanh3A_277 = math.tanh %add3A_276 : vector<2048x128xf32>
    %mul3A_278 = arith.mulf %logistic3A_262, %tanh3A_277 : vector<2048x128xf32>
    %add3A_279 = arith.addf %mul3A_278, %add3A_247 : vector<2048x128xf32>
    %tanh3A_280 = math.tanh %add3A_279 : vector<2048x128xf32>
    %mul3A_281 = arith.mulf %logistic3A_272, %tanh3A_280 : vector<2048x128xf32>
    %swap3A_282 = arith.constant 4096 : index
    %swap3A_283 = arith.constant 0 : index
    %swap3A_284 = vector.load %arg11[%swap3A_282, %swap3A_283] : memref<12288x128xf32, #tpu.memory_space<vmem>>, vector<2048x128xf32>
    tpu.vector_store %arg11[%swap3A_282, %swap3A_283], %mul3A_281 {strides = array<i32>} : memref<12288x128xf32, #tpu.memory_space<vmem>>, vector<2048x128xf32>,
    %swap3A_285 = arith.constant 4096 : index
    %swap3A_286 = arith.constant 0 : index
    %swap3A_287 = vector.load %arg12[%swap3A_285, %swap3A_286] : memref<12288x128xf32, #tpu.memory_space<vmem>>, vector<2048x128xf32>
    tpu.vector_store %arg12[%swap3A_285, %swap3A_286], %add3A_279 {strides = array<i32>} : memref<12288x128xf32, #tpu.memory_space<vmem>>, vector<2048x128xf32>,
    %get3A_288 = arith.constant 10240 : index
    %get3A_289 = arith.constant 0 : index
    %get3A_290 = vector.load %arg0[%get3A_288, %get3A_289] : memref<24576x128xf32, #tpu.memory_space<vmem>>, vector<2048x128xf32>
    %get3A_291 = arith.constant 14336 : index
    %get3A_292 = arith.constant 0 : index
    %get3A_293 = vector.load %arg0[%get3A_291, %get3A_292] : memref<24576x128xf32, #tpu.memory_space<vmem>>, vector<2048x128xf32>
    %concatenate3A_294 = tpu.concatenate %get3A_290, %get3A_293 in 0 : vector<2048x128xf32>, vector<2048x128xf32> -> vector<4096x128xf32>
    %dot_general3A_295 = arith.constant dense<0.000000e+00> : vector<4096x384xf32>
    %dot_general3A_296 = tpu.matmul %concatenate3A_294, %get3A_1, %dot_general3A_295 {dimension_numbers = #tpu.dot_dimension_numbers<[1], [0], [0], [1], [0, 0, 1, 1], [], []>, transpose_lhs_hint = false} : vector<4096x128xf32>, vector<128x384xf32>, vector<4096x384xf32> -> vector<4096x384xf32>
    %slice3A_297 = vector.extract_strided_slice %dot_general3A_296 {offsets = [0, 0], sizes = [4096, 128], strides = [1, 1]} : vector<4096x384xf32> to vector<4096x128xf32>
    %slice3A_298 = vector.extract_strided_slice %get3A_4 {offsets = [0, 0], sizes = [1, 128], strides = [1, 1]} : vector<1x384xf32> to vector<1x128xf32>
    %add3A_299 = vector.broadcast %slice3A_298 : vector<1x128xf32> to vector<4096x128xf32>
    %add3A_300 = arith.addf %slice3A_297, %add3A_299 : vector<4096x128xf32>
    %logistic3A_301 = arith.negf %add3A_300 : vector<4096x128xf32>
    %logistic3A_302 = math.exp %logistic3A_301 : vector<4096x128xf32>
    %logistic3A_303 = arith.constant 1.000000e+00 : f32
    %logistic3A_304 = vector.broadcast %logistic3A_303 : f32 to vector<4096x128xf32>
    %logistic3A_305 = arith.addf %logistic3A_304, %logistic3A_302 : vector<4096x128xf32>
    %logistic3A_306 = arith.divf %logistic3A_304, %logistic3A_305 : vector<4096x128xf32>
    %slice3A_307 = vector.extract_strided_slice %dot_general3A_296 {offsets = [0, 128], sizes = [4096, 128], strides = [1, 1]} : vector<4096x384xf32> to vector<4096x128xf32>
    %slice3A_308 = vector.extract_strided_slice %get3A_4 {offsets = [0, 128], sizes = [1, 128], strides = [1, 1]} : vector<1x384xf32> to vector<1x128xf32>
    %add3A_309 = vector.broadcast %slice3A_308 : vector<1x128xf32> to vector<4096x128xf32>
    %add3A_310 = arith.addf %slice3A_307, %add3A_309 : vector<4096x128xf32>
    %logistic3A_311 = arith.negf %add3A_310 : vector<4096x128xf32>
    %logistic3A_312 = math.exp %logistic3A_311 : vector<4096x128xf32>
    %logistic3A_313 = arith.constant 1.000000e+00 : f32
    %logistic3A_314 = vector.broadcast %logistic3A_313 : f32 to vector<4096x128xf32>
    %logistic3A_315 = arith.addf %logistic3A_314, %logistic3A_312 : vector<4096x128xf32>
    %logistic3A_316 = arith.divf %logistic3A_314, %logistic3A_315 : vector<4096x128xf32>
    %slice3A_317 = vector.extract_strided_slice %dot_general3A_296 {offsets = [0, 256], sizes = [4096, 128], strides = [1, 1]} : vector<4096x384xf32> to vector<4096x128xf32>
    %slice3A_318 = vector.extract_strided_slice %get3A_4 {offsets = [0, 256], sizes = [1, 128], strides = [1, 1]} : vector<1x384xf32> to vector<1x128xf32>
    %add3A_319 = vector.broadcast %slice3A_318 : vector<1x128xf32> to vector<4096x128xf32>
    %add3A_320 = arith.addf %slice3A_317, %add3A_319 : vector<4096x128xf32>
    %tanh3A_321 = math.tanh %add3A_320 : vector<4096x128xf32>
    %mul3A_322 = arith.mulf %logistic3A_306, %tanh3A_321 : vector<4096x128xf32>
    %add3A_323 = arith.constant 0.000000e+00 : f32
    %add3A_324 = vector.broadcast %add3A_323 : f32 to vector<4096x128xf32>
    %add3A_325 = arith.addf %mul3A_322, %add3A_324 : vector<4096x128xf32>
    %tanh3A_326 = math.tanh %add3A_325 : vector<4096x128xf32>
    %mul3A_327 = arith.mulf %logistic3A_316, %tanh3A_326 : vector<4096x128xf32>
    %dot_general3A_328 = arith.constant dense<0.000000e+00> : vector<4096x128xf32>
    %dot_general3A_329 = tpu.matmul %mul3A_327, %get3A_7, %dot_general3A_328 {dimension_numbers = #tpu.dot_dimension_numbers<[1], [0], [0], [1], [0, 0, 1, 1], [], []>, transpose_lhs_hint = false} : vector<4096x128xf32>, vector<128x128xf32>, vector<4096x128xf32> -> vector<4096x128xf32>
    %add3A_330 = vector.broadcast %get3A_13 : vector<1x128xf32> to vector<4096x128xf32>
    %add3A_331 = arith.addf %dot_general3A_329, %add3A_330 : vector<4096x128xf32>
    %logistic3A_332 = arith.negf %add3A_331 : vector<4096x128xf32>
    %logistic3A_333 = math.exp %logistic3A_332 : vector<4096x128xf32>
    %logistic3A_334 = arith.constant 1.000000e+00 : f32
    %logistic3A_335 = vector.broadcast %logistic3A_334 : f32 to vector<4096x128xf32>
    %logistic3A_336 = arith.addf %logistic3A_335, %logistic3A_333 : vector<4096x128xf32>
    %logistic3A_337 = arith.divf %logistic3A_335, %logistic3A_336 : vector<4096x128xf32>
    %mul3A_338 = arith.mulf %logistic3A_337, %add3A_325 : vector<4096x128xf32>
    %slice3A_339 = vector.extract_strided_slice %mul3A_338 {offsets = [0, 0], sizes = [2048, 128], strides = [1, 1]} : vector<4096x128xf32> to vector<2048x128xf32>
    %slice3A_340 = vector.extract_strided_slice %mul3A_338 {offsets = [2048, 0], sizes = [2048, 128], strides = [1, 1]} : vector<4096x128xf32> to vector<2048x128xf32>
    %add3A_341 = arith.addf %slice3A_339, %slice3A_340 : vector<2048x128xf32>
    %slice3A_342 = vector.extract_strided_slice %mul3A_327 {offsets = [0, 0], sizes = [2048, 128], strides = [1, 1]} : vector<4096x128xf32> to vector<2048x128xf32>
    %slice3A_343 = vector.extract_strided_slice %mul3A_327 {offsets = [2048, 0], sizes = [2048, 128], strides = [1, 1]} : vector<4096x128xf32> to vector<2048x128xf32>
    %add3A_344 = arith.addf %slice3A_342, %slice3A_343 : vector<2048x128xf32>
    %dot_general3A_345 = arith.constant dense<0.000000e+00> : vector<2048x384xf32>
    %dot_general3A_346 = tpu.matmul %add3A_344, %get3A_10, %dot_general3A_345 {dimension_numbers = #tpu.dot_dimension_numbers<[1], [0], [0], [1], [0, 0, 1, 1], [], []>, transpose_lhs_hint = false} : vector<2048x128xf32>, vector<128x384xf32>, vector<2048x384xf32> -> vector<2048x384xf32>
    %slice3A_347 = vector.extract_strided_slice %dot_general3A_346 {offsets = [0, 0], sizes = [2048, 128], strides = [1, 1]} : vector<2048x384xf32> to vector<2048x128xf32>
    %slice3A_348 = vector.extract_strided_slice %get3A_4 {offsets = [0, 0], sizes = [1, 128], strides = [1, 1]} : vector<1x384xf32> to vector<1x128xf32>
    %add3A_349 = vector.broadcast %slice3A_348 : vector<1x128xf32> to vector<2048x128xf32>
    %add3A_350 = arith.addf %slice3A_347, %add3A_349 : vector<2048x128xf32>
    %logistic3A_351 = arith.negf %add3A_350 : vector<2048x128xf32>
    %logistic3A_352 = math.exp %logistic3A_351 : vector<2048x128xf32>
    %logistic3A_353 = arith.constant 1.000000e+00 : f32
    %logistic3A_354 = vector.broadcast %logistic3A_353 : f32 to vector<2048x128xf32>
    %logistic3A_355 = arith.addf %logistic3A_354, %logistic3A_352 : vector<2048x128xf32>
    %logistic3A_356 = arith.divf %logistic3A_354, %logistic3A_355 : vector<2048x128xf32>
    %slice3A_357 = vector.extract_strided_slice %dot_general3A_346 {offsets = [0, 128], sizes = [2048, 128], strides = [1, 1]} : vector<2048x384xf32> to vector<2048x128xf32>
    %slice3A_358 = vector.extract_strided_slice %get3A_4 {offsets = [0, 128], sizes = [1, 128], strides = [1, 1]} : vector<1x384xf32> to vector<1x128xf32>
    %add3A_359 = vector.broadcast %slice3A_358 : vector<1x128xf32> to vector<2048x128xf32>
    %add3A_360 = arith.addf %slice3A_357, %add3A_359 : vector<2048x128xf32>
    %logistic3A_361 = arith.negf %add3A_360 : vector<2048x128xf32>
    %logistic3A_362 = math.exp %logistic3A_361 : vector<2048x128xf32>
    %logistic3A_363 = arith.constant 1.000000e+00 : f32
    %logistic3A_364 = vector.broadcast %logistic3A_363 : f32 to vector<2048x128xf32>
    %logistic3A_365 = arith.addf %logistic3A_364, %logistic3A_362 : vector<2048x128xf32>
    %logistic3A_366 = arith.divf %logistic3A_364, %logistic3A_365 : vector<2048x128xf32>
    %slice3A_367 = vector.extract_strided_slice %dot_general3A_346 {offsets = [0, 256], sizes = [2048, 128], strides = [1, 1]} : vector<2048x384xf32> to vector<2048x128xf32>
    %slice3A_368 = vector.extract_strided_slice %get3A_4 {offsets = [0, 256], sizes = [1, 128], strides = [1, 1]} : vector<1x384xf32> to vector<1x128xf32>
    %add3A_369 = vector.broadcast %slice3A_368 : vector<1x128xf32> to vector<2048x128xf32>
    %add3A_370 = arith.addf %slice3A_367, %add3A_369 : vector<2048x128xf32>
    %tanh3A_371 = math.tanh %add3A_370 : vector<2048x128xf32>
    %mul3A_372 = arith.mulf %logistic3A_356, %tanh3A_371 : vector<2048x128xf32>
    %add3A_373 = arith.addf %mul3A_372, %add3A_341 : vector<2048x128xf32>
    %tanh3A_374 = math.tanh %add3A_373 : vector<2048x128xf32>
    %mul3A_375 = arith.mulf %logistic3A_366, %tanh3A_374 : vector<2048x128xf32>
    %swap3A_376 = arith.constant 6144 : index
    %swap3A_377 = arith.constant 0 : index
    %swap3A_378 = vector.load %arg11[%swap3A_376, %swap3A_377] : memref<12288x128xf32, #tpu.memory_space<vmem>>, vector<2048x128xf32>
    tpu.vector_store %arg11[%swap3A_376, %swap3A_377], %mul3A_375 {strides = array<i32>} : memref<12288x128xf32, #tpu.memory_space<vmem>>, vector<2048x128xf32>,
    %swap3A_379 = arith.constant 6144 : index
    %swap3A_380 = arith.constant 0 : index
    %swap3A_381 = vector.load %arg12[%swap3A_379, %swap3A_380] : memref<12288x128xf32, #tpu.memory_space<vmem>>, vector<2048x128xf32>
    tpu.vector_store %arg12[%swap3A_379, %swap3A_380], %add3A_373 {strides = array<i32>} : memref<12288x128xf32, #tpu.memory_space<vmem>>, vector<2048x128xf32>,
    %get3A_382 = arith.constant 16384 : index
    %get3A_383 = arith.constant 0 : index
    %get3A_384 = vector.load %arg0[%get3A_382, %get3A_383] : memref<24576x128xf32, #tpu.memory_space<vmem>>, vector<2048x128xf32>
    %get3A_385 = arith.constant 20480 : index
    %get3A_386 = arith.constant 0 : index
    %get3A_387 = vector.load %arg0[%get3A_385, %get3A_386] : memref<24576x128xf32, #tpu.memory_space<vmem>>, vector<2048x128xf32>
    %concatenate3A_388 = tpu.concatenate %get3A_384, %get3A_387 in 0 : vector<2048x128xf32>, vector<2048x128xf32> -> vector<4096x128xf32>
    %dot_general3A_389 = arith.constant dense<0.000000e+00> : vector<4096x384xf32>
    %dot_general3A_390 = tpu.matmul %concatenate3A_388, %get3A_1, %dot_general3A_389 {dimension_numbers = #tpu.dot_dimension_numbers<[1], [0], [0], [1], [0, 0, 1, 1], [], []>, transpose_lhs_hint = false} : vector<4096x128xf32>, vector<128x384xf32>, vector<4096x384xf32> -> vector<4096x384xf32>
    %slice3A_391 = vector.extract_strided_slice %dot_general3A_390 {offsets = [0, 0], sizes = [4096, 128], strides = [1, 1]} : vector<4096x384xf32> to vector<4096x128xf32>
    %slice3A_392 = vector.extract_strided_slice %get3A_4 {offsets = [0, 0], sizes = [1, 128], strides = [1, 1]} : vector<1x384xf32> to vector<1x128xf32>
    %add3A_393 = vector.broadcast %slice3A_392 : vector<1x128xf32> to vector<4096x128xf32>
    %add3A_394 = arith.addf %slice3A_391, %add3A_393 : vector<4096x128xf32>
    %logistic3A_395 = arith.negf %add3A_394 : vector<4096x128xf32>
    %logistic3A_396 = math.exp %logistic3A_395 : vector<4096x128xf32>
    %logistic3A_397 = arith.constant 1.000000e+00 : f32
    %logistic3A_398 = vector.broadcast %logistic3A_397 : f32 to vector<4096x128xf32>
    %logistic3A_399 = arith.addf %logistic3A_398, %logistic3A_396 : vector<4096x128xf32>
    %logistic3A_400 = arith.divf %logistic3A_398, %logistic3A_399 : vector<4096x128xf32>
    %slice3A_401 = vector.extract_strided_slice %dot_general3A_390 {offsets = [0, 128], sizes = [4096, 128], strides = [1, 1]} : vector<4096x384xf32> to vector<4096x128xf32>
    %slice3A_402 = vector.extract_strided_slice %get3A_4 {offsets = [0, 128], sizes = [1, 128], strides = [1, 1]} : vector<1x384xf32> to vector<1x128xf32>
    %add3A_403 = vector.broadcast %slice3A_402 : vector<1x128xf32> to vector<4096x128xf32>
    %add3A_404 = arith.addf %slice3A_401, %add3A_403 : vector<4096x128xf32>
    %logistic3A_405 = arith.negf %add3A_404 : vector<4096x128xf32>
    %logistic3A_406 = math.exp %logistic3A_405 : vector<4096x128xf32>
    %logistic3A_407 = arith.constant 1.000000e+00 : f32
    %logistic3A_408 = vector.broadcast %logistic3A_407 : f32 to vector<4096x128xf32>
    %logistic3A_409 = arith.addf %logistic3A_408, %logistic3A_406 : vector<4096x128xf32>
    %logistic3A_410 = arith.divf %logistic3A_408, %logistic3A_409 : vector<4096x128xf32>
    %slice3A_411 = vector.extract_strided_slice %dot_general3A_390 {offsets = [0, 256], sizes = [4096, 128], strides = [1, 1]} : vector<4096x384xf32> to vector<4096x128xf32>
    %slice3A_412 = vector.extract_strided_slice %get3A_4 {offsets = [0, 256], sizes = [1, 128], strides = [1, 1]} : vector<1x384xf32> to vector<1x128xf32>
    %add3A_413 = vector.broadcast %slice3A_412 : vector<1x128xf32> to vector<4096x128xf32>
    %add3A_414 = arith.addf %slice3A_411, %add3A_413 : vector<4096x128xf32>
    %tanh3A_415 = math.tanh %add3A_414 : vector<4096x128xf32>
    %mul3A_416 = arith.mulf %logistic3A_400, %tanh3A_415 : vector<4096x128xf32>
    %add3A_417 = arith.constant 0.000000e+00 : f32
    %add3A_418 = vector.broadcast %add3A_417 : f32 to vector<4096x128xf32>
    %add3A_419 = arith.addf %mul3A_416, %add3A_418 : vector<4096x128xf32>
    %tanh3A_420 = math.tanh %add3A_419 : vector<4096x128xf32>
    %mul3A_421 = arith.mulf %logistic3A_410, %tanh3A_420 : vector<4096x128xf32>
    %dot_general3A_422 = arith.constant dense<0.000000e+00> : vector<4096x128xf32>
    %dot_general3A_423 = tpu.matmul %mul3A_421, %get3A_7, %dot_general3A_422 {dimension_numbers = #tpu.dot_dimension_numbers<[1], [0], [0], [1], [0, 0, 1, 1], [], []>, transpose_lhs_hint = false} : vector<4096x128xf32>, vector<128x128xf32>, vector<4096x128xf32> -> vector<4096x128xf32>
    %add3A_424 = vector.broadcast %get3A_13 : vector<1x128xf32> to vector<4096x128xf32>
    %add3A_425 = arith.addf %dot_general3A_423, %add3A_424 : vector<4096x128xf32>
    %logistic3A_426 = arith.negf %add3A_425 : vector<4096x128xf32>
    %logistic3A_427 = math.exp %logistic3A_426 : vector<4096x128xf32>
    %logistic3A_428 = arith.constant 1.000000e+00 : f32
    %logistic3A_429 = vector.broadcast %logistic3A_428 : f32 to vector<4096x128xf32>
    %logistic3A_430 = arith.addf %logistic3A_429, %logistic3A_427 : vector<4096x128xf32>
    %logistic3A_431 = arith.divf %logistic3A_429, %logistic3A_430 : vector<4096x128xf32>
    %mul3A_432 = arith.mulf %logistic3A_431, %add3A_419 : vector<4096x128xf32>
    %slice3A_433 = vector.extract_strided_slice %mul3A_432 {offsets = [0, 0], sizes = [2048, 128], strides = [1, 1]} : vector<4096x128xf32> to vector<2048x128xf32>
    %slice3A_434 = vector.extract_strided_slice %mul3A_432 {offsets = [2048, 0], sizes = [2048, 128], strides = [1, 1]} : vector<4096x128xf32> to vector<2048x128xf32>
    %add3A_435 = arith.addf %slice3A_433, %slice3A_434 : vector<2048x128xf32>
    %slice3A_436 = vector.extract_strided_slice %mul3A_421 {offsets = [0, 0], sizes = [2048, 128], strides = [1, 1]} : vector<4096x128xf32> to vector<2048x128xf32>
    %slice3A_437 = vector.extract_strided_slice %mul3A_421 {offsets = [2048, 0], sizes = [2048, 128], strides = [1, 1]} : vector<4096x128xf32> to vector<2048x128xf32>
    %add3A_438 = arith.addf %slice3A_436, %slice3A_437 : vector<2048x128xf32>
    %dot_general3A_439 = arith.constant dense<0.000000e+00> : vector<2048x384xf32>
    %dot_general3A_440 = tpu.matmul %add3A_438, %get3A_10, %dot_general3A_439 {dimension_numbers = #tpu.dot_dimension_numbers<[1], [0], [0], [1], [0, 0, 1, 1], [], []>, transpose_lhs_hint = false} : vector<2048x128xf32>, vector<128x384xf32>, vector<2048x384xf32> -> vector<2048x384xf32>
    %slice3A_441 = vector.extract_strided_slice %dot_general3A_440 {offsets = [0, 0], sizes = [2048, 128], strides = [1, 1]} : vector<2048x384xf32> to vector<2048x128xf32>
    %slice3A_442 = vector.extract_strided_slice %get3A_4 {offsets = [0, 0], sizes = [1, 128], strides = [1, 1]} : vector<1x384xf32> to vector<1x128xf32>
    %add3A_443 = vector.broadcast %slice3A_442 : vector<1x128xf32> to vector<2048x128xf32>
    %add3A_444 = arith.addf %slice3A_441, %add3A_443 : vector<2048x128xf32>
    %logistic3A_445 = arith.negf %add3A_444 : vector<2048x128xf32>
    %logistic3A_446 = math.exp %logistic3A_445 : vector<2048x128xf32>
    %logistic3A_447 = arith.constant 1.000000e+00 : f32
    %logistic3A_448 = vector.broadcast %logistic3A_447 : f32 to vector<2048x128xf32>
    %logistic3A_449 = arith.addf %logistic3A_448, %logistic3A_446 : vector<2048x128xf32>
    %logistic3A_450 = arith.divf %logistic3A_448, %logistic3A_449 : vector<2048x128xf32>
    %slice3A_451 = vector.extract_strided_slice %dot_general3A_440 {offsets = [0, 128], sizes = [2048, 128], strides = [1, 1]} : vector<2048x384xf32> to vector<2048x128xf32>
    %slice3A_452 = vector.extract_strided_slice %get3A_4 {offsets = [0, 128], sizes = [1, 128], strides = [1, 1]} : vector<1x384xf32> to vector<1x128xf32>
    %add3A_453 = vector.broadcast %slice3A_452 : vector<1x128xf32> to vector<2048x128xf32>
    %add3A_454 = arith.addf %slice3A_451, %add3A_453 : vector<2048x128xf32>
    %logistic3A_455 = arith.negf %add3A_454 : vector<2048x128xf32>
    %logistic3A_456 = math.exp %logistic3A_455 : vector<2048x128xf32>
    %logistic3A_457 = arith.constant 1.000000e+00 : f32
    %logistic3A_458 = vector.broadcast %logistic3A_457 : f32 to vector<2048x128xf32>
    %logistic3A_459 = arith.addf %logistic3A_458, %logistic3A_456 : vector<2048x128xf32>
    %logistic3A_460 = arith.divf %logistic3A_458, %logistic3A_459 : vector<2048x128xf32>
    %slice3A_461 = vector.extract_strided_slice %dot_general3A_440 {offsets = [0, 256], sizes = [2048, 128], strides = [1, 1]} : vector<2048x384xf32> to vector<2048x128xf32>
    %slice3A_462 = vector.extract_strided_slice %get3A_4 {offsets = [0, 256], sizes = [1, 128], strides = [1, 1]} : vector<1x384xf32> to vector<1x128xf32>
    %add3A_463 = vector.broadcast %slice3A_462 : vector<1x128xf32> to vector<2048x128xf32>
    %add3A_464 = arith.addf %slice3A_461, %add3A_463 : vector<2048x128xf32>
    %tanh3A_465 = math.tanh %add3A_464 : vector<2048x128xf32>
    %mul3A_466 = arith.mulf %logistic3A_450, %tanh3A_465 : vector<2048x128xf32>
    %add3A_467 = arith.addf %mul3A_466, %add3A_435 : vector<2048x128xf32>
    %tanh3A_468 = math.tanh %add3A_467 : vector<2048x128xf32>
    %mul3A_469 = arith.mulf %logistic3A_460, %tanh3A_468 : vector<2048x128xf32>
    %swap3A_470 = arith.constant 8192 : index
    %swap3A_471 = arith.constant 0 : index
    %swap3A_472 = vector.load %arg11[%swap3A_470, %swap3A_471] : memref<12288x128xf32, #tpu.memory_space<vmem>>, vector<2048x128xf32>
    tpu.vector_store %arg11[%swap3A_470, %swap3A_471], %mul3A_469 {strides = array<i32>} : memref<12288x128xf32, #tpu.memory_space<vmem>>, vector<2048x128xf32>,
    %swap3A_473 = arith.constant 8192 : index
    %swap3A_474 = arith.constant 0 : index
    %swap3A_475 = vector.load %arg12[%swap3A_473, %swap3A_474] : memref<12288x128xf32, #tpu.memory_space<vmem>>, vector<2048x128xf32>
    tpu.vector_store %arg12[%swap3A_473, %swap3A_474], %add3A_467 {strides = array<i32>} : memref<12288x128xf32, #tpu.memory_space<vmem>>, vector<2048x128xf32>,
    %get3A_476 = arith.constant 18432 : index
    %get3A_477 = arith.constant 0 : index
    %get3A_478 = vector.load %arg0[%get3A_476, %get3A_477] : memref<24576x128xf32, #tpu.memory_space<vmem>>, vector<2048x128xf32>
    %get3A_479 = arith.constant 22528 : index
    %get3A_480 = arith.constant 0 : index
    %get3A_481 = vector.load %arg0[%get3A_479, %get3A_480] : memref<24576x128xf32, #tpu.memory_space<vmem>>, vector<2048x128xf32>
    %concatenate3A_482 = tpu.concatenate %get3A_478, %get3A_481 in 0 : vector<2048x128xf32>, vector<2048x128xf32> -> vector<4096x128xf32>
    %dot_general3A_483 = arith.constant dense<0.000000e+00> : vector<4096x384xf32>
    %dot_general3A_484 = tpu.matmul %concatenate3A_482, %get3A_1, %dot_general3A_483 {dimension_numbers = #tpu.dot_dimension_numbers<[1], [0], [0], [1], [0, 0, 1, 1], [], []>, transpose_lhs_hint = false} : vector<4096x128xf32>, vector<128x384xf32>, vector<4096x384xf32> -> vector<4096x384xf32>
    %slice3A_485 = vector.extract_strided_slice %dot_general3A_484 {offsets = [0, 0], sizes = [4096, 128], strides = [1, 1]} : vector<4096x384xf32> to vector<4096x128xf32>
    %slice3A_486 = vector.extract_strided_slice %get3A_4 {offsets = [0, 0], sizes = [1, 128], strides = [1, 1]} : vector<1x384xf32> to vector<1x128xf32>
    %add3A_487 = vector.broadcast %slice3A_486 : vector<1x128xf32> to vector<4096x128xf32>
    %add3A_488 = arith.addf %slice3A_485, %add3A_487 : vector<4096x128xf32>
    %logistic3A_489 = arith.negf %add3A_488 : vector<4096x128xf32>
    %logistic3A_490 = math.exp %logistic3A_489 : vector<4096x128xf32>
    %logistic3A_491 = arith.constant 1.000000e+00 : f32
    %logistic3A_492 = vector.broadcast %logistic3A_491 : f32 to vector<4096x128xf32>
    %logistic3A_493 = arith.addf %logistic3A_492, %logistic3A_490 : vector<4096x128xf32>
    %logistic3A_494 = arith.divf %logistic3A_492, %logistic3A_493 : vector<4096x128xf32>
    %slice3A_495 = vector.extract_strided_slice %dot_general3A_484 {offsets = [0, 128], sizes = [4096, 128], strides = [1, 1]} : vector<4096x384xf32> to vector<4096x128xf32>
    %slice3A_496 = vector.extract_strided_slice %get3A_4 {offsets = [0, 128], sizes = [1, 128], strides = [1, 1]} : vector<1x384xf32> to vector<1x128xf32>
    %add3A_497 = vector.broadcast %slice3A_496 : vector<1x128xf32> to vector<4096x128xf32>
    %add3A_498 = arith.addf %slice3A_495, %add3A_497 : vector<4096x128xf32>
    %logistic3A_499 = arith.negf %add3A_498 : vector<4096x128xf32>
    %logistic3A_500 = math.exp %logistic3A_499 : vector<4096x128xf32>
    %logistic3A_501 = arith.constant 1.000000e+00 : f32
    %logistic3A_502 = vector.broadcast %logistic3A_501 : f32 to vector<4096x128xf32>
    %logistic3A_503 = arith.addf %logistic3A_502, %logistic3A_500 : vector<4096x128xf32>
    %logistic3A_504 = arith.divf %logistic3A_502, %logistic3A_503 : vector<4096x128xf32>
    %slice3A_505 = vector.extract_strided_slice %dot_general3A_484 {offsets = [0, 256], sizes = [4096, 128], strides = [1, 1]} : vector<4096x384xf32> to vector<4096x128xf32>
    %slice3A_506 = vector.extract_strided_slice %get3A_4 {offsets = [0, 256], sizes = [1, 128], strides = [1, 1]} : vector<1x384xf32> to vector<1x128xf32>
    %add3A_507 = vector.broadcast %slice3A_506 : vector<1x128xf32> to vector<4096x128xf32>
    %add3A_508 = arith.addf %slice3A_505, %add3A_507 : vector<4096x128xf32>
    %tanh3A_509 = math.tanh %add3A_508 : vector<4096x128xf32>
    %mul3A_510 = arith.mulf %logistic3A_494, %tanh3A_509 : vector<4096x128xf32>
    %add3A_511 = arith.constant 0.000000e+00 : f32
    %add3A_512 = vector.broadcast %add3A_511 : f32 to vector<4096x128xf32>
    %add3A_513 = arith.addf %mul3A_510, %add3A_512 : vector<4096x128xf32>
    %tanh3A_514 = math.tanh %add3A_513 : vector<4096x128xf32>
    %mul3A_515 = arith.mulf %logistic3A_504, %tanh3A_514 : vector<4096x128xf32>
    %dot_general3A_516 = arith.constant dense<0.000000e+00> : vector<4096x128xf32>
    %dot_general3A_517 = tpu.matmul %mul3A_515, %get3A_7, %dot_general3A_516 {dimension_numbers = #tpu.dot_dimension_numbers<[1], [0], [0], [1], [0, 0, 1, 1], [], []>, transpose_lhs_hint = false} : vector<4096x128xf32>, vector<128x128xf32>, vector<4096x128xf32> -> vector<4096x128xf32>
    %add3A_518 = vector.broadcast %get3A_13 : vector<1x128xf32> to vector<4096x128xf32>
    %add3A_519 = arith.addf %dot_general3A_517, %add3A_518 : vector<4096x128xf32>
    %logistic3A_520 = arith.negf %add3A_519 : vector<4096x128xf32>
    %logistic3A_521 = math.exp %logistic3A_520 : vector<4096x128xf32>
    %logistic3A_522 = arith.constant 1.000000e+00 : f32
    %logistic3A_523 = vector.broadcast %logistic3A_522 : f32 to vector<4096x128xf32>
    %logistic3A_524 = arith.addf %logistic3A_523, %logistic3A_521 : vector<4096x128xf32>
    %logistic3A_525 = arith.divf %logistic3A_523, %logistic3A_524 : vector<4096x128xf32>
    %mul3A_526 = arith.mulf %logistic3A_525, %add3A_513 : vector<4096x128xf32>
    %slice3A_527 = vector.extract_strided_slice %mul3A_526 {offsets = [0, 0], sizes = [2048, 128], strides = [1, 1]} : vector<4096x128xf32> to vector<2048x128xf32>
    %slice3A_528 = vector.extract_strided_slice %mul3A_526 {offsets = [2048, 0], sizes = [2048, 128], strides = [1, 1]} : vector<4096x128xf32> to vector<2048x128xf32>
    %add3A_529 = arith.addf %slice3A_527, %slice3A_528 : vector<2048x128xf32>
    %slice3A_530 = vector.extract_strided_slice %mul3A_515 {offsets = [0, 0], sizes = [2048, 128], strides = [1, 1]} : vector<4096x128xf32> to vector<2048x128xf32>
    %slice3A_531 = vector.extract_strided_slice %mul3A_515 {offsets = [2048, 0], sizes = [2048, 128], strides = [1, 1]} : vector<4096x128xf32> to vector<2048x128xf32>
    %add3A_532 = arith.addf %slice3A_530, %slice3A_531 : vector<2048x128xf32>
    %dot_general3A_533 = arith.constant dense<0.000000e+00> : vector<2048x384xf32>
    %dot_general3A_534 = tpu.matmul %add3A_532, %get3A_10, %dot_general3A_533 {dimension_numbers = #tpu.dot_dimension_numbers<[1], [0], [0], [1], [0, 0, 1, 1], [], []>, transpose_lhs_hint = false} : vector<2048x128xf32>, vector<128x384xf32>, vector<2048x384xf32> -> vector<2048x384xf32>
    %slice3A_535 = vector.extract_strided_slice %dot_general3A_534 {offsets = [0, 0], sizes = [2048, 128], strides = [1, 1]} : vector<2048x384xf32> to vector<2048x128xf32>
    %slice3A_536 = vector.extract_strided_slice %get3A_4 {offsets = [0, 0], sizes = [1, 128], strides = [1, 1]} : vector<1x384xf32> to vector<1x128xf32>
    %add3A_537 = vector.broadcast %slice3A_536 : vector<1x128xf32> to vector<2048x128xf32>
    %add3A_538 = arith.addf %slice3A_535, %add3A_537 : vector<2048x128xf32>
    %logistic3A_539 = arith.negf %add3A_538 : vector<2048x128xf32>
    %logistic3A_540 = math.exp %logistic3A_539 : vector<2048x128xf32>
    %logistic3A_541 = arith.constant 1.000000e+00 : f32
    %logistic3A_542 = vector.broadcast %logistic3A_541 : f32 to vector<2048x128xf32>
    %logistic3A_543 = arith.addf %logistic3A_542, %logistic3A_540 : vector<2048x128xf32>
    %logistic3A_544 = arith.divf %logistic3A_542, %logistic3A_543 : vector<2048x128xf32>
    %slice3A_545 = vector.extract_strided_slice %dot_general3A_534 {offsets = [0, 128], sizes = [2048, 128], strides = [1, 1]} : vector<2048x384xf32> to vector<2048x128xf32>
    %slice3A_546 = vector.extract_strided_slice %get3A_4 {offsets = [0, 128], sizes = [1, 128], strides = [1, 1]} : vector<1x384xf32> to vector<1x128xf32>
    %add3A_547 = vector.broadcast %slice3A_546 : vector<1x128xf32> to vector<2048x128xf32>
    %add3A_548 = arith.addf %slice3A_545, %add3A_547 : vector<2048x128xf32>
    %logistic3A_549 = arith.negf %add3A_548 : vector<2048x128xf32>
    %logistic3A_550 = math.exp %logistic3A_549 : vector<2048x128xf32>
    %logistic3A_551 = arith.constant 1.000000e+00 : f32
    %logistic3A_552 = vector.broadcast %logistic3A_551 : f32 to vector<2048x128xf32>
    %logistic3A_553 = arith.addf %logistic3A_552, %logistic3A_550 : vector<2048x128xf32>
    %logistic3A_554 = arith.divf %logistic3A_552, %logistic3A_553 : vector<2048x128xf32>
    %slice3A_555 = vector.extract_strided_slice %dot_general3A_534 {offsets = [0, 256], sizes = [2048, 128], strides = [1, 1]} : vector<2048x384xf32> to vector<2048x128xf32>
    %slice3A_556 = vector.extract_strided_slice %get3A_4 {offsets = [0, 256], sizes = [1, 128], strides = [1, 1]} : vector<1x384xf32> to vector<1x128xf32>
    %add3A_557 = vector.broadcast %slice3A_556 : vector<1x128xf32> to vector<2048x128xf32>
    %add3A_558 = arith.addf %slice3A_555, %add3A_557 : vector<2048x128xf32>
    %tanh3A_559 = math.tanh %add3A_558 : vector<2048x128xf32>
    %mul3A_560 = arith.mulf %logistic3A_544, %tanh3A_559 : vector<2048x128xf32>
    %add3A_561 = arith.addf %mul3A_560, %add3A_529 : vector<2048x128xf32>
    %tanh3A_562 = math.tanh %add3A_561 : vector<2048x128xf32>
    %mul3A_563 = arith.mulf %logistic3A_554, %tanh3A_562 : vector<2048x128xf32>
    %swap3A_564 = arith.constant 10240 : index
    %swap3A_565 = arith.constant 0 : index
    %swap3A_566 = vector.load %arg11[%swap3A_564, %swap3A_565] : memref<12288x128xf32, #tpu.memory_space<vmem>>, vector<2048x128xf32>
    tpu.vector_store %arg11[%swap3A_564, %swap3A_565], %mul3A_563 {strides = array<i32>} : memref<12288x128xf32, #tpu.memory_space<vmem>>, vector<2048x128xf32>,
    %swap3A_567 = arith.constant 10240 : index
    %swap3A_568 = arith.constant 0 : index
    %swap3A_569 = vector.load %arg12[%swap3A_567, %swap3A_568] : memref<12288x128xf32, #tpu.memory_space<vmem>>, vector<2048x128xf32>
    tpu.vector_store %arg12[%swap3A_567, %swap3A_568], %add3A_561 {strides = array<i32>} : memref<12288x128xf32, #tpu.memory_space<vmem>>, vector<2048x128xf32>,
    %get3A_570 = arith.constant 0 : index
    %get3A_571 = arith.constant 0 : index
    %get3A_572 = vector.load %arg11[%get3A_570, %get3A_571] : memref<12288x128xf32, #tpu.memory_space<vmem>>, vector<2048x128xf32>
    %get3A_573 = arith.constant 2048 : index
    %get3A_574 = arith.constant 0 : index
    %get3A_575 = vector.load %arg11[%get3A_573, %get3A_574] : memref<12288x128xf32, #tpu.memory_space<vmem>>, vector<2048x128xf32>
    %get3A_576 = arith.constant 0 : index
    %get3A_577 = arith.constant 0 : index
    %get3A_578 = vector.load %arg12[%get3A_576, %get3A_577] : memref<12288x128xf32, #tpu.memory_space<vmem>>, vector<2048x128xf32>
    %get3A_579 = arith.constant 2048 : index
    %get3A_580 = arith.constant 0 : index
    %get3A_581 = vector.load %arg12[%get3A_579, %get3A_580] : memref<12288x128xf32, #tpu.memory_space<vmem>>, vector<2048x128xf32>
    %concatenate3A_582 = tpu.concatenate %get3A_572, %get3A_575 in 0 : vector<2048x128xf32>, vector<2048x128xf32> -> vector<4096x128xf32>
    %concatenate3A_583 = tpu.concatenate %get3A_578, %get3A_581 in 0 : vector<2048x128xf32>, vector<2048x128xf32> -> vector<4096x128xf32>
    %dot_general3A_584 = arith.constant dense<0.000000e+00> : vector<4096x128xf32>
    %dot_general3A_585 = tpu.matmul %concatenate3A_582, %get3A_7, %dot_general3A_584 {dimension_numbers = #tpu.dot_dimension_numbers<[1], [0], [0], [1], [0, 0, 1, 1], [], []>, transpose_lhs_hint = false} : vector<4096x128xf32>, vector<128x128xf32>, vector<4096x128xf32> -> vector<4096x128xf32>
    %add3A_586 = vector.broadcast %get3A_13 : vector<1x128xf32> to vector<4096x128xf32>
    %add3A_587 = arith.addf %dot_general3A_585, %add3A_586 : vector<4096x128xf32>
    %logistic3A_588 = arith.negf %add3A_587 : vector<4096x128xf32>
    %logistic3A_589 = math.exp %logistic3A_588 : vector<4096x128xf32>
    %logistic3A_590 = arith.constant 1.000000e+00 : f32
    %logistic3A_591 = vector.broadcast %logistic3A_590 : f32 to vector<4096x128xf32>
    %logistic3A_592 = arith.addf %logistic3A_591, %logistic3A_589 : vector<4096x128xf32>
    %logistic3A_593 = arith.divf %logistic3A_591, %logistic3A_592 : vector<4096x128xf32>
    %mul3A_594 = arith.mulf %logistic3A_593, %concatenate3A_583 : vector<4096x128xf32>
    %slice3A_595 = vector.extract_strided_slice %mul3A_594 {offsets = [0, 0], sizes = [2048, 128], strides = [1, 1]} : vector<4096x128xf32> to vector<2048x128xf32>
    %slice3A_596 = vector.extract_strided_slice %mul3A_594 {offsets = [2048, 0], sizes = [2048, 128], strides = [1, 1]} : vector<4096x128xf32> to vector<2048x128xf32>
    %add3A_597 = arith.addf %slice3A_595, %slice3A_596 : vector<2048x128xf32>
    %add3A_598 = arith.addf %get3A_572, %get3A_575 : vector<2048x128xf32>
    %dot_general3A_599 = arith.constant dense<0.000000e+00> : vector<2048x384xf32>
    %dot_general3A_600 = tpu.matmul %add3A_598, %get3A_10, %dot_general3A_599 {dimension_numbers = #tpu.dot_dimension_numbers<[1], [0], [0], [1], [0, 0, 1, 1], [], []>, transpose_lhs_hint = false} : vector<2048x128xf32>, vector<128x384xf32>, vector<2048x384xf32> -> vector<2048x384xf32>
    %slice3A_601 = vector.extract_strided_slice %dot_general3A_600 {offsets = [0, 0], sizes = [2048, 128], strides = [1, 1]} : vector<2048x384xf32> to vector<2048x128xf32>
    %slice3A_602 = vector.extract_strided_slice %get3A_4 {offsets = [0, 0], sizes = [1, 128], strides = [1, 1]} : vector<1x384xf32> to vector<1x128xf32>
    %add3A_603 = vector.broadcast %slice3A_602 : vector<1x128xf32> to vector<2048x128xf32>
    %add3A_604 = arith.addf %slice3A_601, %add3A_603 : vector<2048x128xf32>
    %logistic3A_605 = arith.negf %add3A_604 : vector<2048x128xf32>
    %logistic3A_606 = math.exp %logistic3A_605 : vector<2048x128xf32>
    %logistic3A_607 = arith.constant 1.000000e+00 : f32
    %logistic3A_608 = vector.broadcast %logistic3A_607 : f32 to vector<2048x128xf32>
    %logistic3A_609 = arith.addf %logistic3A_608, %logistic3A_606 : vector<2048x128xf32>
    %logistic3A_610 = arith.divf %logistic3A_608, %logistic3A_609 : vector<2048x128xf32>
    %slice3A_611 = vector.extract_strided_slice %dot_general3A_600 {offsets = [0, 128], sizes = [2048, 128], strides = [1, 1]} : vector<2048x384xf32> to vector<2048x128xf32>
    %slice3A_612 = vector.extract_strided_slice %get3A_4 {offsets = [0, 128], sizes = [1, 128], strides = [1, 1]} : vector<1x384xf32> to vector<1x128xf32>
    %add3A_613 = vector.broadcast %slice3A_612 : vector<1x128xf32> to vector<2048x128xf32>
    %add3A_614 = arith.addf %slice3A_611, %add3A_613 : vector<2048x128xf32>
    %logistic3A_615 = arith.negf %add3A_614 : vector<2048x128xf32>
    %logistic3A_616 = math.exp %logistic3A_615 : vector<2048x128xf32>
    %logistic3A_617 = arith.constant 1.000000e+00 : f32
    %logistic3A_618 = vector.broadcast %logistic3A_617 : f32 to vector<2048x128xf32>
    %logistic3A_619 = arith.addf %logistic3A_618, %logistic3A_616 : vector<2048x128xf32>
    %logistic3A_620 = arith.divf %logistic3A_618, %logistic3A_619 : vector<2048x128xf32>
    %slice3A_621 = vector.extract_strided_slice %dot_general3A_600 {offsets = [0, 256], sizes = [2048, 128], strides = [1, 1]} : vector<2048x384xf32> to vector<2048x128xf32>
    %slice3A_622 = vector.extract_strided_slice %get3A_4 {offsets = [0, 256], sizes = [1, 128], strides = [1, 1]} : vector<1x384xf32> to vector<1x128xf32>
    %add3A_623 = vector.broadcast %slice3A_622 : vector<1x128xf32> to vector<2048x128xf32>
    %add3A_624 = arith.addf %slice3A_621, %add3A_623 : vector<2048x128xf32>
    %tanh3A_625 = math.tanh %add3A_624 : vector<2048x128xf32>
    %mul3A_626 = arith.mulf %logistic3A_610, %tanh3A_625 : vector<2048x128xf32>
    %add3A_627 = arith.addf %mul3A_626, %add3A_597 : vector<2048x128xf32>
    %tanh3A_628 = math.tanh %add3A_627 : vector<2048x128xf32>
    %mul3A_629 = arith.mulf %logistic3A_620, %tanh3A_628 : vector<2048x128xf32>
    %swap3A_630 = arith.constant 0 : index
    %swap3A_631 = arith.constant 0 : index
    %swap3A_632 = vector.load %arg13[%swap3A_630, %swap3A_631] : memref<6144x128xf32, #tpu.memory_space<vmem>>, vector<2048x128xf32>
    tpu.vector_store %arg13[%swap3A_630, %swap3A_631], %mul3A_629 {strides = array<i32>} : memref<6144x128xf32, #tpu.memory_space<vmem>>, vector<2048x128xf32>,
    %swap3A_633 = arith.constant 0 : index
    %swap3A_634 = arith.constant 0 : index
    %swap3A_635 = vector.load %arg14[%swap3A_633, %swap3A_634] : memref<6144x128xf32, #tpu.memory_space<vmem>>, vector<2048x128xf32>
    tpu.vector_store %arg14[%swap3A_633, %swap3A_634], %add3A_627 {strides = array<i32>} : memref<6144x128xf32, #tpu.memory_space<vmem>>, vector<2048x128xf32>,
    %get3A_636 = arith.constant 4096 : index
    %get3A_637 = arith.constant 0 : index
    %get3A_638 = vector.load %arg11[%get3A_636, %get3A_637] : memref<12288x128xf32, #tpu.memory_space<vmem>>, vector<2048x128xf32>
    %get3A_639 = arith.constant 6144 : index
    %get3A_640 = arith.constant 0 : index
    %get3A_641 = vector.load %arg11[%get3A_639, %get3A_640] : memref<12288x128xf32, #tpu.memory_space<vmem>>, vector<2048x128xf32>
    %get3A_642 = arith.constant 4096 : index
    %get3A_643 = arith.constant 0 : index
    %get3A_644 = vector.load %arg12[%get3A_642, %get3A_643] : memref<12288x128xf32, #tpu.memory_space<vmem>>, vector<2048x128xf32>
    %get3A_645 = arith.constant 6144 : index
    %get3A_646 = arith.constant 0 : index
    %get3A_647 = vector.load %arg12[%get3A_645, %get3A_646] : memref<12288x128xf32, #tpu.memory_space<vmem>>, vector<2048x128xf32>
    %concatenate3A_648 = tpu.concatenate %get3A_638, %get3A_641 in 0 : vector<2048x128xf32>, vector<2048x128xf32> -> vector<4096x128xf32>
    %concatenate3A_649 = tpu.concatenate %get3A_644, %get3A_647 in 0 : vector<2048x128xf32>, vector<2048x128xf32> -> vector<4096x128xf32>
    %dot_general3A_650 = arith.constant dense<0.000000e+00> : vector<4096x128xf32>
    %dot_general3A_651 = tpu.matmul %concatenate3A_648, %get3A_7, %dot_general3A_650 {dimension_numbers = #tpu.dot_dimension_numbers<[1], [0], [0], [1], [0, 0, 1, 1], [], []>, transpose_lhs_hint = false} : vector<4096x128xf32>, vector<128x128xf32>, vector<4096x128xf32> -> vector<4096x128xf32>
    %add3A_652 = vector.broadcast %get3A_13 : vector<1x128xf32> to vector<4096x128xf32>
    %add3A_653 = arith.addf %dot_general3A_651, %add3A_652 : vector<4096x128xf32>
    %logistic3A_654 = arith.negf %add3A_653 : vector<4096x128xf32>
    %logistic3A_655 = math.exp %logistic3A_654 : vector<4096x128xf32>
    %logistic3A_656 = arith.constant 1.000000e+00 : f32
    %logistic3A_657 = vector.broadcast %logistic3A_656 : f32 to vector<4096x128xf32>
    %logistic3A_658 = arith.addf %logistic3A_657, %logistic3A_655 : vector<4096x128xf32>
    %logistic3A_659 = arith.divf %logistic3A_657, %logistic3A_658 : vector<4096x128xf32>
    %mul3A_660 = arith.mulf %logistic3A_659, %concatenate3A_649 : vector<4096x128xf32>
    %slice3A_661 = vector.extract_strided_slice %mul3A_660 {offsets = [0, 0], sizes = [2048, 128], strides = [1, 1]} : vector<4096x128xf32> to vector<2048x128xf32>
    %slice3A_662 = vector.extract_strided_slice %mul3A_660 {offsets = [2048, 0], sizes = [2048, 128], strides = [1, 1]} : vector<4096x128xf32> to vector<2048x128xf32>
    %add3A_663 = arith.addf %slice3A_661, %slice3A_662 : vector<2048x128xf32>
    %add3A_664 = arith.addf %get3A_638, %get3A_641 : vector<2048x128xf32>
    %dot_general3A_665 = arith.constant dense<0.000000e+00> : vector<2048x384xf32>
    %dot_general3A_666 = tpu.matmul %add3A_664, %get3A_10, %dot_general3A_665 {dimension_numbers = #tpu.dot_dimension_numbers<[1], [0], [0], [1], [0, 0, 1, 1], [], []>, transpose_lhs_hint = false} : vector<2048x128xf32>, vector<128x384xf32>, vector<2048x384xf32> -> vector<2048x384xf32>
    %slice3A_667 = vector.extract_strided_slice %dot_general3A_666 {offsets = [0, 0], sizes = [2048, 128], strides = [1, 1]} : vector<2048x384xf32> to vector<2048x128xf32>
    %slice3A_668 = vector.extract_strided_slice %get3A_4 {offsets = [0, 0], sizes = [1, 128], strides = [1, 1]} : vector<1x384xf32> to vector<1x128xf32>
    %add3A_669 = vector.broadcast %slice3A_668 : vector<1x128xf32> to vector<2048x128xf32>
    %add3A_670 = arith.addf %slice3A_667, %add3A_669 : vector<2048x128xf32>
    %logistic3A_671 = arith.negf %add3A_670 : vector<2048x128xf32>
    %logistic3A_672 = math.exp %logistic3A_671 : vector<2048x128xf32>
    %logistic3A_673 = arith.constant 1.000000e+00 : f32
    %logistic3A_674 = vector.broadcast %logistic3A_673 : f32 to vector<2048x128xf32>
    %logistic3A_675 = arith.addf %logistic3A_674, %logistic3A_672 : vector<2048x128xf32>
    %logistic3A_676 = arith.divf %logistic3A_674, %logistic3A_675 : vector<2048x128xf32>
    %slice3A_677 = vector.extract_strided_slice %dot_general3A_666 {offsets = [0, 128], sizes = [2048, 128], strides = [1, 1]} : vector<2048x384xf32> to vector<2048x128xf32>
    %slice3A_678 = vector.extract_strided_slice %get3A_4 {offsets = [0, 128], sizes = [1, 128], strides = [1, 1]} : vector<1x384xf32> to vector<1x128xf32>
    %add3A_679 = vector.broadcast %slice3A_678 : vector<1x128xf32> to vector<2048x128xf32>
    %add3A_680 = arith.addf %slice3A_677, %add3A_679 : vector<2048x128xf32>
    %logistic3A_681 = arith.negf %add3A_680 : vector<2048x128xf32>
    %logistic3A_682 = math.exp %logistic3A_681 : vector<2048x128xf32>
    %logistic3A_683 = arith.constant 1.000000e+00 : f32
    %logistic3A_684 = vector.broadcast %logistic3A_683 : f32 to vector<2048x128xf32>
    %logistic3A_685 = arith.addf %logistic3A_684, %logistic3A_682 : vector<2048x128xf32>
    %logistic3A_686 = arith.divf %logistic3A_684, %logistic3A_685 : vector<2048x128xf32>
    %slice3A_687 = vector.extract_strided_slice %dot_general3A_666 {offsets = [0, 256], sizes = [2048, 128], strides = [1, 1]} : vector<2048x384xf32> to vector<2048x128xf32>
    %slice3A_688 = vector.extract_strided_slice %get3A_4 {offsets = [0, 256], sizes = [1, 128], strides = [1, 1]} : vector<1x384xf32> to vector<1x128xf32>
    %add3A_689 = vector.broadcast %slice3A_688 : vector<1x128xf32> to vector<2048x128xf32>
    %add3A_690 = arith.addf %slice3A_687, %add3A_689 : vector<2048x128xf32>
    %tanh3A_691 = math.tanh %add3A_690 : vector<2048x128xf32>
    %mul3A_692 = arith.mulf %logistic3A_676, %tanh3A_691 : vector<2048x128xf32>
    %add3A_693 = arith.addf %mul3A_692, %add3A_663 : vector<2048x128xf32>
    %tanh3A_694 = math.tanh %add3A_693 : vector<2048x128xf32>
    %mul3A_695 = arith.mulf %logistic3A_686, %tanh3A_694 : vector<2048x128xf32>
    %swap3A_696 = arith.constant 2048 : index
    %swap3A_697 = arith.constant 0 : index
    %swap3A_698 = vector.load %arg13[%swap3A_696, %swap3A_697] : memref<6144x128xf32, #tpu.memory_space<vmem>>, vector<2048x128xf32>
    tpu.vector_store %arg13[%swap3A_696, %swap3A_697], %mul3A_695 {strides = array<i32>} : memref<6144x128xf32, #tpu.memory_space<vmem>>, vector<2048x128xf32>,
    %swap3A_699 = arith.constant 2048 : index
    %swap3A_700 = arith.constant 0 : index
    %swap3A_701 = vector.load %arg14[%swap3A_699, %swap3A_700] : memref<6144x128xf32, #tpu.memory_space<vmem>>, vector<2048x128xf32>
    tpu.vector_store %arg14[%swap3A_699, %swap3A_700], %add3A_693 {strides = array<i32>} : memref<6144x128xf32, #tpu.memory_space<vmem>>, vector<2048x128xf32>,
    %get3A_702 = arith.constant 8192 : index
    %get3A_703 = arith.constant 0 : index
    %get3A_704 = vector.load %arg11[%get3A_702, %get3A_703] : memref<12288x128xf32, #tpu.memory_space<vmem>>, vector<2048x128xf32>
    %get3A_705 = arith.constant 10240 : index
    %get3A_706 = arith.constant 0 : index
    %get3A_707 = vector.load %arg11[%get3A_705, %get3A_706] : memref<12288x128xf32, #tpu.memory_space<vmem>>, vector<2048x128xf32>
    %get3A_708 = arith.constant 8192 : index
    %get3A_709 = arith.constant 0 : index
    %get3A_710 = vector.load %arg12[%get3A_708, %get3A_709] : memref<12288x128xf32, #tpu.memory_space<vmem>>, vector<2048x128xf32>
    %get3A_711 = arith.constant 10240 : index
    %get3A_712 = arith.constant 0 : index
    %get3A_713 = vector.load %arg12[%get3A_711, %get3A_712] : memref<12288x128xf32, #tpu.memory_space<vmem>>, vector<2048x128xf32>
    %concatenate3A_714 = tpu.concatenate %get3A_704, %get3A_707 in 0 : vector<2048x128xf32>, vector<2048x128xf32> -> vector<4096x128xf32>
    %concatenate3A_715 = tpu.concatenate %get3A_710, %get3A_713 in 0 : vector<2048x128xf32>, vector<2048x128xf32> -> vector<4096x128xf32>
    %dot_general3A_716 = arith.constant dense<0.000000e+00> : vector<4096x128xf32>
    %dot_general3A_717 = tpu.matmul %concatenate3A_714, %get3A_7, %dot_general3A_716 {dimension_numbers = #tpu.dot_dimension_numbers<[1], [0], [0], [1], [0, 0, 1, 1], [], []>, transpose_lhs_hint = false} : vector<4096x128xf32>, vector<128x128xf32>, vector<4096x128xf32> -> vector<4096x128xf32>
    %add3A_718 = vector.broadcast %get3A_13 : vector<1x128xf32> to vector<4096x128xf32>
    %add3A_719 = arith.addf %dot_general3A_717, %add3A_718 : vector<4096x128xf32>
    %logistic3A_720 = arith.negf %add3A_719 : vector<4096x128xf32>
    %logistic3A_721 = math.exp %logistic3A_720 : vector<4096x128xf32>
    %logistic3A_722 = arith.constant 1.000000e+00 : f32
    %logistic3A_723 = vector.broadcast %logistic3A_722 : f32 to vector<4096x128xf32>
    %logistic3A_724 = arith.addf %logistic3A_723, %logistic3A_721 : vector<4096x128xf32>
    %logistic3A_725 = arith.divf %logistic3A_723, %logistic3A_724 : vector<4096x128xf32>
    %mul3A_726 = arith.mulf %logistic3A_725, %concatenate3A_715 : vector<4096x128xf32>
    %slice3A_727 = vector.extract_strided_slice %mul3A_726 {offsets = [0, 0], sizes = [2048, 128], strides = [1, 1]} : vector<4096x128xf32> to vector<2048x128xf32>
    %slice3A_728 = vector.extract_strided_slice %mul3A_726 {offsets = [2048, 0], sizes = [2048, 128], strides = [1, 1]} : vector<4096x128xf32> to vector<2048x128xf32>
    %add3A_729 = arith.addf %slice3A_727, %slice3A_728 : vector<2048x128xf32>
    %add3A_730 = arith.addf %get3A_704, %get3A_707 : vector<2048x128xf32>
    %dot_general3A_731 = arith.constant dense<0.000000e+00> : vector<2048x384xf32>
    %dot_general3A_732 = tpu.matmul %add3A_730, %get3A_10, %dot_general3A_731 {dimension_numbers = #tpu.dot_dimension_numbers<[1], [0], [0], [1], [0, 0, 1, 1], [], []>, transpose_lhs_hint = false} : vector<2048x128xf32>, vector<128x384xf32>, vector<2048x384xf32> -> vector<2048x384xf32>
    %slice3A_733 = vector.extract_strided_slice %dot_general3A_732 {offsets = [0, 0], sizes = [2048, 128], strides = [1, 1]} : vector<2048x384xf32> to vector<2048x128xf32>
    %slice3A_734 = vector.extract_strided_slice %get3A_4 {offsets = [0, 0], sizes = [1, 128], strides = [1, 1]} : vector<1x384xf32> to vector<1x128xf32>
    %add3A_735 = vector.broadcast %slice3A_734 : vector<1x128xf32> to vector<2048x128xf32>
    %add3A_736 = arith.addf %slice3A_733, %add3A_735 : vector<2048x128xf32>
    %logistic3A_737 = arith.negf %add3A_736 : vector<2048x128xf32>
    %logistic3A_738 = math.exp %logistic3A_737 : vector<2048x128xf32>
    %logistic3A_739 = arith.constant 1.000000e+00 : f32
    %logistic3A_740 = vector.broadcast %logistic3A_739 : f32 to vector<2048x128xf32>
    %logistic3A_741 = arith.addf %logistic3A_740, %logistic3A_738 : vector<2048x128xf32>
    %logistic3A_742 = arith.divf %logistic3A_740, %logistic3A_741 : vector<2048x128xf32>
    %slice3A_743 = vector.extract_strided_slice %dot_general3A_732 {offsets = [0, 128], sizes = [2048, 128], strides = [1, 1]} : vector<2048x384xf32> to vector<2048x128xf32>
    %slice3A_744 = vector.extract_strided_slice %get3A_4 {offsets = [0, 128], sizes = [1, 128], strides = [1, 1]} : vector<1x384xf32> to vector<1x128xf32>
    %add3A_745 = vector.broadcast %slice3A_744 : vector<1x128xf32> to vector<2048x128xf32>
    %add3A_746 = arith.addf %slice3A_743, %add3A_745 : vector<2048x128xf32>
    %logistic3A_747 = arith.negf %add3A_746 : vector<2048x128xf32>
    %logistic3A_748 = math.exp %logistic3A_747 : vector<2048x128xf32>
    %logistic3A_749 = arith.constant 1.000000e+00 : f32
    %logistic3A_750 = vector.broadcast %logistic3A_749 : f32 to vector<2048x128xf32>
    %logistic3A_751 = arith.addf %logistic3A_750, %logistic3A_748 : vector<2048x128xf32>
    %logistic3A_752 = arith.divf %logistic3A_750, %logistic3A_751 : vector<2048x128xf32>
    %slice3A_753 = vector.extract_strided_slice %dot_general3A_732 {offsets = [0, 256], sizes = [2048, 128], strides = [1, 1]} : vector<2048x384xf32> to vector<2048x128xf32>
    %slice3A_754 = vector.extract_strided_slice %get3A_4 {offsets = [0, 256], sizes = [1, 128], strides = [1, 1]} : vector<1x384xf32> to vector<1x128xf32>
    %add3A_755 = vector.broadcast %slice3A_754 : vector<1x128xf32> to vector<2048x128xf32>
    %add3A_756 = arith.addf %slice3A_753, %add3A_755 : vector<2048x128xf32>
    %tanh3A_757 = math.tanh %add3A_756 : vector<2048x128xf32>
    %mul3A_758 = arith.mulf %logistic3A_742, %tanh3A_757 : vector<2048x128xf32>
    %add3A_759 = arith.addf %mul3A_758, %add3A_729 : vector<2048x128xf32>
    %tanh3A_760 = math.tanh %add3A_759 : vector<2048x128xf32>
    %mul3A_761 = arith.mulf %logistic3A_752, %tanh3A_760 : vector<2048x128xf32>
    %swap3A_762 = arith.constant 4096 : index
    %swap3A_763 = arith.constant 0 : index
    %swap3A_764 = vector.load %arg13[%swap3A_762, %swap3A_763] : memref<6144x128xf32, #tpu.memory_space<vmem>>, vector<2048x128xf32>
    tpu.vector_store %arg13[%swap3A_762, %swap3A_763], %mul3A_761 {strides = array<i32>} : memref<6144x128xf32, #tpu.memory_space<vmem>>, vector<2048x128xf32>,
    %swap3A_765 = arith.constant 4096 : index
    %swap3A_766 = arith.constant 0 : index
    %swap3A_767 = vector.load %arg14[%swap3A_765, %swap3A_766] : memref<6144x128xf32, #tpu.memory_space<vmem>>, vector<2048x128xf32>
    tpu.vector_store %arg14[%swap3A_765, %swap3A_766], %add3A_759 {strides = array<i32>} : memref<6144x128xf32, #tpu.memory_space<vmem>>, vector<2048x128xf32>,
    %get3A_768 = arith.constant 0 : index
    %get3A_769 = arith.constant 0 : index
    %get3A_770 = vector.load %arg13[%get3A_768, %get3A_769] : memref<6144x128xf32, #tpu.memory_space<vmem>>, vector<1024x128xf32>
    %get3A_771 = arith.constant 1024 : index
    %get3A_772 = arith.constant 0 : index
    %get3A_773 = vector.load %arg13[%get3A_771, %get3A_772] : memref<6144x128xf32, #tpu.memory_space<vmem>>, vector<1024x128xf32>
    %get3A_774 = arith.constant 0 : index
    %get3A_775 = arith.constant 0 : index
    %get3A_776 = vector.load %arg14[%get3A_774, %get3A_775] : memref<6144x128xf32, #tpu.memory_space<vmem>>, vector<1024x128xf32>
    %get3A_777 = arith.constant 1024 : index
    %get3A_778 = arith.constant 0 : index
    %get3A_779 = vector.load %arg14[%get3A_777, %get3A_778] : memref<6144x128xf32, #tpu.memory_space<vmem>>, vector<1024x128xf32>
    %concatenate3A_780 = tpu.concatenate %get3A_770, %get3A_773 in 0 : vector<1024x128xf32>, vector<1024x128xf32> -> vector<2048x128xf32>
    %concatenate3A_781 = tpu.concatenate %get3A_776, %get3A_779 in 0 : vector<1024x128xf32>, vector<1024x128xf32> -> vector<2048x128xf32>
    %dot_general3A_782 = arith.constant dense<0.000000e+00> : vector<2048x128xf32>
    %dot_general3A_783 = tpu.matmul %concatenate3A_780, %get3A_7, %dot_general3A_782 {dimension_numbers = #tpu.dot_dimension_numbers<[1], [0], [0], [1], [0, 0, 1, 1], [], []>, transpose_lhs_hint = false} : vector<2048x128xf32>, vector<128x128xf32>, vector<2048x128xf32> -> vector<2048x128xf32>
    %add3A_784 = vector.broadcast %get3A_13 : vector<1x128xf32> to vector<2048x128xf32>
    %add3A_785 = arith.addf %dot_general3A_783, %add3A_784 : vector<2048x128xf32>
    %logistic3A_786 = arith.negf %add3A_785 : vector<2048x128xf32>
    %logistic3A_787 = math.exp %logistic3A_786 : vector<2048x128xf32>
    %logistic3A_788 = arith.constant 1.000000e+00 : f32
    %logistic3A_789 = vector.broadcast %logistic3A_788 : f32 to vector<2048x128xf32>
    %logistic3A_790 = arith.addf %logistic3A_789, %logistic3A_787 : vector<2048x128xf32>
    %logistic3A_791 = arith.divf %logistic3A_789, %logistic3A_790 : vector<2048x128xf32>
    %mul3A_792 = arith.mulf %logistic3A_791, %concatenate3A_781 : vector<2048x128xf32>
    %slice3A_793 = vector.extract_strided_slice %mul3A_792 {offsets = [0, 0], sizes = [1024, 128], strides = [1, 1]} : vector<2048x128xf32> to vector<1024x128xf32>
    %slice3A_794 = vector.extract_strided_slice %mul3A_792 {offsets = [1024, 0], sizes = [1024, 128], strides = [1, 1]} : vector<2048x128xf32> to vector<1024x128xf32>
    %add3A_795 = arith.addf %slice3A_793, %slice3A_794 : vector<1024x128xf32>
    %add3A_796 = arith.addf %get3A_770, %get3A_773 : vector<1024x128xf32>
    %dot_general3A_797 = arith.constant dense<0.000000e+00> : vector<1024x384xf32>
    %dot_general3A_798 = tpu.matmul %add3A_796, %get3A_10, %dot_general3A_797 {dimension_numbers = #tpu.dot_dimension_numbers<[1], [0], [0], [1], [0, 0, 1, 1], [], []>, transpose_lhs_hint = false} : vector<1024x128xf32>, vector<128x384xf32>, vector<1024x384xf32> -> vector<1024x384xf32>
    %slice3A_799 = vector.extract_strided_slice %dot_general3A_798 {offsets = [0, 0], sizes = [1024, 128], strides = [1, 1]} : vector<1024x384xf32> to vector<1024x128xf32>
    %slice3A_800 = vector.extract_strided_slice %get3A_4 {offsets = [0, 0], sizes = [1, 128], strides = [1, 1]} : vector<1x384xf32> to vector<1x128xf32>
    %add3A_801 = vector.broadcast %slice3A_800 : vector<1x128xf32> to vector<1024x128xf32>
    %add3A_802 = arith.addf %slice3A_799, %add3A_801 : vector<1024x128xf32>
    %logistic3A_803 = arith.negf %add3A_802 : vector<1024x128xf32>
    %logistic3A_804 = math.exp %logistic3A_803 : vector<1024x128xf32>
    %logistic3A_805 = arith.constant 1.000000e+00 : f32
    %logistic3A_806 = vector.broadcast %logistic3A_805 : f32 to vector<1024x128xf32>
    %logistic3A_807 = arith.addf %logistic3A_806, %logistic3A_804 : vector<1024x128xf32>
    %logistic3A_808 = arith.divf %logistic3A_806, %logistic3A_807 : vector<1024x128xf32>
    %slice3A_809 = vector.extract_strided_slice %dot_general3A_798 {offsets = [0, 128], sizes = [1024, 128], strides = [1, 1]} : vector<1024x384xf32> to vector<1024x128xf32>
    %slice3A_810 = vector.extract_strided_slice %get3A_4 {offsets = [0, 128], sizes = [1, 128], strides = [1, 1]} : vector<1x384xf32> to vector<1x128xf32>
    %add3A_811 = vector.broadcast %slice3A_810 : vector<1x128xf32> to vector<1024x128xf32>
    %add3A_812 = arith.addf %slice3A_809, %add3A_811 : vector<1024x128xf32>
    %logistic3A_813 = arith.negf %add3A_812 : vector<1024x128xf32>
    %logistic3A_814 = math.exp %logistic3A_813 : vector<1024x128xf32>
    %logistic3A_815 = arith.constant 1.000000e+00 : f32
    %logistic3A_816 = vector.broadcast %logistic3A_815 : f32 to vector<1024x128xf32>
    %logistic3A_817 = arith.addf %logistic3A_816, %logistic3A_814 : vector<1024x128xf32>
    %logistic3A_818 = arith.divf %logistic3A_816, %logistic3A_817 : vector<1024x128xf32>
    %slice3A_819 = vector.extract_strided_slice %dot_general3A_798 {offsets = [0, 256], sizes = [1024, 128], strides = [1, 1]} : vector<1024x384xf32> to vector<1024x128xf32>
    %slice3A_820 = vector.extract_strided_slice %get3A_4 {offsets = [0, 256], sizes = [1, 128], strides = [1, 1]} : vector<1x384xf32> to vector<1x128xf32>
    %add3A_821 = vector.broadcast %slice3A_820 : vector<1x128xf32> to vector<1024x128xf32>
    %add3A_822 = arith.addf %slice3A_819, %add3A_821 : vector<1024x128xf32>
    %tanh3A_823 = math.tanh %add3A_822 : vector<1024x128xf32>
    %mul3A_824 = arith.mulf %logistic3A_808, %tanh3A_823 : vector<1024x128xf32>
    %add3A_825 = arith.addf %mul3A_824, %add3A_795 : vector<1024x128xf32>
    %tanh3A_826 = math.tanh %add3A_825 : vector<1024x128xf32>
    %mul3A_827 = arith.mulf %logistic3A_818, %tanh3A_826 : vector<1024x128xf32>
    %swap3A_828 = arith.constant 0 : index
    %swap3A_829 = arith.constant 0 : index
    %swap3A_830 = vector.load %arg11[%swap3A_828, %swap3A_829] : memref<12288x128xf32, #tpu.memory_space<vmem>>, vector<1024x128xf32>
    tpu.vector_store %arg11[%swap3A_828, %swap3A_829], %mul3A_827 {strides = array<i32>} : memref<12288x128xf32, #tpu.memory_space<vmem>>, vector<1024x128xf32>,
    %swap3A_831 = arith.constant 0 : index
    %swap3A_832 = arith.constant 0 : index
    %swap3A_833 = vector.load %arg12[%swap3A_831, %swap3A_832] : memref<12288x128xf32, #tpu.memory_space<vmem>>, vector<1024x128xf32>
    tpu.vector_store %arg12[%swap3A_831, %swap3A_832], %add3A_825 {strides = array<i32>} : memref<12288x128xf32, #tpu.memory_space<vmem>>, vector<1024x128xf32>,
    %get3A_834 = arith.constant 2048 : index
    %get3A_835 = arith.constant 0 : index
    %get3A_836 = vector.load %arg13[%get3A_834, %get3A_835] : memref<6144x128xf32, #tpu.memory_space<vmem>>, vector<1024x128xf32>
    %get3A_837 = arith.constant 3072 : index
    %get3A_838 = arith.constant 0 : index
    %get3A_839 = vector.load %arg13[%get3A_837, %get3A_838] : memref<6144x128xf32, #tpu.memory_space<vmem>>, vector<1024x128xf32>
    %get3A_840 = arith.constant 2048 : index
    %get3A_841 = arith.constant 0 : index
    %get3A_842 = vector.load %arg14[%get3A_840, %get3A_841] : memref<6144x128xf32, #tpu.memory_space<vmem>>, vector<1024x128xf32>
    %get3A_843 = arith.constant 3072 : index
    %get3A_844 = arith.constant 0 : index
    %get3A_845 = vector.load %arg14[%get3A_843, %get3A_844] : memref<6144x128xf32, #tpu.memory_space<vmem>>, vector<1024x128xf32>
    %concatenate3A_846 = tpu.concatenate %get3A_836, %get3A_839 in 0 : vector<1024x128xf32>, vector<1024x128xf32> -> vector<2048x128xf32>
    %concatenate3A_847 = tpu.concatenate %get3A_842, %get3A_845 in 0 : vector<1024x128xf32>, vector<1024x128xf32> -> vector<2048x128xf32>
    %dot_general3A_848 = arith.constant dense<0.000000e+00> : vector<2048x128xf32>
    %dot_general3A_849 = tpu.matmul %concatenate3A_846, %get3A_7, %dot_general3A_848 {dimension_numbers = #tpu.dot_dimension_numbers<[1], [0], [0], [1], [0, 0, 1, 1], [], []>, transpose_lhs_hint = false} : vector<2048x128xf32>, vector<128x128xf32>, vector<2048x128xf32> -> vector<2048x128xf32>
    %add3A_850 = vector.broadcast %get3A_13 : vector<1x128xf32> to vector<2048x128xf32>
    %add3A_851 = arith.addf %dot_general3A_849, %add3A_850 : vector<2048x128xf32>
    %logistic3A_852 = arith.negf %add3A_851 : vector<2048x128xf32>
    %logistic3A_853 = math.exp %logistic3A_852 : vector<2048x128xf32>
    %logistic3A_854 = arith.constant 1.000000e+00 : f32
    %logistic3A_855 = vector.broadcast %logistic3A_854 : f32 to vector<2048x128xf32>
    %logistic3A_856 = arith.addf %logistic3A_855, %logistic3A_853 : vector<2048x128xf32>
    %logistic3A_857 = arith.divf %logistic3A_855, %logistic3A_856 : vector<2048x128xf32>
    %mul3A_858 = arith.mulf %logistic3A_857, %concatenate3A_847 : vector<2048x128xf32>
    %slice3A_859 = vector.extract_strided_slice %mul3A_858 {offsets = [0, 0], sizes = [1024, 128], strides = [1, 1]} : vector<2048x128xf32> to vector<1024x128xf32>
    %slice3A_860 = vector.extract_strided_slice %mul3A_858 {offsets = [1024, 0], sizes = [1024, 128], strides = [1, 1]} : vector<2048x128xf32> to vector<1024x128xf32>
    %add3A_861 = arith.addf %slice3A_859, %slice3A_860 : vector<1024x128xf32>
    %add3A_862 = arith.addf %get3A_836, %get3A_839 : vector<1024x128xf32>
    %dot_general3A_863 = arith.constant dense<0.000000e+00> : vector<1024x384xf32>
    %dot_general3A_864 = tpu.matmul %add3A_862, %get3A_10, %dot_general3A_863 {dimension_numbers = #tpu.dot_dimension_numbers<[1], [0], [0], [1], [0, 0, 1, 1], [], []>, transpose_lhs_hint = false} : vector<1024x128xf32>, vector<128x384xf32>, vector<1024x384xf32> -> vector<1024x384xf32>
    %slice3A_865 = vector.extract_strided_slice %dot_general3A_864 {offsets = [0, 0], sizes = [1024, 128], strides = [1, 1]} : vector<1024x384xf32> to vector<1024x128xf32>
    %slice3A_866 = vector.extract_strided_slice %get3A_4 {offsets = [0, 0], sizes = [1, 128], strides = [1, 1]} : vector<1x384xf32> to vector<1x128xf32>
    %add3A_867 = vector.broadcast %slice3A_866 : vector<1x128xf32> to vector<1024x128xf32>
    %add3A_868 = arith.addf %slice3A_865, %add3A_867 : vector<1024x128xf32>
    %logistic3A_869 = arith.negf %add3A_868 : vector<1024x128xf32>
    %logistic3A_870 = math.exp %logistic3A_869 : vector<1024x128xf32>
    %logistic3A_871 = arith.constant 1.000000e+00 : f32
    %logistic3A_872 = vector.broadcast %logistic3A_871 : f32 to vector<1024x128xf32>
    %logistic3A_873 = arith.addf %logistic3A_872, %logistic3A_870 : vector<1024x128xf32>
    %logistic3A_874 = arith.divf %logistic3A_872, %logistic3A_873 : vector<1024x128xf32>
    %slice3A_875 = vector.extract_strided_slice %dot_general3A_864 {offsets = [0, 128], sizes = [1024, 128], strides = [1, 1]} : vector<1024x384xf32> to vector<1024x128xf32>
    %slice3A_876 = vector.extract_strided_slice %get3A_4 {offsets = [0, 128], sizes = [1, 128], strides = [1, 1]} : vector<1x384xf32> to vector<1x128xf32>
    %add3A_877 = vector.broadcast %slice3A_876 : vector<1x128xf32> to vector<1024x128xf32>
    %add3A_878 = arith.addf %slice3A_875, %add3A_877 : vector<1024x128xf32>
    %logistic3A_879 = arith.negf %add3A_878 : vector<1024x128xf32>
    %logistic3A_880 = math.exp %logistic3A_879 : vector<1024x128xf32>
    %logistic3A_881 = arith.constant 1.000000e+00 : f32
    %logistic3A_882 = vector.broadcast %logistic3A_881 : f32 to vector<1024x128xf32>
    %logistic3A_883 = arith.addf %logistic3A_882, %logistic3A_880 : vector<1024x128xf32>
    %logistic3A_884 = arith.divf %logistic3A_882, %logistic3A_883 : vector<1024x128xf32>
    %slice3A_885 = vector.extract_strided_slice %dot_general3A_864 {offsets = [0, 256], sizes = [1024, 128], strides = [1, 1]} : vector<1024x384xf32> to vector<1024x128xf32>
    %slice3A_886 = vector.extract_strided_slice %get3A_4 {offsets = [0, 256], sizes = [1, 128], strides = [1, 1]} : vector<1x384xf32> to vector<1x128xf32>
    %add3A_887 = vector.broadcast %slice3A_886 : vector<1x128xf32> to vector<1024x128xf32>
    %add3A_888 = arith.addf %slice3A_885, %add3A_887 : vector<1024x128xf32>
    %tanh3A_889 = math.tanh %add3A_888 : vector<1024x128xf32>
    %mul3A_890 = arith.mulf %logistic3A_874, %tanh3A_889 : vector<1024x128xf32>
    %add3A_891 = arith.addf %mul3A_890, %add3A_861 : vector<1024x128xf32>
    %tanh3A_892 = math.tanh %add3A_891 : vector<1024x128xf32>
    %mul3A_893 = arith.mulf %logistic3A_884, %tanh3A_892 : vector<1024x128xf32>
    %swap3A_894 = arith.constant 1024 : index
    %swap3A_895 = arith.constant 0 : index
    %swap3A_896 = vector.load %arg11[%swap3A_894, %swap3A_895] : memref<12288x128xf32, #tpu.memory_space<vmem>>, vector<1024x128xf32>
    tpu.vector_store %arg11[%swap3A_894, %swap3A_895], %mul3A_893 {strides = array<i32>} : memref<12288x128xf32, #tpu.memory_space<vmem>>, vector<1024x128xf32>,
    %swap3A_897 = arith.constant 1024 : index
    %swap3A_898 = arith.constant 0 : index
    %swap3A_899 = vector.load %arg12[%swap3A_897, %swap3A_898] : memref<12288x128xf32, #tpu.memory_space<vmem>>, vector<1024x128xf32>
    tpu.vector_store %arg12[%swap3A_897, %swap3A_898], %add3A_891 {strides = array<i32>} : memref<12288x128xf32, #tpu.memory_space<vmem>>, vector<1024x128xf32>,
    %get3A_900 = arith.constant 4096 : index
    %get3A_901 = arith.constant 0 : index
    %get3A_902 = vector.load %arg13[%get3A_900, %get3A_901] : memref<6144x128xf32, #tpu.memory_space<vmem>>, vector<1024x128xf32>
    %get3A_903 = arith.constant 5120 : index
    %get3A_904 = arith.constant 0 : index
    %get3A_905 = vector.load %arg13[%get3A_903, %get3A_904] : memref<6144x128xf32, #tpu.memory_space<vmem>>, vector<1024x128xf32>
    %get3A_906 = arith.constant 4096 : index
    %get3A_907 = arith.constant 0 : index
    %get3A_908 = vector.load %arg14[%get3A_906, %get3A_907] : memref<6144x128xf32, #tpu.memory_space<vmem>>, vector<1024x128xf32>
    %get3A_909 = arith.constant 5120 : index
    %get3A_910 = arith.constant 0 : index
    %get3A_911 = vector.load %arg14[%get3A_909, %get3A_910] : memref<6144x128xf32, #tpu.memory_space<vmem>>, vector<1024x128xf32>
    %concatenate3A_912 = tpu.concatenate %get3A_902, %get3A_905 in 0 : vector<1024x128xf32>, vector<1024x128xf32> -> vector<2048x128xf32>
    %concatenate3A_913 = tpu.concatenate %get3A_908, %get3A_911 in 0 : vector<1024x128xf32>, vector<1024x128xf32> -> vector<2048x128xf32>
    %dot_general3A_914 = arith.constant dense<0.000000e+00> : vector<2048x128xf32>
    %dot_general3A_915 = tpu.matmul %concatenate3A_912, %get3A_7, %dot_general3A_914 {dimension_numbers = #tpu.dot_dimension_numbers<[1], [0], [0], [1], [0, 0, 1, 1], [], []>, transpose_lhs_hint = false} : vector<2048x128xf32>, vector<128x128xf32>, vector<2048x128xf32> -> vector<2048x128xf32>
    %add3A_916 = vector.broadcast %get3A_13 : vector<1x128xf32> to vector<2048x128xf32>
    %add3A_917 = arith.addf %dot_general3A_915, %add3A_916 : vector<2048x128xf32>
    %logistic3A_918 = arith.negf %add3A_917 : vector<2048x128xf32>
    %logistic3A_919 = math.exp %logistic3A_918 : vector<2048x128xf32>
    %logistic3A_920 = arith.constant 1.000000e+00 : f32
    %logistic3A_921 = vector.broadcast %logistic3A_920 : f32 to vector<2048x128xf32>
    %logistic3A_922 = arith.addf %logistic3A_921, %logistic3A_919 : vector<2048x128xf32>
    %logistic3A_923 = arith.divf %logistic3A_921, %logistic3A_922 : vector<2048x128xf32>
    %mul3A_924 = arith.mulf %logistic3A_923, %concatenate3A_913 : vector<2048x128xf32>
    %slice3A_925 = vector.extract_strided_slice %mul3A_924 {offsets = [0, 0], sizes = [1024, 128], strides = [1, 1]} : vector<2048x128xf32> to vector<1024x128xf32>
    %slice3A_926 = vector.extract_strided_slice %mul3A_924 {offsets = [1024, 0], sizes = [1024, 128], strides = [1, 1]} : vector<2048x128xf32> to vector<1024x128xf32>
    %add3A_927 = arith.addf %slice3A_925, %slice3A_926 : vector<1024x128xf32>
    %add3A_928 = arith.addf %get3A_902, %get3A_905 : vector<1024x128xf32>
    %dot_general3A_929 = arith.constant dense<0.000000e+00> : vector<1024x384xf32>
    %dot_general3A_930 = tpu.matmul %add3A_928, %get3A_10, %dot_general3A_929 {dimension_numbers = #tpu.dot_dimension_numbers<[1], [0], [0], [1], [0, 0, 1, 1], [], []>, transpose_lhs_hint = false} : vector<1024x128xf32>, vector<128x384xf32>, vector<1024x384xf32> -> vector<1024x384xf32>
    %slice3A_931 = vector.extract_strided_slice %dot_general3A_930 {offsets = [0, 0], sizes = [1024, 128], strides = [1, 1]} : vector<1024x384xf32> to vector<1024x128xf32>
    %slice3A_932 = vector.extract_strided_slice %get3A_4 {offsets = [0, 0], sizes = [1, 128], strides = [1, 1]} : vector<1x384xf32> to vector<1x128xf32>
    %add3A_933 = vector.broadcast %slice3A_932 : vector<1x128xf32> to vector<1024x128xf32>
    %add3A_934 = arith.addf %slice3A_931, %add3A_933 : vector<1024x128xf32>
    %logistic3A_935 = arith.negf %add3A_934 : vector<1024x128xf32>
    %logistic3A_936 = math.exp %logistic3A_935 : vector<1024x128xf32>
    %logistic3A_937 = arith.constant 1.000000e+00 : f32
    %logistic3A_938 = vector.broadcast %logistic3A_937 : f32 to vector<1024x128xf32>
    %logistic3A_939 = arith.addf %logistic3A_938, %logistic3A_936 : vector<1024x128xf32>
    %logistic3A_940 = arith.divf %logistic3A_938, %logistic3A_939 : vector<1024x128xf32>
    %slice3A_941 = vector.extract_strided_slice %dot_general3A_930 {offsets = [0, 128], sizes = [1024, 128], strides = [1, 1]} : vector<1024x384xf32> to vector<1024x128xf32>
    %slice3A_942 = vector.extract_strided_slice %get3A_4 {offsets = [0, 128], sizes = [1, 128], strides = [1, 1]} : vector<1x384xf32> to vector<1x128xf32>
    %add3A_943 = vector.broadcast %slice3A_942 : vector<1x128xf32> to vector<1024x128xf32>
    %add3A_944 = arith.addf %slice3A_941, %add3A_943 : vector<1024x128xf32>
    %logistic3A_945 = arith.negf %add3A_944 : vector<1024x128xf32>
    %logistic3A_946 = math.exp %logistic3A_945 : vector<1024x128xf32>
    %logistic3A_947 = arith.constant 1.000000e+00 : f32
    %logistic3A_948 = vector.broadcast %logistic3A_947 : f32 to vector<1024x128xf32>
    %logistic3A_949 = arith.addf %logistic3A_948, %logistic3A_946 : vector<1024x128xf32>
    %logistic3A_950 = arith.divf %logistic3A_948, %logistic3A_949 : vector<1024x128xf32>
    %slice3A_951 = vector.extract_strided_slice %dot_general3A_930 {offsets = [0, 256], sizes = [1024, 128], strides = [1, 1]} : vector<1024x384xf32> to vector<1024x128xf32>
    %slice3A_952 = vector.extract_strided_slice %get3A_4 {offsets = [0, 256], sizes = [1, 128], strides = [1, 1]} : vector<1x384xf32> to vector<1x128xf32>
    %add3A_953 = vector.broadcast %slice3A_952 : vector<1x128xf32> to vector<1024x128xf32>
    %add3A_954 = arith.addf %slice3A_951, %add3A_953 : vector<1024x128xf32>
    %tanh3A_955 = math.tanh %add3A_954 : vector<1024x128xf32>
    %mul3A_956 = arith.mulf %logistic3A_940, %tanh3A_955 : vector<1024x128xf32>
    %add3A_957 = arith.addf %mul3A_956, %add3A_927 : vector<1024x128xf32>
    %tanh3A_958 = math.tanh %add3A_957 : vector<1024x128xf32>
    %mul3A_959 = arith.mulf %logistic3A_950, %tanh3A_958 : vector<1024x128xf32>
    %swap3A_960 = arith.constant 2048 : index
    %swap3A_961 = arith.constant 0 : index
    %swap3A_962 = vector.load %arg11[%swap3A_960, %swap3A_961] : memref<12288x128xf32, #tpu.memory_space<vmem>>, vector<1024x128xf32>
    tpu.vector_store %arg11[%swap3A_960, %swap3A_961], %mul3A_959 {strides = array<i32>} : memref<12288x128xf32, #tpu.memory_space<vmem>>, vector<1024x128xf32>,
    %swap3A_963 = arith.constant 2048 : index
    %swap3A_964 = arith.constant 0 : index
    %swap3A_965 = vector.load %arg12[%swap3A_963, %swap3A_964] : memref<12288x128xf32, #tpu.memory_space<vmem>>, vector<1024x128xf32>
    tpu.vector_store %arg12[%swap3A_963, %swap3A_964], %add3A_957 {strides = array<i32>} : memref<12288x128xf32, #tpu.memory_space<vmem>>, vector<1024x128xf32>,
    %get3A_966 = arith.constant 0 : index
    %get3A_967 = arith.constant 0 : index
    %get3A_968 = vector.load %arg11[%get3A_966, %get3A_967] : memref<12288x128xf32, #tpu.memory_space<vmem>>, vector<3072x128xf32>
    %get3A_969 = arith.constant 0 : index
    %get3A_970 = arith.constant 0 : index
    %get3A_971 = vector.load %arg3[%get3A_969, %get3A_970] : memref<128x512xf32, #tpu.memory_space<vmem>>, vector<128x512xf32>
    %dot_general3A_972 = arith.constant dense<0.000000e+00> : vector<3072x512xf32>
    %dot_general3A_973 = tpu.matmul %get3A_968, %get3A_971, %dot_general3A_972 {dimension_numbers = #tpu.dot_dimension_numbers<[1], [0], [0], [1], [0, 0, 1, 1], [], []>, transpose_lhs_hint = false} : vector<3072x128xf32>, vector<128x512xf32>, vector<3072x512xf32> -> vector<3072x512xf32>
    %slice3A_974 = vector.extract_strided_slice %dot_general3A_973 {offsets = [0, 0], sizes = [3072, 128], strides = [1, 1]} : vector<3072x512xf32> to vector<3072x128xf32>
    %add3A_975 = vector.broadcast %get3A_13 : vector<1x128xf32> to vector<3072x128xf32>
    %add3A_976 = arith.addf %slice3A_974, %add3A_975 : vector<3072x128xf32>
    %logistic3A_977 = arith.negf %add3A_976 : vector<3072x128xf32>
    %logistic3A_978 = math.exp %logistic3A_977 : vector<3072x128xf32>
    %logistic3A_979 = arith.constant 1.000000e+00 : f32
    %logistic3A_980 = vector.broadcast %logistic3A_979 : f32 to vector<3072x128xf32>
    %logistic3A_981 = arith.addf %logistic3A_980, %logistic3A_978 : vector<3072x128xf32>
    %logistic3A_982 = arith.divf %logistic3A_980, %logistic3A_981 : vector<3072x128xf32>
    %get3A_983 = arith.constant 0 : index
    %get3A_984 = arith.constant 0 : index
    %get3A_985 = vector.load %arg12[%get3A_983, %get3A_984] : memref<12288x128xf32, #tpu.memory_space<vmem>>, vector<3072x128xf32>
    %mul3A_986 = arith.mulf %logistic3A_982, %get3A_985 : vector<3072x128xf32>
    %slice3A_987 = vector.extract_strided_slice %mul3A_986 {offsets = [0, 0], sizes = [512, 128], strides = [1, 1]} : vector<3072x128xf32> to vector<512x128xf32>
    %slice3A_988 = vector.extract_strided_slice %mul3A_986 {offsets = [512, 0], sizes = [512, 128], strides = [1, 1]} : vector<3072x128xf32> to vector<512x128xf32>
    %add3A_989 = arith.addf %slice3A_987, %slice3A_988 : vector<512x128xf32>
    %slice3A_990 = vector.extract_strided_slice %dot_general3A_973 {offsets = [0, 128], sizes = [512, 384], strides = [1, 1]} : vector<3072x512xf32> to vector<512x384xf32>
    %slice3A_991 = vector.extract_strided_slice %dot_general3A_973 {offsets = [512, 128], sizes = [512, 384], strides = [1, 1]} : vector<3072x512xf32> to vector<512x384xf32>
    %add3A_992 = arith.addf %slice3A_990, %slice3A_991 : vector<512x384xf32>
    %slice3A_993 = vector.extract_strided_slice %mul3A_986 {offsets = [1024, 0], sizes = [512, 128], strides = [1, 1]} : vector<3072x128xf32> to vector<512x128xf32>
    %slice3A_994 = vector.extract_strided_slice %mul3A_986 {offsets = [1536, 0], sizes = [512, 128], strides = [1, 1]} : vector<3072x128xf32> to vector<512x128xf32>
    %add3A_995 = arith.addf %slice3A_993, %slice3A_994 : vector<512x128xf32>
    %slice3A_996 = vector.extract_strided_slice %dot_general3A_973 {offsets = [1024, 128], sizes = [512, 384], strides = [1, 1]} : vector<3072x512xf32> to vector<512x384xf32>
    %slice3A_997 = vector.extract_strided_slice %dot_general3A_973 {offsets = [1536, 128], sizes = [512, 384], strides = [1, 1]} : vector<3072x512xf32> to vector<512x384xf32>
    %add3A_998 = arith.addf %slice3A_996, %slice3A_997 : vector<512x384xf32>
    %slice3A_999 = vector.extract_strided_slice %mul3A_986 {offsets = [2048, 0], sizes = [512, 128], strides = [1, 1]} : vector<3072x128xf32> to vector<512x128xf32>
    %slice3A_1000 = vector.extract_strided_slice %mul3A_986 {offsets = [2560, 0], sizes = [512, 128], strides = [1, 1]} : vector<3072x128xf32> to vector<512x128xf32>
    %add3A_1001 = arith.addf %slice3A_999, %slice3A_1000 : vector<512x128xf32>
    %slice3A_1002 = vector.extract_strided_slice %dot_general3A_973 {offsets = [2048, 128], sizes = [512, 384], strides = [1, 1]} : vector<3072x512xf32> to vector<512x384xf32>
    %slice3A_1003 = vector.extract_strided_slice %dot_general3A_973 {offsets = [2560, 128], sizes = [512, 384], strides = [1, 1]} : vector<3072x512xf32> to vector<512x384xf32>
    %add3A_1004 = arith.addf %slice3A_1002, %slice3A_1003 : vector<512x384xf32>
    %concatenate3A_1005 = tpu.concatenate %add3A_989, %add3A_995, %add3A_1001 in 0 : vector<512x128xf32>, vector<512x128xf32>, vector<512x128xf32> -> vector<1536x128xf32>
    %concatenate3A_1006 = tpu.concatenate %add3A_992, %add3A_998, %add3A_1004 in 0 : vector<512x384xf32>, vector<512x384xf32>, vector<512x384xf32> -> vector<1536x384xf32>
    %slice3A_1007 = vector.extract_strided_slice %concatenate3A_1006 {offsets = [0, 0], sizes = [1536, 128], strides = [1, 1]} : vector<1536x384xf32> to vector<1536x128xf32>
    %slice3A_1008 = vector.extract_strided_slice %get3A_4 {offsets = [0, 0], sizes = [1, 128], strides = [1, 1]} : vector<1x384xf32> to vector<1x128xf32>
    %add3A_1009 = vector.broadcast %slice3A_1008 : vector<1x128xf32> to vector<1536x128xf32>
    %add3A_1010 = arith.addf %slice3A_1007, %add3A_1009 : vector<1536x128xf32>
    %logistic3A_1011 = arith.negf %add3A_1010 : vector<1536x128xf32>
    %logistic3A_1012 = math.exp %logistic3A_1011 : vector<1536x128xf32>
    %logistic3A_1013 = arith.constant 1.000000e+00 : f32
    %logistic3A_1014 = vector.broadcast %logistic3A_1013 : f32 to vector<1536x128xf32>
    %logistic3A_1015 = arith.addf %logistic3A_1014, %logistic3A_1012 : vector<1536x128xf32>
    %logistic3A_1016 = arith.divf %logistic3A_1014, %logistic3A_1015 : vector<1536x128xf32>
    %slice3A_1017 = vector.extract_strided_slice %concatenate3A_1006 {offsets = [0, 128], sizes = [1536, 128], strides = [1, 1]} : vector<1536x384xf32> to vector<1536x128xf32>
    %slice3A_1018 = vector.extract_strided_slice %get3A_4 {offsets = [0, 128], sizes = [1, 128], strides = [1, 1]} : vector<1x384xf32> to vector<1x128xf32>
    %add3A_1019 = vector.broadcast %slice3A_1018 : vector<1x128xf32> to vector<1536x128xf32>
    %add3A_1020 = arith.addf %slice3A_1017, %add3A_1019 : vector<1536x128xf32>
    %logistic3A_1021 = arith.negf %add3A_1020 : vector<1536x128xf32>
    %logistic3A_1022 = math.exp %logistic3A_1021 : vector<1536x128xf32>
    %logistic3A_1023 = arith.constant 1.000000e+00 : f32
    %logistic3A_1024 = vector.broadcast %logistic3A_1023 : f32 to vector<1536x128xf32>
    %logistic3A_1025 = arith.addf %logistic3A_1024, %logistic3A_1022 : vector<1536x128xf32>
    %logistic3A_1026 = arith.divf %logistic3A_1024, %logistic3A_1025 : vector<1536x128xf32>
    %slice3A_1027 = vector.extract_strided_slice %concatenate3A_1006 {offsets = [0, 256], sizes = [1536, 128], strides = [1, 1]} : vector<1536x384xf32> to vector<1536x128xf32>
    %slice3A_1028 = vector.extract_strided_slice %get3A_4 {offsets = [0, 256], sizes = [1, 128], strides = [1, 1]} : vector<1x384xf32> to vector<1x128xf32>
    %add3A_1029 = vector.broadcast %slice3A_1028 : vector<1x128xf32> to vector<1536x128xf32>
    %add3A_1030 = arith.addf %slice3A_1027, %add3A_1029 : vector<1536x128xf32>
    %tanh3A_1031 = math.tanh %add3A_1030 : vector<1536x128xf32>
    %mul3A_1032 = arith.mulf %logistic3A_1016, %tanh3A_1031 : vector<1536x128xf32>
    %add3A_1033 = arith.addf %mul3A_1032, %concatenate3A_1005 : vector<1536x128xf32>
    %tanh3A_1034 = math.tanh %add3A_1033 : vector<1536x128xf32>
    %mul3A_1035 = arith.mulf %logistic3A_1026, %tanh3A_1034 : vector<1536x128xf32>
    %swap3A_1036 = arith.constant 0 : index
    %swap3A_1037 = arith.constant 0 : index
    %swap3A_1038 = vector.load %arg13[%swap3A_1036, %swap3A_1037] : memref<6144x128xf32, #tpu.memory_space<vmem>>, vector<1536x128xf32>
    tpu.vector_store %arg13[%swap3A_1036, %swap3A_1037], %mul3A_1035 {strides = array<i32>} : memref<6144x128xf32, #tpu.memory_space<vmem>>, vector<1536x128xf32>,
    %swap3A_1039 = arith.constant 0 : index
    %swap3A_1040 = arith.constant 0 : index
    %swap3A_1041 = vector.load %arg14[%swap3A_1039, %swap3A_1040] : memref<6144x128xf32, #tpu.memory_space<vmem>>, vector<1536x128xf32>
    tpu.vector_store %arg14[%swap3A_1039, %swap3A_1040], %add3A_1033 {strides = array<i32>} : memref<6144x128xf32, #tpu.memory_space<vmem>>, vector<1536x128xf32>,
    %get3A_1042 = arith.constant 0 : index
    %get3A_1043 = arith.constant 0 : index
    %get3A_1044 = vector.load %arg13[%get3A_1042, %get3A_1043] : memref<6144x128xf32, #tpu.memory_space<vmem>>, vector<1536x128xf32>
    %get3A_1045 = arith.constant 0 : index
    %get3A_1046 = arith.constant 0 : index
    %get3A_1047 = vector.load %arg3[%get3A_1045, %get3A_1046] : memref<128x512xf32, #tpu.memory_space<vmem>>, vector<128x512xf32>
    %dot_general3A_1048 = arith.constant dense<0.000000e+00> : vector<1536x512xf32>
    %dot_general3A_1049 = tpu.matmul %get3A_1044, %get3A_1047, %dot_general3A_1048 {dimension_numbers = #tpu.dot_dimension_numbers<[1], [0], [0], [1], [0, 0, 1, 1], [], []>, transpose_lhs_hint = false} : vector<1536x128xf32>, vector<128x512xf32>, vector<1536x512xf32> -> vector<1536x512xf32>
    %slice3A_1050 = vector.extract_strided_slice %dot_general3A_1049 {offsets = [0, 0], sizes = [1536, 128], strides = [1, 1]} : vector<1536x512xf32> to vector<1536x128xf32>
    %add3A_1051 = vector.broadcast %get3A_13 : vector<1x128xf32> to vector<1536x128xf32>
    %add3A_1052 = arith.addf %slice3A_1050, %add3A_1051 : vector<1536x128xf32>
    %logistic3A_1053 = arith.negf %add3A_1052 : vector<1536x128xf32>
    %logistic3A_1054 = math.exp %logistic3A_1053 : vector<1536x128xf32>
    %logistic3A_1055 = arith.constant 1.000000e+00 : f32
    %logistic3A_1056 = vector.broadcast %logistic3A_1055 : f32 to vector<1536x128xf32>
    %logistic3A_1057 = arith.addf %logistic3A_1056, %logistic3A_1054 : vector<1536x128xf32>
    %logistic3A_1058 = arith.divf %logistic3A_1056, %logistic3A_1057 : vector<1536x128xf32>
    %get3A_1059 = arith.constant 0 : index
    %get3A_1060 = arith.constant 0 : index
    %get3A_1061 = vector.load %arg14[%get3A_1059, %get3A_1060] : memref<6144x128xf32, #tpu.memory_space<vmem>>, vector<1536x128xf32>
    %mul3A_1062 = arith.mulf %logistic3A_1058, %get3A_1061 : vector<1536x128xf32>
    %slice3A_1063 = vector.extract_strided_slice %mul3A_1062 {offsets = [0, 0], sizes = [256, 128], strides = [1, 1]} : vector<1536x128xf32> to vector<256x128xf32>
    %slice3A_1064 = vector.extract_strided_slice %mul3A_1062 {offsets = [256, 0], sizes = [256, 128], strides = [1, 1]} : vector<1536x128xf32> to vector<256x128xf32>
    %add3A_1065 = arith.addf %slice3A_1063, %slice3A_1064 : vector<256x128xf32>
    %slice3A_1066 = vector.extract_strided_slice %dot_general3A_1049 {offsets = [0, 128], sizes = [256, 384], strides = [1, 1]} : vector<1536x512xf32> to vector<256x384xf32>
    %slice3A_1067 = vector.extract_strided_slice %dot_general3A_1049 {offsets = [256, 128], sizes = [256, 384], strides = [1, 1]} : vector<1536x512xf32> to vector<256x384xf32>
    %add3A_1068 = arith.addf %slice3A_1066, %slice3A_1067 : vector<256x384xf32>
    %slice3A_1069 = vector.extract_strided_slice %mul3A_1062 {offsets = [512, 0], sizes = [256, 128], strides = [1, 1]} : vector<1536x128xf32> to vector<256x128xf32>
    %slice3A_1070 = vector.extract_strided_slice %mul3A_1062 {offsets = [768, 0], sizes = [256, 128], strides = [1, 1]} : vector<1536x128xf32> to vector<256x128xf32>
    %add3A_1071 = arith.addf %slice3A_1069, %slice3A_1070 : vector<256x128xf32>
    %slice3A_1072 = vector.extract_strided_slice %dot_general3A_1049 {offsets = [512, 128], sizes = [256, 384], strides = [1, 1]} : vector<1536x512xf32> to vector<256x384xf32>
    %slice3A_1073 = vector.extract_strided_slice %dot_general3A_1049 {offsets = [768, 128], sizes = [256, 384], strides = [1, 1]} : vector<1536x512xf32> to vector<256x384xf32>
    %add3A_1074 = arith.addf %slice3A_1072, %slice3A_1073 : vector<256x384xf32>
    %slice3A_1075 = vector.extract_strided_slice %mul3A_1062 {offsets = [1024, 0], sizes = [256, 128], strides = [1, 1]} : vector<1536x128xf32> to vector<256x128xf32>
    %slice3A_1076 = vector.extract_strided_slice %mul3A_1062 {offsets = [1280, 0], sizes = [256, 128], strides = [1, 1]} : vector<1536x128xf32> to vector<256x128xf32>
    %add3A_1077 = arith.addf %slice3A_1075, %slice3A_1076 : vector<256x128xf32>
    %slice3A_1078 = vector.extract_strided_slice %dot_general3A_1049 {offsets = [1024, 128], sizes = [256, 384], strides = [1, 1]} : vector<1536x512xf32> to vector<256x384xf32>
    %slice3A_1079 = vector.extract_strided_slice %dot_general3A_1049 {offsets = [1280, 128], sizes = [256, 384], strides = [1, 1]} : vector<1536x512xf32> to vector<256x384xf32>
    %add3A_1080 = arith.addf %slice3A_1078, %slice3A_1079 : vector<256x384xf32>
    %concatenate3A_1081 = tpu.concatenate %add3A_1065, %add3A_1071, %add3A_1077 in 0 : vector<256x128xf32>, vector<256x128xf32>, vector<256x128xf32> -> vector<768x128xf32>
    %concatenate3A_1082 = tpu.concatenate %add3A_1068, %add3A_1074, %add3A_1080 in 0 : vector<256x384xf32>, vector<256x384xf32>, vector<256x384xf32> -> vector<768x384xf32>
    %slice3A_1083 = vector.extract_strided_slice %concatenate3A_1082 {offsets = [0, 0], sizes = [768, 128], strides = [1, 1]} : vector<768x384xf32> to vector<768x128xf32>
    %slice3A_1084 = vector.extract_strided_slice %get3A_4 {offsets = [0, 0], sizes = [1, 128], strides = [1, 1]} : vector<1x384xf32> to vector<1x128xf32>
    %add3A_1085 = vector.broadcast %slice3A_1084 : vector<1x128xf32> to vector<768x128xf32>
    %add3A_1086 = arith.addf %slice3A_1083, %add3A_1085 : vector<768x128xf32>
    %logistic3A_1087 = arith.negf %add3A_1086 : vector<768x128xf32>
    %logistic3A_1088 = math.exp %logistic3A_1087 : vector<768x128xf32>
    %logistic3A_1089 = arith.constant 1.000000e+00 : f32
    %logistic3A_1090 = vector.broadcast %logistic3A_1089 : f32 to vector<768x128xf32>
    %logistic3A_1091 = arith.addf %logistic3A_1090, %logistic3A_1088 : vector<768x128xf32>
    %logistic3A_1092 = arith.divf %logistic3A_1090, %logistic3A_1091 : vector<768x128xf32>
    %slice3A_1093 = vector.extract_strided_slice %concatenate3A_1082 {offsets = [0, 128], sizes = [768, 128], strides = [1, 1]} : vector<768x384xf32> to vector<768x128xf32>
    %slice3A_1094 = vector.extract_strided_slice %get3A_4 {offsets = [0, 128], sizes = [1, 128], strides = [1, 1]} : vector<1x384xf32> to vector<1x128xf32>
    %add3A_1095 = vector.broadcast %slice3A_1094 : vector<1x128xf32> to vector<768x128xf32>
    %add3A_1096 = arith.addf %slice3A_1093, %add3A_1095 : vector<768x128xf32>
    %logistic3A_1097 = arith.negf %add3A_1096 : vector<768x128xf32>
    %logistic3A_1098 = math.exp %logistic3A_1097 : vector<768x128xf32>
    %logistic3A_1099 = arith.constant 1.000000e+00 : f32
    %logistic3A_1100 = vector.broadcast %logistic3A_1099 : f32 to vector<768x128xf32>
    %logistic3A_1101 = arith.addf %logistic3A_1100, %logistic3A_1098 : vector<768x128xf32>
    %logistic3A_1102 = arith.divf %logistic3A_1100, %logistic3A_1101 : vector<768x128xf32>
    %slice3A_1103 = vector.extract_strided_slice %concatenate3A_1082 {offsets = [0, 256], sizes = [768, 128], strides = [1, 1]} : vector<768x384xf32> to vector<768x128xf32>
    %slice3A_1104 = vector.extract_strided_slice %get3A_4 {offsets = [0, 256], sizes = [1, 128], strides = [1, 1]} : vector<1x384xf32> to vector<1x128xf32>
    %add3A_1105 = vector.broadcast %slice3A_1104 : vector<1x128xf32> to vector<768x128xf32>
    %add3A_1106 = arith.addf %slice3A_1103, %add3A_1105 : vector<768x128xf32>
    %tanh3A_1107 = math.tanh %add3A_1106 : vector<768x128xf32>
    %mul3A_1108 = arith.mulf %logistic3A_1092, %tanh3A_1107 : vector<768x128xf32>
    %add3A_1109 = arith.addf %mul3A_1108, %concatenate3A_1081 : vector<768x128xf32>
    %tanh3A_1110 = math.tanh %add3A_1109 : vector<768x128xf32>
    %mul3A_1111 = arith.mulf %logistic3A_1102, %tanh3A_1110 : vector<768x128xf32>
    %swap3A_1112 = arith.constant 0 : index
    %swap3A_1113 = arith.constant 0 : index
    %swap3A_1114 = vector.load %arg11[%swap3A_1112, %swap3A_1113] : memref<12288x128xf32, #tpu.memory_space<vmem>>, vector<768x128xf32>
    tpu.vector_store %arg11[%swap3A_1112, %swap3A_1113], %mul3A_1111 {strides = array<i32>} : memref<12288x128xf32, #tpu.memory_space<vmem>>, vector<768x128xf32>,
    %swap3A_1115 = arith.constant 0 : index
    %swap3A_1116 = arith.constant 0 : index
    %swap3A_1117 = vector.load %arg12[%swap3A_1115, %swap3A_1116] : memref<12288x128xf32, #tpu.memory_space<vmem>>, vector<768x128xf32>
    tpu.vector_store %arg12[%swap3A_1115, %swap3A_1116], %add3A_1109 {strides = array<i32>} : memref<12288x128xf32, #tpu.memory_space<vmem>>, vector<768x128xf32>,
    %get3A_1118 = arith.constant 0 : index
    %get3A_1119 = arith.constant 0 : index
    %get3A_1120 = vector.load %arg11[%get3A_1118, %get3A_1119] : memref<12288x128xf32, #tpu.memory_space<vmem>>, vector<768x128xf32>
    %get3A_1121 = arith.constant 0 : index
    %get3A_1122 = arith.constant 0 : index
    %get3A_1123 = vector.load %arg3[%get3A_1121, %get3A_1122] : memref<128x512xf32, #tpu.memory_space<vmem>>, vector<128x512xf32>
    %dot_general3A_1124 = arith.constant dense<0.000000e+00> : vector<768x512xf32>
    %dot_general3A_1125 = tpu.matmul %get3A_1120, %get3A_1123, %dot_general3A_1124 {dimension_numbers = #tpu.dot_dimension_numbers<[1], [0], [0], [1], [0, 0, 1, 1], [], []>, transpose_lhs_hint = false} : vector<768x128xf32>, vector<128x512xf32>, vector<768x512xf32> -> vector<768x512xf32>
    %slice3A_1126 = vector.extract_strided_slice %dot_general3A_1125 {offsets = [0, 0], sizes = [768, 128], strides = [1, 1]} : vector<768x512xf32> to vector<768x128xf32>
    %add3A_1127 = vector.broadcast %get3A_13 : vector<1x128xf32> to vector<768x128xf32>
    %add3A_1128 = arith.addf %slice3A_1126, %add3A_1127 : vector<768x128xf32>
    %logistic3A_1129 = arith.negf %add3A_1128 : vector<768x128xf32>
    %logistic3A_1130 = math.exp %logistic3A_1129 : vector<768x128xf32>
    %logistic3A_1131 = arith.constant 1.000000e+00 : f32
    %logistic3A_1132 = vector.broadcast %logistic3A_1131 : f32 to vector<768x128xf32>
    %logistic3A_1133 = arith.addf %logistic3A_1132, %logistic3A_1130 : vector<768x128xf32>
    %logistic3A_1134 = arith.divf %logistic3A_1132, %logistic3A_1133 : vector<768x128xf32>
    %get3A_1135 = arith.constant 0 : index
    %get3A_1136 = arith.constant 0 : index
    %get3A_1137 = vector.load %arg12[%get3A_1135, %get3A_1136] : memref<12288x128xf32, #tpu.memory_space<vmem>>, vector<768x128xf32>
    %mul3A_1138 = arith.mulf %logistic3A_1134, %get3A_1137 : vector<768x128xf32>
    %slice3A_1139 = vector.extract_strided_slice %mul3A_1138 {offsets = [0, 0], sizes = [128, 128], strides = [1, 1]} : vector<768x128xf32> to vector<128x128xf32>
    %slice3A_1140 = vector.extract_strided_slice %mul3A_1138 {offsets = [128, 0], sizes = [128, 128], strides = [1, 1]} : vector<768x128xf32> to vector<128x128xf32>
    %add3A_1141 = arith.addf %slice3A_1139, %slice3A_1140 : vector<128x128xf32>
    %slice3A_1142 = vector.extract_strided_slice %dot_general3A_1125 {offsets = [0, 128], sizes = [128, 384], strides = [1, 1]} : vector<768x512xf32> to vector<128x384xf32>
    %slice3A_1143 = vector.extract_strided_slice %dot_general3A_1125 {offsets = [128, 128], sizes = [128, 384], strides = [1, 1]} : vector<768x512xf32> to vector<128x384xf32>
    %add3A_1144 = arith.addf %slice3A_1142, %slice3A_1143 : vector<128x384xf32>
    %slice3A_1145 = vector.extract_strided_slice %mul3A_1138 {offsets = [256, 0], sizes = [128, 128], strides = [1, 1]} : vector<768x128xf32> to vector<128x128xf32>
    %slice3A_1146 = vector.extract_strided_slice %mul3A_1138 {offsets = [384, 0], sizes = [128, 128], strides = [1, 1]} : vector<768x128xf32> to vector<128x128xf32>
    %add3A_1147 = arith.addf %slice3A_1145, %slice3A_1146 : vector<128x128xf32>
    %slice3A_1148 = vector.extract_strided_slice %dot_general3A_1125 {offsets = [256, 128], sizes = [128, 384], strides = [1, 1]} : vector<768x512xf32> to vector<128x384xf32>
    %slice3A_1149 = vector.extract_strided_slice %dot_general3A_1125 {offsets = [384, 128], sizes = [128, 384], strides = [1, 1]} : vector<768x512xf32> to vector<128x384xf32>
    %add3A_1150 = arith.addf %slice3A_1148, %slice3A_1149 : vector<128x384xf32>
    %slice3A_1151 = vector.extract_strided_slice %mul3A_1138 {offsets = [512, 0], sizes = [128, 128], strides = [1, 1]} : vector<768x128xf32> to vector<128x128xf32>
    %slice3A_1152 = vector.extract_strided_slice %mul3A_1138 {offsets = [640, 0], sizes = [128, 128], strides = [1, 1]} : vector<768x128xf32> to vector<128x128xf32>
    %add3A_1153 = arith.addf %slice3A_1151, %slice3A_1152 : vector<128x128xf32>
    %slice3A_1154 = vector.extract_strided_slice %dot_general3A_1125 {offsets = [512, 128], sizes = [128, 384], strides = [1, 1]} : vector<768x512xf32> to vector<128x384xf32>
    %slice3A_1155 = vector.extract_strided_slice %dot_general3A_1125 {offsets = [640, 128], sizes = [128, 384], strides = [1, 1]} : vector<768x512xf32> to vector<128x384xf32>
    %add3A_1156 = arith.addf %slice3A_1154, %slice3A_1155 : vector<128x384xf32>
    %concatenate3A_1157 = tpu.concatenate %add3A_1141, %add3A_1147, %add3A_1153 in 0 : vector<128x128xf32>, vector<128x128xf32>, vector<128x128xf32> -> vector<384x128xf32>
    %concatenate3A_1158 = tpu.concatenate %add3A_1144, %add3A_1150, %add3A_1156 in 0 : vector<128x384xf32>, vector<128x384xf32>, vector<128x384xf32> -> vector<384x384xf32>
    %slice3A_1159 = vector.extract_strided_slice %concatenate3A_1158 {offsets = [0, 0], sizes = [384, 128], strides = [1, 1]} : vector<384x384xf32> to vector<384x128xf32>
    %slice3A_1160 = vector.extract_strided_slice %get3A_4 {offsets = [0, 0], sizes = [1, 128], strides = [1, 1]} : vector<1x384xf32> to vector<1x128xf32>
    %add3A_1161 = vector.broadcast %slice3A_1160 : vector<1x128xf32> to vector<384x128xf32>
    %add3A_1162 = arith.addf %slice3A_1159, %add3A_1161 : vector<384x128xf32>
    %logistic3A_1163 = arith.negf %add3A_1162 : vector<384x128xf32>
    %logistic3A_1164 = math.exp %logistic3A_1163 : vector<384x128xf32>
    %logistic3A_1165 = arith.constant 1.000000e+00 : f32
    %logistic3A_1166 = vector.broadcast %logistic3A_1165 : f32 to vector<384x128xf32>
    %logistic3A_1167 = arith.addf %logistic3A_1166, %logistic3A_1164 : vector<384x128xf32>
    %logistic3A_1168 = arith.divf %logistic3A_1166, %logistic3A_1167 : vector<384x128xf32>
    %slice3A_1169 = vector.extract_strided_slice %concatenate3A_1158 {offsets = [0, 128], sizes = [384, 128], strides = [1, 1]} : vector<384x384xf32> to vector<384x128xf32>
    %slice3A_1170 = vector.extract_strided_slice %get3A_4 {offsets = [0, 128], sizes = [1, 128], strides = [1, 1]} : vector<1x384xf32> to vector<1x128xf32>
    %add3A_1171 = vector.broadcast %slice3A_1170 : vector<1x128xf32> to vector<384x128xf32>
    %add3A_1172 = arith.addf %slice3A_1169, %add3A_1171 : vector<384x128xf32>
    %logistic3A_1173 = arith.negf %add3A_1172 : vector<384x128xf32>
    %logistic3A_1174 = math.exp %logistic3A_1173 : vector<384x128xf32>
    %logistic3A_1175 = arith.constant 1.000000e+00 : f32
    %logistic3A_1176 = vector.broadcast %logistic3A_1175 : f32 to vector<384x128xf32>
    %logistic3A_1177 = arith.addf %logistic3A_1176, %logistic3A_1174 : vector<384x128xf32>
    %logistic3A_1178 = arith.divf %logistic3A_1176, %logistic3A_1177 : vector<384x128xf32>
    %slice3A_1179 = vector.extract_strided_slice %concatenate3A_1158 {offsets = [0, 256], sizes = [384, 128], strides = [1, 1]} : vector<384x384xf32> to vector<384x128xf32>
    %slice3A_1180 = vector.extract_strided_slice %get3A_4 {offsets = [0, 256], sizes = [1, 128], strides = [1, 1]} : vector<1x384xf32> to vector<1x128xf32>
    %add3A_1181 = vector.broadcast %slice3A_1180 : vector<1x128xf32> to vector<384x128xf32>
    %add3A_1182 = arith.addf %slice3A_1179, %add3A_1181 : vector<384x128xf32>
    %tanh3A_1183 = math.tanh %add3A_1182 : vector<384x128xf32>
    %mul3A_1184 = arith.mulf %logistic3A_1168, %tanh3A_1183 : vector<384x128xf32>
    %add3A_1185 = arith.addf %mul3A_1184, %concatenate3A_1157 : vector<384x128xf32>
    %tanh3A_1186 = math.tanh %add3A_1185 : vector<384x128xf32>
    %mul3A_1187 = arith.mulf %logistic3A_1178, %tanh3A_1186 : vector<384x128xf32>
    %swap3A_1188 = arith.constant 0 : index
    %swap3A_1189 = arith.constant 0 : index
    %swap3A_1190 = vector.load %arg13[%swap3A_1188, %swap3A_1189] : memref<6144x128xf32, #tpu.memory_space<vmem>>, vector<384x128xf32>
    tpu.vector_store %arg13[%swap3A_1188, %swap3A_1189], %mul3A_1187 {strides = array<i32>} : memref<6144x128xf32, #tpu.memory_space<vmem>>, vector<384x128xf32>,
    %swap3A_1191 = arith.constant 0 : index
    %swap3A_1192 = arith.constant 0 : index
    %swap3A_1193 = vector.load %arg14[%swap3A_1191, %swap3A_1192] : memref<6144x128xf32, #tpu.memory_space<vmem>>, vector<384x128xf32>
    tpu.vector_store %arg14[%swap3A_1191, %swap3A_1192], %add3A_1185 {strides = array<i32>} : memref<6144x128xf32, #tpu.memory_space<vmem>>, vector<384x128xf32>,
    %get3A_1194 = arith.constant 0 : index
    %get3A_1195 = arith.constant 0 : index
    %get3A_1196 = vector.load %arg13[%get3A_1194, %get3A_1195] : memref<6144x128xf32, #tpu.memory_space<vmem>>, vector<384x128xf32>
    %get3A_1197 = arith.constant 0 : index
    %get3A_1198 = arith.constant 0 : index
    %get3A_1199 = vector.load %arg3[%get3A_1197, %get3A_1198] : memref<128x512xf32, #tpu.memory_space<vmem>>, vector<128x512xf32>
    %dot_general3A_1200 = arith.constant dense<0.000000e+00> : vector<384x512xf32>
    %dot_general3A_1201 = tpu.matmul %get3A_1196, %get3A_1199, %dot_general3A_1200 {dimension_numbers = #tpu.dot_dimension_numbers<[1], [0], [0], [1], [0, 0, 1, 1], [], []>, transpose_lhs_hint = false} : vector<384x128xf32>, vector<128x512xf32>, vector<384x512xf32> -> vector<384x512xf32>
    %slice3A_1202 = vector.extract_strided_slice %dot_general3A_1201 {offsets = [0, 0], sizes = [384, 128], strides = [1, 1]} : vector<384x512xf32> to vector<384x128xf32>
    %add3A_1203 = vector.broadcast %get3A_13 : vector<1x128xf32> to vector<384x128xf32>
    %add3A_1204 = arith.addf %slice3A_1202, %add3A_1203 : vector<384x128xf32>
    %logistic3A_1205 = arith.negf %add3A_1204 : vector<384x128xf32>
    %logistic3A_1206 = math.exp %logistic3A_1205 : vector<384x128xf32>
    %logistic3A_1207 = arith.constant 1.000000e+00 : f32
    %logistic3A_1208 = vector.broadcast %logistic3A_1207 : f32 to vector<384x128xf32>
    %logistic3A_1209 = arith.addf %logistic3A_1208, %logistic3A_1206 : vector<384x128xf32>
    %logistic3A_1210 = arith.divf %logistic3A_1208, %logistic3A_1209 : vector<384x128xf32>
    %get3A_1211 = arith.constant 0 : index
    %get3A_1212 = arith.constant 0 : index
    %get3A_1213 = vector.load %arg14[%get3A_1211, %get3A_1212] : memref<6144x128xf32, #tpu.memory_space<vmem>>, vector<384x128xf32>
    %mul3A_1214 = arith.mulf %logistic3A_1210, %get3A_1213 : vector<384x128xf32>
    %slice3A_1215 = vector.extract_strided_slice %mul3A_1214 {offsets = [0, 0], sizes = [64, 128], strides = [1, 1]} : vector<384x128xf32> to vector<64x128xf32>
    %slice3A_1216 = vector.extract_strided_slice %mul3A_1214 {offsets = [64, 0], sizes = [64, 128], strides = [1, 1]} : vector<384x128xf32> to vector<64x128xf32>
    %add3A_1217 = arith.addf %slice3A_1215, %slice3A_1216 : vector<64x128xf32>
    %slice3A_1218 = vector.extract_strided_slice %dot_general3A_1201 {offsets = [0, 128], sizes = [64, 384], strides = [1, 1]} : vector<384x512xf32> to vector<64x384xf32>
    %slice3A_1219 = vector.extract_strided_slice %dot_general3A_1201 {offsets = [64, 128], sizes = [64, 384], strides = [1, 1]} : vector<384x512xf32> to vector<64x384xf32>
    %add3A_1220 = arith.addf %slice3A_1218, %slice3A_1219 : vector<64x384xf32>
    %slice3A_1221 = vector.extract_strided_slice %mul3A_1214 {offsets = [128, 0], sizes = [64, 128], strides = [1, 1]} : vector<384x128xf32> to vector<64x128xf32>
    %slice3A_1222 = vector.extract_strided_slice %mul3A_1214 {offsets = [192, 0], sizes = [64, 128], strides = [1, 1]} : vector<384x128xf32> to vector<64x128xf32>
    %add3A_1223 = arith.addf %slice3A_1221, %slice3A_1222 : vector<64x128xf32>
    %slice3A_1224 = vector.extract_strided_slice %dot_general3A_1201 {offsets = [128, 128], sizes = [64, 384], strides = [1, 1]} : vector<384x512xf32> to vector<64x384xf32>
    %slice3A_1225 = vector.extract_strided_slice %dot_general3A_1201 {offsets = [192, 128], sizes = [64, 384], strides = [1, 1]} : vector<384x512xf32> to vector<64x384xf32>
    %add3A_1226 = arith.addf %slice3A_1224, %slice3A_1225 : vector<64x384xf32>
    %slice3A_1227 = vector.extract_strided_slice %mul3A_1214 {offsets = [256, 0], sizes = [64, 128], strides = [1, 1]} : vector<384x128xf32> to vector<64x128xf32>
    %slice3A_1228 = vector.extract_strided_slice %mul3A_1214 {offsets = [320, 0], sizes = [64, 128], strides = [1, 1]} : vector<384x128xf32> to vector<64x128xf32>
    %add3A_1229 = arith.addf %slice3A_1227, %slice3A_1228 : vector<64x128xf32>
    %slice3A_1230 = vector.extract_strided_slice %dot_general3A_1201 {offsets = [256, 128], sizes = [64, 384], strides = [1, 1]} : vector<384x512xf32> to vector<64x384xf32>
    %slice3A_1231 = vector.extract_strided_slice %dot_general3A_1201 {offsets = [320, 128], sizes = [64, 384], strides = [1, 1]} : vector<384x512xf32> to vector<64x384xf32>
    %add3A_1232 = arith.addf %slice3A_1230, %slice3A_1231 : vector<64x384xf32>
    %concatenate3A_1233 = tpu.concatenate %add3A_1217, %add3A_1223, %add3A_1229 in 0 : vector<64x128xf32>, vector<64x128xf32>, vector<64x128xf32> -> vector<192x128xf32>
    %concatenate3A_1234 = tpu.concatenate %add3A_1220, %add3A_1226, %add3A_1232 in 0 : vector<64x384xf32>, vector<64x384xf32>, vector<64x384xf32> -> vector<192x384xf32>
    %slice3A_1235 = vector.extract_strided_slice %concatenate3A_1234 {offsets = [0, 0], sizes = [192, 128], strides = [1, 1]} : vector<192x384xf32> to vector<192x128xf32>
    %slice3A_1236 = vector.extract_strided_slice %get3A_4 {offsets = [0, 0], sizes = [1, 128], strides = [1, 1]} : vector<1x384xf32> to vector<1x128xf32>
    %add3A_1237 = vector.broadcast %slice3A_1236 : vector<1x128xf32> to vector<192x128xf32>
    %add3A_1238 = arith.addf %slice3A_1235, %add3A_1237 : vector<192x128xf32>
    %logistic3A_1239 = arith.negf %add3A_1238 : vector<192x128xf32>
    %logistic3A_1240 = math.exp %logistic3A_1239 : vector<192x128xf32>
    %logistic3A_1241 = arith.constant 1.000000e+00 : f32
    %logistic3A_1242 = vector.broadcast %logistic3A_1241 : f32 to vector<192x128xf32>
    %logistic3A_1243 = arith.addf %logistic3A_1242, %logistic3A_1240 : vector<192x128xf32>
    %logistic3A_1244 = arith.divf %logistic3A_1242, %logistic3A_1243 : vector<192x128xf32>
    %slice3A_1245 = vector.extract_strided_slice %concatenate3A_1234 {offsets = [0, 128], sizes = [192, 128], strides = [1, 1]} : vector<192x384xf32> to vector<192x128xf32>
    %slice3A_1246 = vector.extract_strided_slice %get3A_4 {offsets = [0, 128], sizes = [1, 128], strides = [1, 1]} : vector<1x384xf32> to vector<1x128xf32>
    %add3A_1247 = vector.broadcast %slice3A_1246 : vector<1x128xf32> to vector<192x128xf32>
    %add3A_1248 = arith.addf %slice3A_1245, %add3A_1247 : vector<192x128xf32>
    %logistic3A_1249 = arith.negf %add3A_1248 : vector<192x128xf32>
    %logistic3A_1250 = math.exp %logistic3A_1249 : vector<192x128xf32>
    %logistic3A_1251 = arith.constant 1.000000e+00 : f32
    %logistic3A_1252 = vector.broadcast %logistic3A_1251 : f32 to vector<192x128xf32>
    %logistic3A_1253 = arith.addf %logistic3A_1252, %logistic3A_1250 : vector<192x128xf32>
    %logistic3A_1254 = arith.divf %logistic3A_1252, %logistic3A_1253 : vector<192x128xf32>
    %slice3A_1255 = vector.extract_strided_slice %concatenate3A_1234 {offsets = [0, 256], sizes = [192, 128], strides = [1, 1]} : vector<192x384xf32> to vector<192x128xf32>
    %slice3A_1256 = vector.extract_strided_slice %get3A_4 {offsets = [0, 256], sizes = [1, 128], strides = [1, 1]} : vector<1x384xf32> to vector<1x128xf32>
    %add3A_1257 = vector.broadcast %slice3A_1256 : vector<1x128xf32> to vector<192x128xf32>
    %add3A_1258 = arith.addf %slice3A_1255, %add3A_1257 : vector<192x128xf32>
    %tanh3A_1259 = math.tanh %add3A_1258 : vector<192x128xf32>
    %mul3A_1260 = arith.mulf %logistic3A_1244, %tanh3A_1259 : vector<192x128xf32>
    %add3A_1261 = arith.addf %mul3A_1260, %concatenate3A_1233 : vector<192x128xf32>
    %tanh3A_1262 = math.tanh %add3A_1261 : vector<192x128xf32>
    %mul3A_1263 = arith.mulf %logistic3A_1254, %tanh3A_1262 : vector<192x128xf32>
    %swap3A_1264 = arith.constant 0 : index
    %swap3A_1265 = arith.constant 0 : index
    %swap3A_1266 = vector.load %arg11[%swap3A_1264, %swap3A_1265] : memref<12288x128xf32, #tpu.memory_space<vmem>>, vector<192x128xf32>
    tpu.vector_store %arg11[%swap3A_1264, %swap3A_1265], %mul3A_1263 {strides = array<i32>} : memref<12288x128xf32, #tpu.memory_space<vmem>>, vector<192x128xf32>,
    %swap3A_1267 = arith.constant 0 : index
    %swap3A_1268 = arith.constant 0 : index
    %swap3A_1269 = vector.load %arg12[%swap3A_1267, %swap3A_1268] : memref<12288x128xf32, #tpu.memory_space<vmem>>, vector<192x128xf32>
    tpu.vector_store %arg12[%swap3A_1267, %swap3A_1268], %add3A_1261 {strides = array<i32>} : memref<12288x128xf32, #tpu.memory_space<vmem>>, vector<192x128xf32>,
    %get3A_1270 = arith.constant 0 : index
    %get3A_1271 = arith.constant 0 : index
    %get3A_1272 = vector.load %arg11[%get3A_1270, %get3A_1271] : memref<12288x128xf32, #tpu.memory_space<vmem>>, vector<192x128xf32>
    %get3A_1273 = arith.constant 0 : index
    %get3A_1274 = arith.constant 0 : index
    %get3A_1275 = vector.load %arg3[%get3A_1273, %get3A_1274] : memref<128x512xf32, #tpu.memory_space<vmem>>, vector<128x512xf32>
    %dot_general3A_1276 = arith.constant dense<0.000000e+00> : vector<192x512xf32>
    %dot_general3A_1277 = tpu.matmul %get3A_1272, %get3A_1275, %dot_general3A_1276 {dimension_numbers = #tpu.dot_dimension_numbers<[1], [0], [0], [1], [0, 0, 1, 1], [], []>, transpose_lhs_hint = false} : vector<192x128xf32>, vector<128x512xf32>, vector<192x512xf32> -> vector<192x512xf32>
    %slice3A_1278 = vector.extract_strided_slice %dot_general3A_1277 {offsets = [0, 0], sizes = [192, 128], strides = [1, 1]} : vector<192x512xf32> to vector<192x128xf32>
    %add3A_1279 = vector.broadcast %get3A_13 : vector<1x128xf32> to vector<192x128xf32>
    %add3A_1280 = arith.addf %slice3A_1278, %add3A_1279 : vector<192x128xf32>
    %logistic3A_1281 = arith.negf %add3A_1280 : vector<192x128xf32>
    %logistic3A_1282 = math.exp %logistic3A_1281 : vector<192x128xf32>
    %logistic3A_1283 = arith.constant 1.000000e+00 : f32
    %logistic3A_1284 = vector.broadcast %logistic3A_1283 : f32 to vector<192x128xf32>
    %logistic3A_1285 = arith.addf %logistic3A_1284, %logistic3A_1282 : vector<192x128xf32>
    %logistic3A_1286 = arith.divf %logistic3A_1284, %logistic3A_1285 : vector<192x128xf32>
    %get3A_1287 = arith.constant 0 : index
    %get3A_1288 = arith.constant 0 : index
    %get3A_1289 = vector.load %arg12[%get3A_1287, %get3A_1288] : memref<12288x128xf32, #tpu.memory_space<vmem>>, vector<192x128xf32>
    %mul3A_1290 = arith.mulf %logistic3A_1286, %get3A_1289 : vector<192x128xf32>
    %slice3A_1291 = vector.extract_strided_slice %mul3A_1290 {offsets = [0, 0], sizes = [32, 128], strides = [1, 1]} : vector<192x128xf32> to vector<32x128xf32>
    %slice3A_1292 = vector.extract_strided_slice %mul3A_1290 {offsets = [32, 0], sizes = [32, 128], strides = [1, 1]} : vector<192x128xf32> to vector<32x128xf32>
    %add3A_1293 = arith.addf %slice3A_1291, %slice3A_1292 : vector<32x128xf32>
    %slice3A_1294 = vector.extract_strided_slice %dot_general3A_1277 {offsets = [0, 128], sizes = [32, 384], strides = [1, 1]} : vector<192x512xf32> to vector<32x384xf32>
    %slice3A_1295 = vector.extract_strided_slice %dot_general3A_1277 {offsets = [32, 128], sizes = [32, 384], strides = [1, 1]} : vector<192x512xf32> to vector<32x384xf32>
    %add3A_1296 = arith.addf %slice3A_1294, %slice3A_1295 : vector<32x384xf32>
    %slice3A_1297 = vector.extract_strided_slice %mul3A_1290 {offsets = [64, 0], sizes = [32, 128], strides = [1, 1]} : vector<192x128xf32> to vector<32x128xf32>
    %slice3A_1298 = vector.extract_strided_slice %mul3A_1290 {offsets = [96, 0], sizes = [32, 128], strides = [1, 1]} : vector<192x128xf32> to vector<32x128xf32>
    %add3A_1299 = arith.addf %slice3A_1297, %slice3A_1298 : vector<32x128xf32>
    %slice3A_1300 = vector.extract_strided_slice %dot_general3A_1277 {offsets = [64, 128], sizes = [32, 384], strides = [1, 1]} : vector<192x512xf32> to vector<32x384xf32>
    %slice3A_1301 = vector.extract_strided_slice %dot_general3A_1277 {offsets = [96, 128], sizes = [32, 384], strides = [1, 1]} : vector<192x512xf32> to vector<32x384xf32>
    %add3A_1302 = arith.addf %slice3A_1300, %slice3A_1301 : vector<32x384xf32>
    %slice3A_1303 = vector.extract_strided_slice %mul3A_1290 {offsets = [128, 0], sizes = [32, 128], strides = [1, 1]} : vector<192x128xf32> to vector<32x128xf32>
    %slice3A_1304 = vector.extract_strided_slice %mul3A_1290 {offsets = [160, 0], sizes = [32, 128], strides = [1, 1]} : vector<192x128xf32> to vector<32x128xf32>
    %add3A_1305 = arith.addf %slice3A_1303, %slice3A_1304 : vector<32x128xf32>
    %slice3A_1306 = vector.extract_strided_slice %dot_general3A_1277 {offsets = [128, 128], sizes = [32, 384], strides = [1, 1]} : vector<192x512xf32> to vector<32x384xf32>
    %slice3A_1307 = vector.extract_strided_slice %dot_general3A_1277 {offsets = [160, 128], sizes = [32, 384], strides = [1, 1]} : vector<192x512xf32> to vector<32x384xf32>
    %add3A_1308 = arith.addf %slice3A_1306, %slice3A_1307 : vector<32x384xf32>
    %concatenate3A_1309 = tpu.concatenate %add3A_1293, %add3A_1299, %add3A_1305 in 0 : vector<32x128xf32>, vector<32x128xf32>, vector<32x128xf32> -> vector<96x128xf32>
    %concatenate3A_1310 = tpu.concatenate %add3A_1296, %add3A_1302, %add3A_1308 in 0 : vector<32x384xf32>, vector<32x384xf32>, vector<32x384xf32> -> vector<96x384xf32>
    %slice3A_1311 = vector.extract_strided_slice %concatenate3A_1310 {offsets = [0, 0], sizes = [96, 128], strides = [1, 1]} : vector<96x384xf32> to vector<96x128xf32>
    %slice3A_1312 = vector.extract_strided_slice %get3A_4 {offsets = [0, 0], sizes = [1, 128], strides = [1, 1]} : vector<1x384xf32> to vector<1x128xf32>
    %add3A_1313 = vector.broadcast %slice3A_1312 : vector<1x128xf32> to vector<96x128xf32>
    %add3A_1314 = arith.addf %slice3A_1311, %add3A_1313 : vector<96x128xf32>
    %logistic3A_1315 = arith.negf %add3A_1314 : vector<96x128xf32>
    %logistic3A_1316 = math.exp %logistic3A_1315 : vector<96x128xf32>
    %logistic3A_1317 = arith.constant 1.000000e+00 : f32
    %logistic3A_1318 = vector.broadcast %logistic3A_1317 : f32 to vector<96x128xf32>
    %logistic3A_1319 = arith.addf %logistic3A_1318, %logistic3A_1316 : vector<96x128xf32>
    %logistic3A_1320 = arith.divf %logistic3A_1318, %logistic3A_1319 : vector<96x128xf32>
    %slice3A_1321 = vector.extract_strided_slice %concatenate3A_1310 {offsets = [0, 128], sizes = [96, 128], strides = [1, 1]} : vector<96x384xf32> to vector<96x128xf32>
    %slice3A_1322 = vector.extract_strided_slice %get3A_4 {offsets = [0, 128], sizes = [1, 128], strides = [1, 1]} : vector<1x384xf32> to vector<1x128xf32>
    %add3A_1323 = vector.broadcast %slice3A_1322 : vector<1x128xf32> to vector<96x128xf32>
    %add3A_1324 = arith.addf %slice3A_1321, %add3A_1323 : vector<96x128xf32>
    %logistic3A_1325 = arith.negf %add3A_1324 : vector<96x128xf32>
    %logistic3A_1326 = math.exp %logistic3A_1325 : vector<96x128xf32>
    %logistic3A_1327 = arith.constant 1.000000e+00 : f32
    %logistic3A_1328 = vector.broadcast %logistic3A_1327 : f32 to vector<96x128xf32>
    %logistic3A_1329 = arith.addf %logistic3A_1328, %logistic3A_1326 : vector<96x128xf32>
    %logistic3A_1330 = arith.divf %logistic3A_1328, %logistic3A_1329 : vector<96x128xf32>
    %slice3A_1331 = vector.extract_strided_slice %concatenate3A_1310 {offsets = [0, 256], sizes = [96, 128], strides = [1, 1]} : vector<96x384xf32> to vector<96x128xf32>
    %slice3A_1332 = vector.extract_strided_slice %get3A_4 {offsets = [0, 256], sizes = [1, 128], strides = [1, 1]} : vector<1x384xf32> to vector<1x128xf32>
    %add3A_1333 = vector.broadcast %slice3A_1332 : vector<1x128xf32> to vector<96x128xf32>
    %add3A_1334 = arith.addf %slice3A_1331, %add3A_1333 : vector<96x128xf32>
    %tanh3A_1335 = math.tanh %add3A_1334 : vector<96x128xf32>
    %mul3A_1336 = arith.mulf %logistic3A_1320, %tanh3A_1335 : vector<96x128xf32>
    %add3A_1337 = arith.addf %mul3A_1336, %concatenate3A_1309 : vector<96x128xf32>
    %tanh3A_1338 = math.tanh %add3A_1337 : vector<96x128xf32>
    %mul3A_1339 = arith.mulf %logistic3A_1330, %tanh3A_1338 : vector<96x128xf32>
    %swap3A_1340 = arith.constant 0 : index
    %swap3A_1341 = arith.constant 0 : index
    %swap3A_1342 = vector.load %arg13[%swap3A_1340, %swap3A_1341] : memref<6144x128xf32, #tpu.memory_space<vmem>>, vector<96x128xf32>
    tpu.vector_store %arg13[%swap3A_1340, %swap3A_1341], %mul3A_1339 {strides = array<i32>} : memref<6144x128xf32, #tpu.memory_space<vmem>>, vector<96x128xf32>,
    %swap3A_1343 = arith.constant 0 : index
    %swap3A_1344 = arith.constant 0 : index
    %swap3A_1345 = vector.load %arg14[%swap3A_1343, %swap3A_1344] : memref<6144x128xf32, #tpu.memory_space<vmem>>, vector<96x128xf32>
    tpu.vector_store %arg14[%swap3A_1343, %swap3A_1344], %add3A_1337 {strides = array<i32>} : memref<6144x128xf32, #tpu.memory_space<vmem>>, vector<96x128xf32>,
    %get3A_1346 = arith.constant 0 : index
    %get3A_1347 = arith.constant 0 : index
    %get3A_1348 = vector.load %arg13[%get3A_1346, %get3A_1347] : memref<6144x128xf32, #tpu.memory_space<vmem>>, vector<96x128xf32>
    %get3A_1349 = arith.constant 0 : index
    %get3A_1350 = arith.constant 0 : index
    %get3A_1351 = vector.load %arg3[%get3A_1349, %get3A_1350] : memref<128x512xf32, #tpu.memory_space<vmem>>, vector<128x512xf32>
    %dot_general3A_1352 = arith.constant dense<0.000000e+00> : vector<96x512xf32>
    %dot_general3A_1353 = tpu.matmul %get3A_1348, %get3A_1351, %dot_general3A_1352 {dimension_numbers = #tpu.dot_dimension_numbers<[1], [0], [0], [1], [0, 0, 1, 1], [], []>, transpose_lhs_hint = false} : vector<96x128xf32>, vector<128x512xf32>, vector<96x512xf32> -> vector<96x512xf32>
    %slice3A_1354 = vector.extract_strided_slice %dot_general3A_1353 {offsets = [0, 0], sizes = [96, 128], strides = [1, 1]} : vector<96x512xf32> to vector<96x128xf32>
    %add3A_1355 = vector.broadcast %get3A_13 : vector<1x128xf32> to vector<96x128xf32>
    %add3A_1356 = arith.addf %slice3A_1354, %add3A_1355 : vector<96x128xf32>
    %logistic3A_1357 = arith.negf %add3A_1356 : vector<96x128xf32>
    %logistic3A_1358 = math.exp %logistic3A_1357 : vector<96x128xf32>
    %logistic3A_1359 = arith.constant 1.000000e+00 : f32
    %logistic3A_1360 = vector.broadcast %logistic3A_1359 : f32 to vector<96x128xf32>
    %logistic3A_1361 = arith.addf %logistic3A_1360, %logistic3A_1358 : vector<96x128xf32>
    %logistic3A_1362 = arith.divf %logistic3A_1360, %logistic3A_1361 : vector<96x128xf32>
    %get3A_1363 = arith.constant 0 : index
    %get3A_1364 = arith.constant 0 : index
    %get3A_1365 = vector.load %arg14[%get3A_1363, %get3A_1364] : memref<6144x128xf32, #tpu.memory_space<vmem>>, vector<96x128xf32>
    %mul3A_1366 = arith.mulf %logistic3A_1362, %get3A_1365 : vector<96x128xf32>
    %slice3A_1367 = vector.extract_strided_slice %mul3A_1366 {offsets = [0, 0], sizes = [16, 128], strides = [1, 1]} : vector<96x128xf32> to vector<16x128xf32>
    %slice3A_1368 = vector.extract_strided_slice %mul3A_1366 {offsets = [16, 0], sizes = [16, 128], strides = [1, 1]} : vector<96x128xf32> to vector<16x128xf32>
    %add3A_1369 = arith.addf %slice3A_1367, %slice3A_1368 : vector<16x128xf32>
    %slice3A_1370 = vector.extract_strided_slice %dot_general3A_1353 {offsets = [0, 128], sizes = [16, 384], strides = [1, 1]} : vector<96x512xf32> to vector<16x384xf32>
    %slice3A_1371 = vector.extract_strided_slice %dot_general3A_1353 {offsets = [16, 128], sizes = [16, 384], strides = [1, 1]} : vector<96x512xf32> to vector<16x384xf32>
    %add3A_1372 = arith.addf %slice3A_1370, %slice3A_1371 : vector<16x384xf32>
    %slice3A_1373 = vector.extract_strided_slice %mul3A_1366 {offsets = [32, 0], sizes = [16, 128], strides = [1, 1]} : vector<96x128xf32> to vector<16x128xf32>
    %slice3A_1374 = vector.extract_strided_slice %mul3A_1366 {offsets = [48, 0], sizes = [16, 128], strides = [1, 1]} : vector<96x128xf32> to vector<16x128xf32>
    %add3A_1375 = arith.addf %slice3A_1373, %slice3A_1374 : vector<16x128xf32>
    %slice3A_1376 = vector.extract_strided_slice %dot_general3A_1353 {offsets = [32, 128], sizes = [16, 384], strides = [1, 1]} : vector<96x512xf32> to vector<16x384xf32>
    %slice3A_1377 = vector.extract_strided_slice %dot_general3A_1353 {offsets = [48, 128], sizes = [16, 384], strides = [1, 1]} : vector<96x512xf32> to vector<16x384xf32>
    %add3A_1378 = arith.addf %slice3A_1376, %slice3A_1377 : vector<16x384xf32>
    %slice3A_1379 = vector.extract_strided_slice %mul3A_1366 {offsets = [64, 0], sizes = [16, 128], strides = [1, 1]} : vector<96x128xf32> to vector<16x128xf32>
    %slice3A_1380 = vector.extract_strided_slice %mul3A_1366 {offsets = [80, 0], sizes = [16, 128], strides = [1, 1]} : vector<96x128xf32> to vector<16x128xf32>
    %add3A_1381 = arith.addf %slice3A_1379, %slice3A_1380 : vector<16x128xf32>
    %slice3A_1382 = vector.extract_strided_slice %dot_general3A_1353 {offsets = [64, 128], sizes = [16, 384], strides = [1, 1]} : vector<96x512xf32> to vector<16x384xf32>
    %slice3A_1383 = vector.extract_strided_slice %dot_general3A_1353 {offsets = [80, 128], sizes = [16, 384], strides = [1, 1]} : vector<96x512xf32> to vector<16x384xf32>
    %add3A_1384 = arith.addf %slice3A_1382, %slice3A_1383 : vector<16x384xf32>
    %concatenate3A_1385 = tpu.concatenate %add3A_1369, %add3A_1375, %add3A_1381 in 0 : vector<16x128xf32>, vector<16x128xf32>, vector<16x128xf32> -> vector<48x128xf32>
    %concatenate3A_1386 = tpu.concatenate %add3A_1372, %add3A_1378, %add3A_1384 in 0 : vector<16x384xf32>, vector<16x384xf32>, vector<16x384xf32> -> vector<48x384xf32>
    %slice3A_1387 = vector.extract_strided_slice %concatenate3A_1386 {offsets = [0, 0], sizes = [48, 128], strides = [1, 1]} : vector<48x384xf32> to vector<48x128xf32>
    %slice3A_1388 = vector.extract_strided_slice %get3A_4 {offsets = [0, 0], sizes = [1, 128], strides = [1, 1]} : vector<1x384xf32> to vector<1x128xf32>
    %add3A_1389 = vector.broadcast %slice3A_1388 : vector<1x128xf32> to vector<48x128xf32>
    %add3A_1390 = arith.addf %slice3A_1387, %add3A_1389 : vector<48x128xf32>
    %logistic3A_1391 = arith.negf %add3A_1390 : vector<48x128xf32>
    %logistic3A_1392 = math.exp %logistic3A_1391 : vector<48x128xf32>
    %logistic3A_1393 = arith.constant 1.000000e+00 : f32
    %logistic3A_1394 = vector.broadcast %logistic3A_1393 : f32 to vector<48x128xf32>
    %logistic3A_1395 = arith.addf %logistic3A_1394, %logistic3A_1392 : vector<48x128xf32>
    %logistic3A_1396 = arith.divf %logistic3A_1394, %logistic3A_1395 : vector<48x128xf32>
    %slice3A_1397 = vector.extract_strided_slice %concatenate3A_1386 {offsets = [0, 128], sizes = [48, 128], strides = [1, 1]} : vector<48x384xf32> to vector<48x128xf32>
    %slice3A_1398 = vector.extract_strided_slice %get3A_4 {offsets = [0, 128], sizes = [1, 128], strides = [1, 1]} : vector<1x384xf32> to vector<1x128xf32>
    %add3A_1399 = vector.broadcast %slice3A_1398 : vector<1x128xf32> to vector<48x128xf32>
    %add3A_1400 = arith.addf %slice3A_1397, %add3A_1399 : vector<48x128xf32>
    %logistic3A_1401 = arith.negf %add3A_1400 : vector<48x128xf32>
    %logistic3A_1402 = math.exp %logistic3A_1401 : vector<48x128xf32>
    %logistic3A_1403 = arith.constant 1.000000e+00 : f32
    %logistic3A_1404 = vector.broadcast %logistic3A_1403 : f32 to vector<48x128xf32>
    %logistic3A_1405 = arith.addf %logistic3A_1404, %logistic3A_1402 : vector<48x128xf32>
    %logistic3A_1406 = arith.divf %logistic3A_1404, %logistic3A_1405 : vector<48x128xf32>
    %slice3A_1407 = vector.extract_strided_slice %concatenate3A_1386 {offsets = [0, 256], sizes = [48, 128], strides = [1, 1]} : vector<48x384xf32> to vector<48x128xf32>
    %slice3A_1408 = vector.extract_strided_slice %get3A_4 {offsets = [0, 256], sizes = [1, 128], strides = [1, 1]} : vector<1x384xf32> to vector<1x128xf32>
    %add3A_1409 = vector.broadcast %slice3A_1408 : vector<1x128xf32> to vector<48x128xf32>
    %add3A_1410 = arith.addf %slice3A_1407, %add3A_1409 : vector<48x128xf32>
    %tanh3A_1411 = math.tanh %add3A_1410 : vector<48x128xf32>
    %mul3A_1412 = arith.mulf %logistic3A_1396, %tanh3A_1411 : vector<48x128xf32>
    %add3A_1413 = arith.addf %mul3A_1412, %concatenate3A_1385 : vector<48x128xf32>
    %tanh3A_1414 = math.tanh %add3A_1413 : vector<48x128xf32>
    %mul3A_1415 = arith.mulf %logistic3A_1406, %tanh3A_1414 : vector<48x128xf32>
    %swap3A_1416 = arith.constant 0 : index
    %swap3A_1417 = arith.constant 0 : index
    %swap3A_1418 = vector.load %arg11[%swap3A_1416, %swap3A_1417] : memref<12288x128xf32, #tpu.memory_space<vmem>>, vector<48x128xf32>
    tpu.vector_store %arg11[%swap3A_1416, %swap3A_1417], %mul3A_1415 {strides = array<i32>} : memref<12288x128xf32, #tpu.memory_space<vmem>>, vector<48x128xf32>,
    %swap3A_1419 = arith.constant 0 : index
    %swap3A_1420 = arith.constant 0 : index
    %swap3A_1421 = vector.load %arg12[%swap3A_1419, %swap3A_1420] : memref<12288x128xf32, #tpu.memory_space<vmem>>, vector<48x128xf32>
    tpu.vector_store %arg12[%swap3A_1419, %swap3A_1420], %add3A_1413 {strides = array<i32>} : memref<12288x128xf32, #tpu.memory_space<vmem>>, vector<48x128xf32>,
    %get3A_1422 = arith.constant 0 : index
    %get3A_1423 = arith.constant 0 : index
    %get3A_1424 = vector.load %arg11[%get3A_1422, %get3A_1423] : memref<12288x128xf32, #tpu.memory_space<vmem>>, vector<48x128xf32>
    %get3A_1425 = arith.constant 0 : index
    %get3A_1426 = arith.constant 0 : index
    %get3A_1427 = vector.load %arg3[%get3A_1425, %get3A_1426] : memref<128x512xf32, #tpu.memory_space<vmem>>, vector<128x512xf32>
    %dot_general3A_1428 = arith.constant dense<0.000000e+00> : vector<48x512xf32>
    %dot_general3A_1429 = tpu.matmul %get3A_1424, %get3A_1427, %dot_general3A_1428 {dimension_numbers = #tpu.dot_dimension_numbers<[1], [0], [0], [1], [0, 0, 1, 1], [], []>, transpose_lhs_hint = false} : vector<48x128xf32>, vector<128x512xf32>, vector<48x512xf32> -> vector<48x512xf32>
    %slice3A_1430 = vector.extract_strided_slice %dot_general3A_1429 {offsets = [0, 0], sizes = [48, 128], strides = [1, 1]} : vector<48x512xf32> to vector<48x128xf32>
    %add3A_1431 = vector.broadcast %get3A_13 : vector<1x128xf32> to vector<48x128xf32>
    %add3A_1432 = arith.addf %slice3A_1430, %add3A_1431 : vector<48x128xf32>
    %logistic3A_1433 = arith.negf %add3A_1432 : vector<48x128xf32>
    %logistic3A_1434 = math.exp %logistic3A_1433 : vector<48x128xf32>
    %logistic3A_1435 = arith.constant 1.000000e+00 : f32
    %logistic3A_1436 = vector.broadcast %logistic3A_1435 : f32 to vector<48x128xf32>
    %logistic3A_1437 = arith.addf %logistic3A_1436, %logistic3A_1434 : vector<48x128xf32>
    %logistic3A_1438 = arith.divf %logistic3A_1436, %logistic3A_1437 : vector<48x128xf32>
    %get3A_1439 = arith.constant 0 : index
    %get3A_1440 = arith.constant 0 : index
    %get3A_1441 = vector.load %arg12[%get3A_1439, %get3A_1440] : memref<12288x128xf32, #tpu.memory_space<vmem>>, vector<48x128xf32>
    %mul3A_1442 = arith.mulf %logistic3A_1438, %get3A_1441 : vector<48x128xf32>
    %slice3A_1443 = vector.extract_strided_slice %mul3A_1442 {offsets = [0, 0], sizes = [8, 128], strides = [1, 1]} : vector<48x128xf32> to vector<8x128xf32>
    %slice3A_1444 = vector.extract_strided_slice %mul3A_1442 {offsets = [8, 0], sizes = [8, 128], strides = [1, 1]} : vector<48x128xf32> to vector<8x128xf32>
    %add3A_1445 = arith.addf %slice3A_1443, %slice3A_1444 : vector<8x128xf32>
    %slice3A_1446 = vector.extract_strided_slice %dot_general3A_1429 {offsets = [0, 128], sizes = [8, 384], strides = [1, 1]} : vector<48x512xf32> to vector<8x384xf32>
    %slice3A_1447 = vector.extract_strided_slice %dot_general3A_1429 {offsets = [8, 128], sizes = [8, 384], strides = [1, 1]} : vector<48x512xf32> to vector<8x384xf32>
    %add3A_1448 = arith.addf %slice3A_1446, %slice3A_1447 : vector<8x384xf32>
    %slice3A_1449 = vector.extract_strided_slice %mul3A_1442 {offsets = [16, 0], sizes = [8, 128], strides = [1, 1]} : vector<48x128xf32> to vector<8x128xf32>
    %slice3A_1450 = vector.extract_strided_slice %mul3A_1442 {offsets = [24, 0], sizes = [8, 128], strides = [1, 1]} : vector<48x128xf32> to vector<8x128xf32>
    %add3A_1451 = arith.addf %slice3A_1449, %slice3A_1450 : vector<8x128xf32>
    %slice3A_1452 = vector.extract_strided_slice %dot_general3A_1429 {offsets = [16, 128], sizes = [8, 384], strides = [1, 1]} : vector<48x512xf32> to vector<8x384xf32>
    %slice3A_1453 = vector.extract_strided_slice %dot_general3A_1429 {offsets = [24, 128], sizes = [8, 384], strides = [1, 1]} : vector<48x512xf32> to vector<8x384xf32>
    %add3A_1454 = arith.addf %slice3A_1452, %slice3A_1453 : vector<8x384xf32>
    %slice3A_1455 = vector.extract_strided_slice %mul3A_1442 {offsets = [32, 0], sizes = [8, 128], strides = [1, 1]} : vector<48x128xf32> to vector<8x128xf32>
    %slice3A_1456 = vector.extract_strided_slice %mul3A_1442 {offsets = [40, 0], sizes = [8, 128], strides = [1, 1]} : vector<48x128xf32> to vector<8x128xf32>
    %add3A_1457 = arith.addf %slice3A_1455, %slice3A_1456 : vector<8x128xf32>
    %slice3A_1458 = vector.extract_strided_slice %dot_general3A_1429 {offsets = [32, 128], sizes = [8, 384], strides = [1, 1]} : vector<48x512xf32> to vector<8x384xf32>
    %slice3A_1459 = vector.extract_strided_slice %dot_general3A_1429 {offsets = [40, 128], sizes = [8, 384], strides = [1, 1]} : vector<48x512xf32> to vector<8x384xf32>
    %add3A_1460 = arith.addf %slice3A_1458, %slice3A_1459 : vector<8x384xf32>
    %concatenate3A_1461 = tpu.concatenate %add3A_1445, %add3A_1451, %add3A_1457 in 0 : vector<8x128xf32>, vector<8x128xf32>, vector<8x128xf32> -> vector<24x128xf32>
    %concatenate3A_1462 = tpu.concatenate %add3A_1448, %add3A_1454, %add3A_1460 in 0 : vector<8x384xf32>, vector<8x384xf32>, vector<8x384xf32> -> vector<24x384xf32>
    %slice3A_1463 = vector.extract_strided_slice %concatenate3A_1462 {offsets = [0, 0], sizes = [24, 128], strides = [1, 1]} : vector<24x384xf32> to vector<24x128xf32>
    %slice3A_1464 = vector.extract_strided_slice %get3A_4 {offsets = [0, 0], sizes = [1, 128], strides = [1, 1]} : vector<1x384xf32> to vector<1x128xf32>
    %add3A_1465 = vector.broadcast %slice3A_1464 : vector<1x128xf32> to vector<24x128xf32>
    %add3A_1466 = arith.addf %slice3A_1463, %add3A_1465 : vector<24x128xf32>
    %logistic3A_1467 = arith.negf %add3A_1466 : vector<24x128xf32>
    %logistic3A_1468 = math.exp %logistic3A_1467 : vector<24x128xf32>
    %logistic3A_1469 = arith.constant 1.000000e+00 : f32
    %logistic3A_1470 = vector.broadcast %logistic3A_1469 : f32 to vector<24x128xf32>
    %logistic3A_1471 = arith.addf %logistic3A_1470, %logistic3A_1468 : vector<24x128xf32>
    %logistic3A_1472 = arith.divf %logistic3A_1470, %logistic3A_1471 : vector<24x128xf32>
    %slice3A_1473 = vector.extract_strided_slice %concatenate3A_1462 {offsets = [0, 128], sizes = [24, 128], strides = [1, 1]} : vector<24x384xf32> to vector<24x128xf32>
    %slice3A_1474 = vector.extract_strided_slice %get3A_4 {offsets = [0, 128], sizes = [1, 128], strides = [1, 1]} : vector<1x384xf32> to vector<1x128xf32>
    %add3A_1475 = vector.broadcast %slice3A_1474 : vector<1x128xf32> to vector<24x128xf32>
    %add3A_1476 = arith.addf %slice3A_1473, %add3A_1475 : vector<24x128xf32>
    %logistic3A_1477 = arith.negf %add3A_1476 : vector<24x128xf32>
    %logistic3A_1478 = math.exp %logistic3A_1477 : vector<24x128xf32>
    %logistic3A_1479 = arith.constant 1.000000e+00 : f32
    %logistic3A_1480 = vector.broadcast %logistic3A_1479 : f32 to vector<24x128xf32>
    %logistic3A_1481 = arith.addf %logistic3A_1480, %logistic3A_1478 : vector<24x128xf32>
    %logistic3A_1482 = arith.divf %logistic3A_1480, %logistic3A_1481 : vector<24x128xf32>
    %slice3A_1483 = vector.extract_strided_slice %concatenate3A_1462 {offsets = [0, 256], sizes = [24, 128], strides = [1, 1]} : vector<24x384xf32> to vector<24x128xf32>
    %slice3A_1484 = vector.extract_strided_slice %get3A_4 {offsets = [0, 256], sizes = [1, 128], strides = [1, 1]} : vector<1x384xf32> to vector<1x128xf32>
    %add3A_1485 = vector.broadcast %slice3A_1484 : vector<1x128xf32> to vector<24x128xf32>
    %add3A_1486 = arith.addf %slice3A_1483, %add3A_1485 : vector<24x128xf32>
    %tanh3A_1487 = math.tanh %add3A_1486 : vector<24x128xf32>
    %mul3A_1488 = arith.mulf %logistic3A_1472, %tanh3A_1487 : vector<24x128xf32>
    %add3A_1489 = arith.addf %mul3A_1488, %concatenate3A_1461 : vector<24x128xf32>
    %tanh3A_1490 = math.tanh %add3A_1489 : vector<24x128xf32>
    %mul3A_1491 = arith.mulf %logistic3A_1482, %tanh3A_1490 : vector<24x128xf32>
    %swap3A_1492 = arith.constant 0 : index
    %swap3A_1493 = arith.constant 0 : index
    %swap3A_1494 = vector.load %arg13[%swap3A_1492, %swap3A_1493] : memref<6144x128xf32, #tpu.memory_space<vmem>>, vector<24x128xf32>
    tpu.vector_store %arg13[%swap3A_1492, %swap3A_1493], %mul3A_1491 {strides = array<i32>} : memref<6144x128xf32, #tpu.memory_space<vmem>>, vector<24x128xf32>,
    %swap3A_1495 = arith.constant 0 : index
    %swap3A_1496 = arith.constant 0 : index
    %swap3A_1497 = vector.load %arg14[%swap3A_1495, %swap3A_1496] : memref<6144x128xf32, #tpu.memory_space<vmem>>, vector<24x128xf32>
    tpu.vector_store %arg14[%swap3A_1495, %swap3A_1496], %add3A_1489 {strides = array<i32>} : memref<6144x128xf32, #tpu.memory_space<vmem>>, vector<24x128xf32>,
    %get3A_1498 = arith.constant 0 : index
    %get3A_1499 = arith.constant 0 : index
    %get3A_1500 = vector.load %arg13[%get3A_1498, %get3A_1499] : memref<6144x128xf32, #tpu.memory_space<vmem>>, vector<24x128xf32>
    %get3A_1501 = arith.constant 0 : index
    %get3A_1502 = arith.constant 0 : index
    %get3A_1503 = vector.load %arg3[%get3A_1501, %get3A_1502] : memref<128x512xf32, #tpu.memory_space<vmem>>, vector<128x512xf32>
    %dot_general3A_1504 = arith.constant dense<0.000000e+00> : vector<24x512xf32>
    %dot_general3A_1505 = tpu.matmul %get3A_1500, %get3A_1503, %dot_general3A_1504 {dimension_numbers = #tpu.dot_dimension_numbers<[1], [0], [0], [1], [0, 0, 1, 1], [], []>, transpose_lhs_hint = false} : vector<24x128xf32>, vector<128x512xf32>, vector<24x512xf32> -> vector<24x512xf32>
    %slice3A_1506 = vector.extract_strided_slice %dot_general3A_1505 {offsets = [0, 0], sizes = [24, 128], strides = [1, 1]} : vector<24x512xf32> to vector<24x128xf32>
    %add3A_1507 = vector.broadcast %get3A_13 : vector<1x128xf32> to vector<24x128xf32>
    %add3A_1508 = arith.addf %slice3A_1506, %add3A_1507 : vector<24x128xf32>
    %logistic3A_1509 = arith.negf %add3A_1508 : vector<24x128xf32>
    %logistic3A_1510 = math.exp %logistic3A_1509 : vector<24x128xf32>
    %logistic3A_1511 = arith.constant 1.000000e+00 : f32
    %logistic3A_1512 = vector.broadcast %logistic3A_1511 : f32 to vector<24x128xf32>
    %logistic3A_1513 = arith.addf %logistic3A_1512, %logistic3A_1510 : vector<24x128xf32>
    %logistic3A_1514 = arith.divf %logistic3A_1512, %logistic3A_1513 : vector<24x128xf32>
    %get3A_1515 = arith.constant 0 : index
    %get3A_1516 = arith.constant 0 : index
    %get3A_1517 = vector.load %arg14[%get3A_1515, %get3A_1516] : memref<6144x128xf32, #tpu.memory_space<vmem>>, vector<24x128xf32>
    %mul3A_1518 = arith.mulf %logistic3A_1514, %get3A_1517 : vector<24x128xf32>
    %slice3A_1519 = vector.extract_strided_slice %mul3A_1518 {offsets = [0, 0], sizes = [4, 128], strides = [1, 1]} : vector<24x128xf32> to vector<4x128xf32>
    %slice3A_1520 = vector.extract_strided_slice %mul3A_1518 {offsets = [4, 0], sizes = [4, 128], strides = [1, 1]} : vector<24x128xf32> to vector<4x128xf32>
    %add3A_1521 = arith.addf %slice3A_1519, %slice3A_1520 : vector<4x128xf32>
    %slice3A_1522 = vector.extract_strided_slice %dot_general3A_1505 {offsets = [0, 128], sizes = [4, 384], strides = [1, 1]} : vector<24x512xf32> to vector<4x384xf32>
    %slice3A_1523 = vector.extract_strided_slice %dot_general3A_1505 {offsets = [4, 128], sizes = [4, 384], strides = [1, 1]} : vector<24x512xf32> to vector<4x384xf32>
    %add3A_1524 = arith.addf %slice3A_1522, %slice3A_1523 : vector<4x384xf32>
    %slice3A_1525 = vector.extract_strided_slice %mul3A_1518 {offsets = [8, 0], sizes = [4, 128], strides = [1, 1]} : vector<24x128xf32> to vector<4x128xf32>
    %slice3A_1526 = vector.extract_strided_slice %mul3A_1518 {offsets = [12, 0], sizes = [4, 128], strides = [1, 1]} : vector<24x128xf32> to vector<4x128xf32>
    %add3A_1527 = arith.addf %slice3A_1525, %slice3A_1526 : vector<4x128xf32>
    %slice3A_1528 = vector.extract_strided_slice %dot_general3A_1505 {offsets = [8, 128], sizes = [4, 384], strides = [1, 1]} : vector<24x512xf32> to vector<4x384xf32>
    %slice3A_1529 = vector.extract_strided_slice %dot_general3A_1505 {offsets = [12, 128], sizes = [4, 384], strides = [1, 1]} : vector<24x512xf32> to vector<4x384xf32>
    %add3A_1530 = arith.addf %slice3A_1528, %slice3A_1529 : vector<4x384xf32>
    %slice3A_1531 = vector.extract_strided_slice %mul3A_1518 {offsets = [16, 0], sizes = [4, 128], strides = [1, 1]} : vector<24x128xf32> to vector<4x128xf32>
    %slice3A_1532 = vector.extract_strided_slice %mul3A_1518 {offsets = [20, 0], sizes = [4, 128], strides = [1, 1]} : vector<24x128xf32> to vector<4x128xf32>
    %add3A_1533 = arith.addf %slice3A_1531, %slice3A_1532 : vector<4x128xf32>
    %slice3A_1534 = vector.extract_strided_slice %dot_general3A_1505 {offsets = [16, 128], sizes = [4, 384], strides = [1, 1]} : vector<24x512xf32> to vector<4x384xf32>
    %slice3A_1535 = vector.extract_strided_slice %dot_general3A_1505 {offsets = [20, 128], sizes = [4, 384], strides = [1, 1]} : vector<24x512xf32> to vector<4x384xf32>
    %add3A_1536 = arith.addf %slice3A_1534, %slice3A_1535 : vector<4x384xf32>
    %concatenate3A_1537 = tpu.concatenate %add3A_1521, %add3A_1527, %add3A_1533 in 0 : vector<4x128xf32>, vector<4x128xf32>, vector<4x128xf32> -> vector<12x128xf32>
    %concatenate3A_1538 = tpu.concatenate %add3A_1524, %add3A_1530, %add3A_1536 in 0 : vector<4x384xf32>, vector<4x384xf32>, vector<4x384xf32> -> vector<12x384xf32>
    %slice3A_1539 = vector.extract_strided_slice %concatenate3A_1538 {offsets = [0, 0], sizes = [12, 128], strides = [1, 1]} : vector<12x384xf32> to vector<12x128xf32>
    %slice3A_1540 = vector.extract_strided_slice %get3A_4 {offsets = [0, 0], sizes = [1, 128], strides = [1, 1]} : vector<1x384xf32> to vector<1x128xf32>
    %add3A_1541 = vector.broadcast %slice3A_1540 : vector<1x128xf32> to vector<12x128xf32>
    %add3A_1542 = arith.addf %slice3A_1539, %add3A_1541 : vector<12x128xf32>
    %logistic3A_1543 = arith.negf %add3A_1542 : vector<12x128xf32>
    %logistic3A_1544 = math.exp %logistic3A_1543 : vector<12x128xf32>
    %logistic3A_1545 = arith.constant 1.000000e+00 : f32
    %logistic3A_1546 = vector.broadcast %logistic3A_1545 : f32 to vector<12x128xf32>
    %logistic3A_1547 = arith.addf %logistic3A_1546, %logistic3A_1544 : vector<12x128xf32>
    %logistic3A_1548 = arith.divf %logistic3A_1546, %logistic3A_1547 : vector<12x128xf32>
    %slice3A_1549 = vector.extract_strided_slice %concatenate3A_1538 {offsets = [0, 128], sizes = [12, 128], strides = [1, 1]} : vector<12x384xf32> to vector<12x128xf32>
    %slice3A_1550 = vector.extract_strided_slice %get3A_4 {offsets = [0, 128], sizes = [1, 128], strides = [1, 1]} : vector<1x384xf32> to vector<1x128xf32>
    %add3A_1551 = vector.broadcast %slice3A_1550 : vector<1x128xf32> to vector<12x128xf32>
    %add3A_1552 = arith.addf %slice3A_1549, %add3A_1551 : vector<12x128xf32>
    %logistic3A_1553 = arith.negf %add3A_1552 : vector<12x128xf32>
    %logistic3A_1554 = math.exp %logistic3A_1553 : vector<12x128xf32>
    %logistic3A_1555 = arith.constant 1.000000e+00 : f32
    %logistic3A_1556 = vector.broadcast %logistic3A_1555 : f32 to vector<12x128xf32>
    %logistic3A_1557 = arith.addf %logistic3A_1556, %logistic3A_1554 : vector<12x128xf32>
    %logistic3A_1558 = arith.divf %logistic3A_1556, %logistic3A_1557 : vector<12x128xf32>
    %slice3A_1559 = vector.extract_strided_slice %concatenate3A_1538 {offsets = [0, 256], sizes = [12, 128], strides = [1, 1]} : vector<12x384xf32> to vector<12x128xf32>
    %slice3A_1560 = vector.extract_strided_slice %get3A_4 {offsets = [0, 256], sizes = [1, 128], strides = [1, 1]} : vector<1x384xf32> to vector<1x128xf32>
    %add3A_1561 = vector.broadcast %slice3A_1560 : vector<1x128xf32> to vector<12x128xf32>
    %add3A_1562 = arith.addf %slice3A_1559, %add3A_1561 : vector<12x128xf32>
    %tanh3A_1563 = math.tanh %add3A_1562 : vector<12x128xf32>
    %mul3A_1564 = arith.mulf %logistic3A_1548, %tanh3A_1563 : vector<12x128xf32>
    %add3A_1565 = arith.addf %mul3A_1564, %concatenate3A_1537 : vector<12x128xf32>
    %tanh3A_1566 = math.tanh %add3A_1565 : vector<12x128xf32>
    %mul3A_1567 = arith.mulf %logistic3A_1558, %tanh3A_1566 : vector<12x128xf32>
    %swap3A_1568 = arith.constant 0 : index
    %swap3A_1569 = arith.constant 0 : index
    %swap3A_1570 = vector.load %arg11[%swap3A_1568, %swap3A_1569] : memref<12288x128xf32, #tpu.memory_space<vmem>>, vector<12x128xf32>
    tpu.vector_store %arg11[%swap3A_1568, %swap3A_1569], %mul3A_1567 {strides = array<i32>} : memref<12288x128xf32, #tpu.memory_space<vmem>>, vector<12x128xf32>,
    %swap3A_1571 = arith.constant 0 : index
    %swap3A_1572 = arith.constant 0 : index
    %swap3A_1573 = vector.load %arg12[%swap3A_1571, %swap3A_1572] : memref<12288x128xf32, #tpu.memory_space<vmem>>, vector<12x128xf32>
    tpu.vector_store %arg12[%swap3A_1571, %swap3A_1572], %add3A_1565 {strides = array<i32>} : memref<12288x128xf32, #tpu.memory_space<vmem>>, vector<12x128xf32>,
    %get3A_1574 = arith.constant 0 : index
    %get3A_1575 = arith.constant 0 : index
    %get3A_1576 = vector.load %arg11[%get3A_1574, %get3A_1575] : memref<12288x128xf32, #tpu.memory_space<vmem>>, vector<12x128xf32>
    %get3A_1577 = arith.constant 0 : index
    %get3A_1578 = arith.constant 0 : index
    %get3A_1579 = vector.load %arg3[%get3A_1577, %get3A_1578] : memref<128x512xf32, #tpu.memory_space<vmem>>, vector<128x512xf32>
    %dot_general3A_1580 = arith.constant dense<0.000000e+00> : vector<12x512xf32>
    %dot_general3A_1581 = tpu.matmul %get3A_1576, %get3A_1579, %dot_general3A_1580 {dimension_numbers = #tpu.dot_dimension_numbers<[1], [0], [0], [1], [0, 0, 1, 1], [], []>, transpose_lhs_hint = false} : vector<12x128xf32>, vector<128x512xf32>, vector<12x512xf32> -> vector<12x512xf32>
    %slice3A_1582 = vector.extract_strided_slice %dot_general3A_1581 {offsets = [0, 0], sizes = [12, 128], strides = [1, 1]} : vector<12x512xf32> to vector<12x128xf32>
    %add3A_1583 = vector.broadcast %get3A_13 : vector<1x128xf32> to vector<12x128xf32>
    %add3A_1584 = arith.addf %slice3A_1582, %add3A_1583 : vector<12x128xf32>
    %logistic3A_1585 = arith.negf %add3A_1584 : vector<12x128xf32>
    %logistic3A_1586 = math.exp %logistic3A_1585 : vector<12x128xf32>
    %logistic3A_1587 = arith.constant 1.000000e+00 : f32
    %logistic3A_1588 = vector.broadcast %logistic3A_1587 : f32 to vector<12x128xf32>
    %logistic3A_1589 = arith.addf %logistic3A_1588, %logistic3A_1586 : vector<12x128xf32>
    %logistic3A_1590 = arith.divf %logistic3A_1588, %logistic3A_1589 : vector<12x128xf32>
    %get3A_1591 = arith.constant 0 : index
    %get3A_1592 = arith.constant 0 : index
    %get3A_1593 = vector.load %arg12[%get3A_1591, %get3A_1592] : memref<12288x128xf32, #tpu.memory_space<vmem>>, vector<12x128xf32>
    %mul3A_1594 = arith.mulf %logistic3A_1590, %get3A_1593 : vector<12x128xf32>
    %slice3A_1595 = vector.extract_strided_slice %mul3A_1594 {offsets = [0, 0], sizes = [2, 128], strides = [1, 1]} : vector<12x128xf32> to vector<2x128xf32>
    %slice3A_1596 = vector.extract_strided_slice %mul3A_1594 {offsets = [2, 0], sizes = [2, 128], strides = [1, 1]} : vector<12x128xf32> to vector<2x128xf32>
    %add3A_1597 = arith.addf %slice3A_1595, %slice3A_1596 : vector<2x128xf32>
    %slice3A_1598 = vector.extract_strided_slice %dot_general3A_1581 {offsets = [0, 128], sizes = [2, 384], strides = [1, 1]} : vector<12x512xf32> to vector<2x384xf32>
    %slice3A_1599 = vector.extract_strided_slice %dot_general3A_1581 {offsets = [2, 128], sizes = [2, 384], strides = [1, 1]} : vector<12x512xf32> to vector<2x384xf32>
    %add3A_1600 = arith.addf %slice3A_1598, %slice3A_1599 : vector<2x384xf32>
    %slice3A_1601 = vector.extract_strided_slice %mul3A_1594 {offsets = [4, 0], sizes = [2, 128], strides = [1, 1]} : vector<12x128xf32> to vector<2x128xf32>
    %slice3A_1602 = vector.extract_strided_slice %mul3A_1594 {offsets = [6, 0], sizes = [2, 128], strides = [1, 1]} : vector<12x128xf32> to vector<2x128xf32>
    %add3A_1603 = arith.addf %slice3A_1601, %slice3A_1602 : vector<2x128xf32>
    %slice3A_1604 = vector.extract_strided_slice %dot_general3A_1581 {offsets = [4, 128], sizes = [2, 384], strides = [1, 1]} : vector<12x512xf32> to vector<2x384xf32>
    %slice3A_1605 = vector.extract_strided_slice %dot_general3A_1581 {offsets = [6, 128], sizes = [2, 384], strides = [1, 1]} : vector<12x512xf32> to vector<2x384xf32>
    %add3A_1606 = arith.addf %slice3A_1604, %slice3A_1605 : vector<2x384xf32>
    %slice3A_1607 = vector.extract_strided_slice %mul3A_1594 {offsets = [8, 0], sizes = [2, 128], strides = [1, 1]} : vector<12x128xf32> to vector<2x128xf32>
    %slice3A_1608 = vector.extract_strided_slice %mul3A_1594 {offsets = [10, 0], sizes = [2, 128], strides = [1, 1]} : vector<12x128xf32> to vector<2x128xf32>
    %add3A_1609 = arith.addf %slice3A_1607, %slice3A_1608 : vector<2x128xf32>
    %slice3A_1610 = vector.extract_strided_slice %dot_general3A_1581 {offsets = [8, 128], sizes = [2, 384], strides = [1, 1]} : vector<12x512xf32> to vector<2x384xf32>
    %slice3A_1611 = vector.extract_strided_slice %dot_general3A_1581 {offsets = [10, 128], sizes = [2, 384], strides = [1, 1]} : vector<12x512xf32> to vector<2x384xf32>
    %add3A_1612 = arith.addf %slice3A_1610, %slice3A_1611 : vector<2x384xf32>
    %concatenate3A_1613 = tpu.concatenate %add3A_1597, %add3A_1603, %add3A_1609 in 0 : vector<2x128xf32>, vector<2x128xf32>, vector<2x128xf32> -> vector<6x128xf32>
    %concatenate3A_1614 = tpu.concatenate %add3A_1600, %add3A_1606, %add3A_1612 in 0 : vector<2x384xf32>, vector<2x384xf32>, vector<2x384xf32> -> vector<6x384xf32>
    %slice3A_1615 = vector.extract_strided_slice %concatenate3A_1614 {offsets = [0, 0], sizes = [6, 128], strides = [1, 1]} : vector<6x384xf32> to vector<6x128xf32>
    %slice3A_1616 = vector.extract_strided_slice %get3A_4 {offsets = [0, 0], sizes = [1, 128], strides = [1, 1]} : vector<1x384xf32> to vector<1x128xf32>
    %add3A_1617 = vector.broadcast %slice3A_1616 : vector<1x128xf32> to vector<6x128xf32>
    %add3A_1618 = arith.addf %slice3A_1615, %add3A_1617 : vector<6x128xf32>
    %logistic3A_1619 = arith.negf %add3A_1618 : vector<6x128xf32>
    %logistic3A_1620 = math.exp %logistic3A_1619 : vector<6x128xf32>
    %logistic3A_1621 = arith.constant 1.000000e+00 : f32
    %logistic3A_1622 = vector.broadcast %logistic3A_1621 : f32 to vector<6x128xf32>
    %logistic3A_1623 = arith.addf %logistic3A_1622, %logistic3A_1620 : vector<6x128xf32>
    %logistic3A_1624 = arith.divf %logistic3A_1622, %logistic3A_1623 : vector<6x128xf32>
    %slice3A_1625 = vector.extract_strided_slice %concatenate3A_1614 {offsets = [0, 128], sizes = [6, 128], strides = [1, 1]} : vector<6x384xf32> to vector<6x128xf32>
    %slice3A_1626 = vector.extract_strided_slice %get3A_4 {offsets = [0, 128], sizes = [1, 128], strides = [1, 1]} : vector<1x384xf32> to vector<1x128xf32>
    %add3A_1627 = vector.broadcast %slice3A_1626 : vector<1x128xf32> to vector<6x128xf32>
    %add3A_1628 = arith.addf %slice3A_1625, %add3A_1627 : vector<6x128xf32>
    %logistic3A_1629 = arith.negf %add3A_1628 : vector<6x128xf32>
    %logistic3A_1630 = math.exp %logistic3A_1629 : vector<6x128xf32>
    %logistic3A_1631 = arith.constant 1.000000e+00 : f32
    %logistic3A_1632 = vector.broadcast %logistic3A_1631 : f32 to vector<6x128xf32>
    %logistic3A_1633 = arith.addf %logistic3A_1632, %logistic3A_1630 : vector<6x128xf32>
    %logistic3A_1634 = arith.divf %logistic3A_1632, %logistic3A_1633 : vector<6x128xf32>
    %slice3A_1635 = vector.extract_strided_slice %concatenate3A_1614 {offsets = [0, 256], sizes = [6, 128], strides = [1, 1]} : vector<6x384xf32> to vector<6x128xf32>
    %slice3A_1636 = vector.extract_strided_slice %get3A_4 {offsets = [0, 256], sizes = [1, 128], strides = [1, 1]} : vector<1x384xf32> to vector<1x128xf32>
    %add3A_1637 = vector.broadcast %slice3A_1636 : vector<1x128xf32> to vector<6x128xf32>
    %add3A_1638 = arith.addf %slice3A_1635, %add3A_1637 : vector<6x128xf32>
    %tanh3A_1639 = math.tanh %add3A_1638 : vector<6x128xf32>
    %mul3A_1640 = arith.mulf %logistic3A_1624, %tanh3A_1639 : vector<6x128xf32>
    %add3A_1641 = arith.addf %mul3A_1640, %concatenate3A_1613 : vector<6x128xf32>
    %tanh3A_1642 = math.tanh %add3A_1641 : vector<6x128xf32>
    %mul3A_1643 = arith.mulf %logistic3A_1634, %tanh3A_1642 : vector<6x128xf32>
    %swap3A_1644 = arith.constant 0 : index
    %swap3A_1645 = arith.constant 0 : index
    %swap3A_1646 = vector.load %arg13[%swap3A_1644, %swap3A_1645] : memref<6144x128xf32, #tpu.memory_space<vmem>>, vector<6x128xf32>
    tpu.vector_store %arg13[%swap3A_1644, %swap3A_1645], %mul3A_1643 {strides = array<i32>} : memref<6144x128xf32, #tpu.memory_space<vmem>>, vector<6x128xf32>,
    %swap3A_1647 = arith.constant 0 : index
    %swap3A_1648 = arith.constant 0 : index
    %swap3A_1649 = vector.load %arg14[%swap3A_1647, %swap3A_1648] : memref<6144x128xf32, #tpu.memory_space<vmem>>, vector<6x128xf32>
    tpu.vector_store %arg14[%swap3A_1647, %swap3A_1648], %add3A_1641 {strides = array<i32>} : memref<6144x128xf32, #tpu.memory_space<vmem>>, vector<6x128xf32>,
    %get3A_1650 = arith.constant 0 : index
    %get3A_1651 = arith.constant 0 : index
    %get3A_1652 = vector.load %arg13[%get3A_1650, %get3A_1651] : memref<6144x128xf32, #tpu.memory_space<vmem>>, vector<6x128xf32>
    %get3A_1653 = arith.constant 0 : index
    %get3A_1654 = arith.constant 0 : index
    %get3A_1655 = vector.load %arg3[%get3A_1653, %get3A_1654] : memref<128x512xf32, #tpu.memory_space<vmem>>, vector<128x512xf32>
    %dot_general3A_1656 = arith.constant dense<0.000000e+00> : vector<6x512xf32>
    %dot_general3A_1657 = tpu.matmul %get3A_1652, %get3A_1655, %dot_general3A_1656 {dimension_numbers = #tpu.dot_dimension_numbers<[1], [0], [0], [1], [0, 0, 1, 1], [], []>, transpose_lhs_hint = false} : vector<6x128xf32>, vector<128x512xf32>, vector<6x512xf32> -> vector<6x512xf32>
    %slice3A_1658 = vector.extract_strided_slice %dot_general3A_1657 {offsets = [0, 0], sizes = [6, 128], strides = [1, 1]} : vector<6x512xf32> to vector<6x128xf32>
    %add3A_1659 = vector.broadcast %get3A_13 : vector<1x128xf32> to vector<6x128xf32>
    %add3A_1660 = arith.addf %slice3A_1658, %add3A_1659 : vector<6x128xf32>
    %logistic3A_1661 = arith.negf %add3A_1660 : vector<6x128xf32>
    %logistic3A_1662 = math.exp %logistic3A_1661 : vector<6x128xf32>
    %logistic3A_1663 = arith.constant 1.000000e+00 : f32
    %logistic3A_1664 = vector.broadcast %logistic3A_1663 : f32 to vector<6x128xf32>
    %logistic3A_1665 = arith.addf %logistic3A_1664, %logistic3A_1662 : vector<6x128xf32>
    %logistic3A_1666 = arith.divf %logistic3A_1664, %logistic3A_1665 : vector<6x128xf32>
    %get3A_1667 = arith.constant 0 : index
    %get3A_1668 = arith.constant 0 : index
    %get3A_1669 = vector.load %arg14[%get3A_1667, %get3A_1668] : memref<6144x128xf32, #tpu.memory_space<vmem>>, vector<6x128xf32>
    %mul3A_1670 = arith.mulf %logistic3A_1666, %get3A_1669 : vector<6x128xf32>
    %slice3A_1671 = vector.extract_strided_slice %mul3A_1670 {offsets = [0, 0], sizes = [1, 128], strides = [1, 1]} : vector<6x128xf32> to vector<1x128xf32>
    %slice3A_1672 = vector.extract_strided_slice %mul3A_1670 {offsets = [1, 0], sizes = [1, 128], strides = [1, 1]} : vector<6x128xf32> to vector<1x128xf32>
    %add3A_1673 = arith.addf %slice3A_1671, %slice3A_1672 : vector<1x128xf32>
    %slice3A_1674 = vector.extract_strided_slice %dot_general3A_1657 {offsets = [0, 128], sizes = [1, 384], strides = [1, 1]} : vector<6x512xf32> to vector<1x384xf32>
    %slice3A_1675 = vector.extract_strided_slice %dot_general3A_1657 {offsets = [1, 128], sizes = [1, 384], strides = [1, 1]} : vector<6x512xf32> to vector<1x384xf32>
    %add3A_1676 = arith.addf %slice3A_1674, %slice3A_1675 : vector<1x384xf32>
    %slice3A_1677 = vector.extract_strided_slice %mul3A_1670 {offsets = [2, 0], sizes = [1, 128], strides = [1, 1]} : vector<6x128xf32> to vector<1x128xf32>
    %slice3A_1678 = vector.extract_strided_slice %mul3A_1670 {offsets = [3, 0], sizes = [1, 128], strides = [1, 1]} : vector<6x128xf32> to vector<1x128xf32>
    %add3A_1679 = arith.addf %slice3A_1677, %slice3A_1678 : vector<1x128xf32>
    %slice3A_1680 = vector.extract_strided_slice %dot_general3A_1657 {offsets = [2, 128], sizes = [1, 384], strides = [1, 1]} : vector<6x512xf32> to vector<1x384xf32>
    %slice3A_1681 = vector.extract_strided_slice %dot_general3A_1657 {offsets = [3, 128], sizes = [1, 384], strides = [1, 1]} : vector<6x512xf32> to vector<1x384xf32>
    %add3A_1682 = arith.addf %slice3A_1680, %slice3A_1681 : vector<1x384xf32>
    %slice3A_1683 = vector.extract_strided_slice %mul3A_1670 {offsets = [4, 0], sizes = [1, 128], strides = [1, 1]} : vector<6x128xf32> to vector<1x128xf32>
    %slice3A_1684 = vector.extract_strided_slice %mul3A_1670 {offsets = [5, 0], sizes = [1, 128], strides = [1, 1]} : vector<6x128xf32> to vector<1x128xf32>
    %add3A_1685 = arith.addf %slice3A_1683, %slice3A_1684 : vector<1x128xf32>
    %slice3A_1686 = vector.extract_strided_slice %dot_general3A_1657 {offsets = [4, 128], sizes = [1, 384], strides = [1, 1]} : vector<6x512xf32> to vector<1x384xf32>
    %slice3A_1687 = vector.extract_strided_slice %dot_general3A_1657 {offsets = [5, 128], sizes = [1, 384], strides = [1, 1]} : vector<6x512xf32> to vector<1x384xf32>
    %add3A_1688 = arith.addf %slice3A_1686, %slice3A_1687 : vector<1x384xf32>
    %concatenate3A_1689 = tpu.concatenate %add3A_1673, %add3A_1679, %add3A_1685 in 0 : vector<1x128xf32>, vector<1x128xf32>, vector<1x128xf32> -> vector<3x128xf32>
    %concatenate3A_1690 = tpu.concatenate %add3A_1676, %add3A_1682, %add3A_1688 in 0 : vector<1x384xf32>, vector<1x384xf32>, vector<1x384xf32> -> vector<3x384xf32>
    %slice3A_1691 = vector.extract_strided_slice %concatenate3A_1690 {offsets = [0, 0], sizes = [3, 128], strides = [1, 1]} : vector<3x384xf32> to vector<3x128xf32>
    %slice3A_1692 = vector.extract_strided_slice %get3A_4 {offsets = [0, 0], sizes = [1, 128], strides = [1, 1]} : vector<1x384xf32> to vector<1x128xf32>
    %add3A_1693 = vector.broadcast %slice3A_1692 : vector<1x128xf32> to vector<3x128xf32>
    %add3A_1694 = arith.addf %slice3A_1691, %add3A_1693 : vector<3x128xf32>
    %logistic3A_1695 = arith.negf %add3A_1694 : vector<3x128xf32>
    %logistic3A_1696 = math.exp %logistic3A_1695 : vector<3x128xf32>
    %logistic3A_1697 = arith.constant 1.000000e+00 : f32
    %logistic3A_1698 = vector.broadcast %logistic3A_1697 : f32 to vector<3x128xf32>
    %logistic3A_1699 = arith.addf %logistic3A_1698, %logistic3A_1696 : vector<3x128xf32>
    %logistic3A_1700 = arith.divf %logistic3A_1698, %logistic3A_1699 : vector<3x128xf32>
    %slice3A_1701 = vector.extract_strided_slice %concatenate3A_1690 {offsets = [0, 128], sizes = [3, 128], strides = [1, 1]} : vector<3x384xf32> to vector<3x128xf32>
    %slice3A_1702 = vector.extract_strided_slice %get3A_4 {offsets = [0, 128], sizes = [1, 128], strides = [1, 1]} : vector<1x384xf32> to vector<1x128xf32>
    %add3A_1703 = vector.broadcast %slice3A_1702 : vector<1x128xf32> to vector<3x128xf32>
    %add3A_1704 = arith.addf %slice3A_1701, %add3A_1703 : vector<3x128xf32>
    %logistic3A_1705 = arith.negf %add3A_1704 : vector<3x128xf32>
    %logistic3A_1706 = math.exp %logistic3A_1705 : vector<3x128xf32>
    %logistic3A_1707 = arith.constant 1.000000e+00 : f32
    %logistic3A_1708 = vector.broadcast %logistic3A_1707 : f32 to vector<3x128xf32>
    %logistic3A_1709 = arith.addf %logistic3A_1708, %logistic3A_1706 : vector<3x128xf32>
    %logistic3A_1710 = arith.divf %logistic3A_1708, %logistic3A_1709 : vector<3x128xf32>
    %slice3A_1711 = vector.extract_strided_slice %concatenate3A_1690 {offsets = [0, 256], sizes = [3, 128], strides = [1, 1]} : vector<3x384xf32> to vector<3x128xf32>
    %slice3A_1712 = vector.extract_strided_slice %get3A_4 {offsets = [0, 256], sizes = [1, 128], strides = [1, 1]} : vector<1x384xf32> to vector<1x128xf32>
    %add3A_1713 = vector.broadcast %slice3A_1712 : vector<1x128xf32> to vector<3x128xf32>
    %add3A_1714 = arith.addf %slice3A_1711, %add3A_1713 : vector<3x128xf32>
    %tanh3A_1715 = math.tanh %add3A_1714 : vector<3x128xf32>
    %mul3A_1716 = arith.mulf %logistic3A_1700, %tanh3A_1715 : vector<3x128xf32>
    %add3A_1717 = arith.addf %mul3A_1716, %concatenate3A_1689 : vector<3x128xf32>
    %tanh3A_1718 = math.tanh %add3A_1717 : vector<3x128xf32>
    %mul3A_1719 = arith.mulf %logistic3A_1710, %tanh3A_1718 : vector<3x128xf32>
    %swap3A_1720 = arith.constant 0 : index
    %swap3A_1721 = arith.constant 0 : index
    %swap3A_1722 = vector.load %arg11[%swap3A_1720, %swap3A_1721] : memref<12288x128xf32, #tpu.memory_space<vmem>>, vector<3x128xf32>
    tpu.vector_store %arg11[%swap3A_1720, %swap3A_1721], %mul3A_1719 {strides = array<i32>} : memref<12288x128xf32, #tpu.memory_space<vmem>>, vector<3x128xf32>,
    %swap3A_1723 = arith.constant 0 : index
    %swap3A_1724 = arith.constant 0 : index
    %swap3A_1725 = vector.load %arg12[%swap3A_1723, %swap3A_1724] : memref<12288x128xf32, #tpu.memory_space<vmem>>, vector<3x128xf32>
    tpu.vector_store %arg12[%swap3A_1723, %swap3A_1724], %add3A_1717 {strides = array<i32>} : memref<12288x128xf32, #tpu.memory_space<vmem>>, vector<3x128xf32>,
    %get3A_1726 = arith.constant 0 : index
    %get3A_1727 = arith.constant 0 : index
    %get3A_1728 = vector.load %arg11[%get3A_1726, %get3A_1727] : memref<12288x128xf32, #tpu.memory_space<vmem>>, vector<3x128xf32>
    %get3A_1729 = arith.constant 0 : index
    %get3A_1730 = arith.constant 0 : index
    %get3A_1731 = vector.load %arg8[%get3A_1729, %get3A_1730] : memref<1x384xf32, #tpu.memory_space<vmem>>, vector<1x384xf32>
    %get3A_1732 = arith.constant 0 : index
    %get3A_1733 = arith.constant 0 : index
    %get3A_1734 = vector.load %arg9[%get3A_1732, %get3A_1733] : memref<1x128xf32, #tpu.memory_space<vmem>>, vector<1x128xf32>
    %get3A_1735 = arith.constant 0 : index
    %get3A_1736 = arith.constant 0 : index
    %get3A_1737 = vector.load %arg7[%get3A_1735, %get3A_1736] : memref<128x512xf32, #tpu.memory_space<vmem>>, vector<128x512xf32>
    %get3A_1738 = arith.constant 0 : index
    %get3A_1739 = arith.constant 0 : index
    %get3A_1740 = vector.load %arg1[%get3A_1738, %get3A_1739] : memref<3x128xf32, #tpu.memory_space<vmem>>, vector<3x128xf32>
    %concatenate3A_1741 = tpu.concatenate %get3A_1740, %get3A_1728 in 1 : vector<3x128xf32>, vector<3x128xf32> -> vector<3x256xf32>
    %get3A_1742 = arith.constant 0 : index
    %get3A_1743 = arith.constant 0 : index
    %get3A_1744 = vector.load %arg6[%get3A_1742, %get3A_1743] : memref<256x384xf32, #tpu.memory_space<vmem>>, vector<256x384xf32>
    %dot_general3A_1745 = arith.constant dense<0.000000e+00> : vector<3x384xf32>
    %dot_general3A_1746 = tpu.matmul %concatenate3A_1741, %get3A_1744, %dot_general3A_1745 {dimension_numbers = #tpu.dot_dimension_numbers<[1], [0], [0], [1], [0, 0, 1, 1], [], []>, transpose_lhs_hint = false} : vector<3x256xf32>, vector<256x384xf32>, vector<3x384xf32> -> vector<3x384xf32>
    %slice3A_1747 = vector.extract_strided_slice %dot_general3A_1746 {offsets = [0, 0], sizes = [3, 128], strides = [1, 1]} : vector<3x384xf32> to vector<3x128xf32>
    %slice3A_1748 = vector.extract_strided_slice %get3A_1731 {offsets = [0, 0], sizes = [1, 128], strides = [1, 1]} : vector<1x384xf32> to vector<1x128xf32>
    %add3A_1749 = vector.broadcast %slice3A_1748 : vector<1x128xf32> to vector<3x128xf32>
    %add3A_1750 = arith.addf %slice3A_1747, %add3A_1749 : vector<3x128xf32>
    %logistic3A_1751 = arith.negf %add3A_1750 : vector<3x128xf32>
    %logistic3A_1752 = math.exp %logistic3A_1751 : vector<3x128xf32>
    %logistic3A_1753 = arith.constant 1.000000e+00 : f32
    %logistic3A_1754 = vector.broadcast %logistic3A_1753 : f32 to vector<3x128xf32>
    %logistic3A_1755 = arith.addf %logistic3A_1754, %logistic3A_1752 : vector<3x128xf32>
    %logistic3A_1756 = arith.divf %logistic3A_1754, %logistic3A_1755 : vector<3x128xf32>
    %slice3A_1757 = vector.extract_strided_slice %dot_general3A_1746 {offsets = [0, 128], sizes = [3, 128], strides = [1, 1]} : vector<3x384xf32> to vector<3x128xf32>
    %slice3A_1758 = vector.extract_strided_slice %get3A_1731 {offsets = [0, 128], sizes = [1, 128], strides = [1, 1]} : vector<1x384xf32> to vector<1x128xf32>
    %add3A_1759 = vector.broadcast %slice3A_1758 : vector<1x128xf32> to vector<3x128xf32>
    %add3A_1760 = arith.addf %slice3A_1757, %add3A_1759 : vector<3x128xf32>
    %logistic3A_1761 = arith.negf %add3A_1760 : vector<3x128xf32>
    %logistic3A_1762 = math.exp %logistic3A_1761 : vector<3x128xf32>
    %logistic3A_1763 = arith.constant 1.000000e+00 : f32
    %logistic3A_1764 = vector.broadcast %logistic3A_1763 : f32 to vector<3x128xf32>
    %logistic3A_1765 = arith.addf %logistic3A_1764, %logistic3A_1762 : vector<3x128xf32>
    %logistic3A_1766 = arith.divf %logistic3A_1764, %logistic3A_1765 : vector<3x128xf32>
    %slice3A_1767 = vector.extract_strided_slice %dot_general3A_1746 {offsets = [0, 256], sizes = [3, 128], strides = [1, 1]} : vector<3x384xf32> to vector<3x128xf32>
    %slice3A_1768 = vector.extract_strided_slice %get3A_1731 {offsets = [0, 256], sizes = [1, 128], strides = [1, 1]} : vector<1x384xf32> to vector<1x128xf32>
    %add3A_1769 = vector.broadcast %slice3A_1768 : vector<1x128xf32> to vector<3x128xf32>
    %add3A_1770 = arith.addf %slice3A_1767, %add3A_1769 : vector<3x128xf32>
    %tanh3A_1771 = math.tanh %add3A_1770 : vector<3x128xf32>
    %mul3A_1772 = arith.mulf %logistic3A_1756, %tanh3A_1771 : vector<3x128xf32>
    %add3A_1773 = arith.constant 0.000000e+00 : f32
    %add3A_1774 = vector.broadcast %add3A_1773 : f32 to vector<3x128xf32>
    %add3A_1775 = arith.addf %mul3A_1772, %add3A_1774 : vector<3x128xf32>
    %tanh3A_1776 = math.tanh %add3A_1775 : vector<3x128xf32>
    %mul3A_1777 = arith.mulf %logistic3A_1766, %tanh3A_1776 : vector<3x128xf32>
    %dot_general3A_1778 = arith.constant dense<0.000000e+00> : vector<3x512xf32>
    %dot_general3A_1779 = tpu.matmul %mul3A_1777, %get3A_1737, %dot_general3A_1778 {dimension_numbers = #tpu.dot_dimension_numbers<[1], [0], [0], [1], [0, 0, 1, 1], [], []>, transpose_lhs_hint = false} : vector<3x128xf32>, vector<128x512xf32>, vector<3x512xf32> -> vector<3x512xf32>
    %slice3A_1780 = vector.extract_strided_slice %dot_general3A_1779 {offsets = [0, 0], sizes = [3, 128], strides = [1, 1]} : vector<3x512xf32> to vector<3x128xf32>
    %add3A_1781 = vector.broadcast %get3A_1734 : vector<1x128xf32> to vector<3x128xf32>
    %add3A_1782 = arith.addf %slice3A_1780, %add3A_1781 : vector<3x128xf32>
    %logistic3A_1783 = arith.negf %add3A_1782 : vector<3x128xf32>
    %logistic3A_1784 = math.exp %logistic3A_1783 : vector<3x128xf32>
    %logistic3A_1785 = arith.constant 1.000000e+00 : f32
    %logistic3A_1786 = vector.broadcast %logistic3A_1785 : f32 to vector<3x128xf32>
    %logistic3A_1787 = arith.addf %logistic3A_1786, %logistic3A_1784 : vector<3x128xf32>
    %logistic3A_1788 = arith.divf %logistic3A_1786, %logistic3A_1787 : vector<3x128xf32>
    %mul3A_1789 = arith.mulf %logistic3A_1788, %add3A_1775 : vector<3x128xf32>
    %slice3A_1790 = vector.extract_strided_slice %dot_general3A_1779 {offsets = [0, 128], sizes = [3, 384], strides = [1, 1]} : vector<3x512xf32> to vector<3x384xf32>
    %slice3A_1791 = vector.extract_strided_slice %slice3A_1790 {offsets = [0, 0], sizes = [3, 128], strides = [1, 1]} : vector<3x384xf32> to vector<3x128xf32>
    %slice3A_1792 = vector.extract_strided_slice %get3A_1731 {offsets = [0, 0], sizes = [1, 128], strides = [1, 1]} : vector<1x384xf32> to vector<1x128xf32>
    %add3A_1793 = vector.broadcast %slice3A_1792 : vector<1x128xf32> to vector<3x128xf32>
    %add3A_1794 = arith.addf %slice3A_1791, %add3A_1793 : vector<3x128xf32>
    %logistic3A_1795 = arith.negf %add3A_1794 : vector<3x128xf32>
    %logistic3A_1796 = math.exp %logistic3A_1795 : vector<3x128xf32>
    %logistic3A_1797 = arith.constant 1.000000e+00 : f32
    %logistic3A_1798 = vector.broadcast %logistic3A_1797 : f32 to vector<3x128xf32>
    %logistic3A_1799 = arith.addf %logistic3A_1798, %logistic3A_1796 : vector<3x128xf32>
    %logistic3A_1800 = arith.divf %logistic3A_1798, %logistic3A_1799 : vector<3x128xf32>
    %slice3A_1801 = vector.extract_strided_slice %slice3A_1790 {offsets = [0, 128], sizes = [3, 128], strides = [1, 1]} : vector<3x384xf32> to vector<3x128xf32>
    %slice3A_1802 = vector.extract_strided_slice %get3A_1731 {offsets = [0, 128], sizes = [1, 128], strides = [1, 1]} : vector<1x384xf32> to vector<1x128xf32>
    %add3A_1803 = vector.broadcast %slice3A_1802 : vector<1x128xf32> to vector<3x128xf32>
    %add3A_1804 = arith.addf %slice3A_1801, %add3A_1803 : vector<3x128xf32>
    %logistic3A_1805 = arith.negf %add3A_1804 : vector<3x128xf32>
    %logistic3A_1806 = math.exp %logistic3A_1805 : vector<3x128xf32>
    %logistic3A_1807 = arith.constant 1.000000e+00 : f32
    %logistic3A_1808 = vector.broadcast %logistic3A_1807 : f32 to vector<3x128xf32>
    %logistic3A_1809 = arith.addf %logistic3A_1808, %logistic3A_1806 : vector<3x128xf32>
    %logistic3A_1810 = arith.divf %logistic3A_1808, %logistic3A_1809 : vector<3x128xf32>
    %slice3A_1811 = vector.extract_strided_slice %slice3A_1790 {offsets = [0, 256], sizes = [3, 128], strides = [1, 1]} : vector<3x384xf32> to vector<3x128xf32>
    %slice3A_1812 = vector.extract_strided_slice %get3A_1731 {offsets = [0, 256], sizes = [1, 128], strides = [1, 1]} : vector<1x384xf32> to vector<1x128xf32>
    %add3A_1813 = vector.broadcast %slice3A_1812 : vector<1x128xf32> to vector<3x128xf32>
    %add3A_1814 = arith.addf %slice3A_1811, %add3A_1813 : vector<3x128xf32>
    %tanh3A_1815 = math.tanh %add3A_1814 : vector<3x128xf32>
    %mul3A_1816 = arith.mulf %logistic3A_1800, %tanh3A_1815 : vector<3x128xf32>
    %add3A_1817 = arith.addf %mul3A_1816, %mul3A_1789 : vector<3x128xf32>
    %tanh3A_1818 = math.tanh %add3A_1817 : vector<3x128xf32>
    %mul3A_1819 = arith.mulf %logistic3A_1810, %tanh3A_1818 : vector<3x128xf32>
    %dot_general3A_1820 = arith.constant dense<0.000000e+00> : vector<3x512xf32>
    %dot_general3A_1821 = tpu.matmul %mul3A_1819, %get3A_1737, %dot_general3A_1820 {dimension_numbers = #tpu.dot_dimension_numbers<[1], [0], [0], [1], [0, 0, 1, 1], [], []>, transpose_lhs_hint = false} : vector<3x128xf32>, vector<128x512xf32>, vector<3x512xf32> -> vector<3x512xf32>
    %slice3A_1822 = vector.extract_strided_slice %dot_general3A_1821 {offsets = [0, 0], sizes = [3, 128], strides = [1, 1]} : vector<3x512xf32> to vector<3x128xf32>
    %add3A_1823 = vector.broadcast %get3A_1734 : vector<1x128xf32> to vector<3x128xf32>
    %add3A_1824 = arith.addf %slice3A_1822, %add3A_1823 : vector<3x128xf32>
    %logistic3A_1825 = arith.negf %add3A_1824 : vector<3x128xf32>
    %logistic3A_1826 = math.exp %logistic3A_1825 : vector<3x128xf32>
    %logistic3A_1827 = arith.constant 1.000000e+00 : f32
    %logistic3A_1828 = vector.broadcast %logistic3A_1827 : f32 to vector<3x128xf32>
    %logistic3A_1829 = arith.addf %logistic3A_1828, %logistic3A_1826 : vector<3x128xf32>
    %logistic3A_1830 = arith.divf %logistic3A_1828, %logistic3A_1829 : vector<3x128xf32>
    %mul3A_1831 = arith.mulf %logistic3A_1830, %add3A_1817 : vector<3x128xf32>
    %slice3A_1832 = vector.extract_strided_slice %dot_general3A_1821 {offsets = [0, 128], sizes = [3, 384], strides = [1, 1]} : vector<3x512xf32> to vector<3x384xf32>
    %slice3A_1833 = vector.extract_strided_slice %slice3A_1832 {offsets = [0, 0], sizes = [3, 128], strides = [1, 1]} : vector<3x384xf32> to vector<3x128xf32>
    %slice3A_1834 = vector.extract_strided_slice %get3A_1731 {offsets = [0, 0], sizes = [1, 128], strides = [1, 1]} : vector<1x384xf32> to vector<1x128xf32>
    %add3A_1835 = vector.broadcast %slice3A_1834 : vector<1x128xf32> to vector<3x128xf32>
    %add3A_1836 = arith.addf %slice3A_1833, %add3A_1835 : vector<3x128xf32>
    %logistic3A_1837 = arith.negf %add3A_1836 : vector<3x128xf32>
    %logistic3A_1838 = math.exp %logistic3A_1837 : vector<3x128xf32>
    %logistic3A_1839 = arith.constant 1.000000e+00 : f32
    %logistic3A_1840 = vector.broadcast %logistic3A_1839 : f32 to vector<3x128xf32>
    %logistic3A_1841 = arith.addf %logistic3A_1840, %logistic3A_1838 : vector<3x128xf32>
    %logistic3A_1842 = arith.divf %logistic3A_1840, %logistic3A_1841 : vector<3x128xf32>
    %slice3A_1843 = vector.extract_strided_slice %slice3A_1832 {offsets = [0, 128], sizes = [3, 128], strides = [1, 1]} : vector<3x384xf32> to vector<3x128xf32>
    %slice3A_1844 = vector.extract_strided_slice %get3A_1731 {offsets = [0, 128], sizes = [1, 128], strides = [1, 1]} : vector<1x384xf32> to vector<1x128xf32>
    %add3A_1845 = vector.broadcast %slice3A_1844 : vector<1x128xf32> to vector<3x128xf32>
    %add3A_1846 = arith.addf %slice3A_1843, %add3A_1845 : vector<3x128xf32>
    %logistic3A_1847 = arith.negf %add3A_1846 : vector<3x128xf32>
    %logistic3A_1848 = math.exp %logistic3A_1847 : vector<3x128xf32>
    %logistic3A_1849 = arith.constant 1.000000e+00 : f32
    %logistic3A_1850 = vector.broadcast %logistic3A_1849 : f32 to vector<3x128xf32>
    %logistic3A_1851 = arith.addf %logistic3A_1850, %logistic3A_1848 : vector<3x128xf32>
    %logistic3A_1852 = arith.divf %logistic3A_1850, %logistic3A_1851 : vector<3x128xf32>
    %slice3A_1853 = vector.extract_strided_slice %slice3A_1832 {offsets = [0, 256], sizes = [3, 128], strides = [1, 1]} : vector<3x384xf32> to vector<3x128xf32>
    %slice3A_1854 = vector.extract_strided_slice %get3A_1731 {offsets = [0, 256], sizes = [1, 128], strides = [1, 1]} : vector<1x384xf32> to vector<1x128xf32>
    %add3A_1855 = vector.broadcast %slice3A_1854 : vector<1x128xf32> to vector<3x128xf32>
    %add3A_1856 = arith.addf %slice3A_1853, %add3A_1855 : vector<3x128xf32>
    %tanh3A_1857 = math.tanh %add3A_1856 : vector<3x128xf32>
    %mul3A_1858 = arith.mulf %logistic3A_1842, %tanh3A_1857 : vector<3x128xf32>
    %add3A_1859 = arith.addf %mul3A_1858, %mul3A_1831 : vector<3x128xf32>
    %tanh3A_1860 = math.tanh %add3A_1859 : vector<3x128xf32>
    %mul3A_1861 = arith.mulf %logistic3A_1852, %tanh3A_1860 : vector<3x128xf32>
    %dot_general3A_1862 = arith.constant dense<0.000000e+00> : vector<3x512xf32>
    %dot_general3A_1863 = tpu.matmul %mul3A_1861, %get3A_1737, %dot_general3A_1862 {dimension_numbers = #tpu.dot_dimension_numbers<[1], [0], [0], [1], [0, 0, 1, 1], [], []>, transpose_lhs_hint = false} : vector<3x128xf32>, vector<128x512xf32>, vector<3x512xf32> -> vector<3x512xf32>
    %slice3A_1864 = vector.extract_strided_slice %dot_general3A_1863 {offsets = [0, 0], sizes = [3, 128], strides = [1, 1]} : vector<3x512xf32> to vector<3x128xf32>
    %add3A_1865 = vector.broadcast %get3A_1734 : vector<1x128xf32> to vector<3x128xf32>
    %add3A_1866 = arith.addf %slice3A_1864, %add3A_1865 : vector<3x128xf32>
    %logistic3A_1867 = arith.negf %add3A_1866 : vector<3x128xf32>
    %logistic3A_1868 = math.exp %logistic3A_1867 : vector<3x128xf32>
    %logistic3A_1869 = arith.constant 1.000000e+00 : f32
    %logistic3A_1870 = vector.broadcast %logistic3A_1869 : f32 to vector<3x128xf32>
    %logistic3A_1871 = arith.addf %logistic3A_1870, %logistic3A_1868 : vector<3x128xf32>
    %logistic3A_1872 = arith.divf %logistic3A_1870, %logistic3A_1871 : vector<3x128xf32>
    %mul3A_1873 = arith.mulf %logistic3A_1872, %add3A_1859 : vector<3x128xf32>
    %slice3A_1874 = vector.extract_strided_slice %dot_general3A_1863 {offsets = [0, 128], sizes = [3, 384], strides = [1, 1]} : vector<3x512xf32> to vector<3x384xf32>
    %slice3A_1875 = vector.extract_strided_slice %slice3A_1874 {offsets = [0, 0], sizes = [3, 128], strides = [1, 1]} : vector<3x384xf32> to vector<3x128xf32>
    %slice3A_1876 = vector.extract_strided_slice %get3A_1731 {offsets = [0, 0], sizes = [1, 128], strides = [1, 1]} : vector<1x384xf32> to vector<1x128xf32>
    %add3A_1877 = vector.broadcast %slice3A_1876 : vector<1x128xf32> to vector<3x128xf32>
    %add3A_1878 = arith.addf %slice3A_1875, %add3A_1877 : vector<3x128xf32>
    %logistic3A_1879 = arith.negf %add3A_1878 : vector<3x128xf32>
    %logistic3A_1880 = math.exp %logistic3A_1879 : vector<3x128xf32>
    %logistic3A_1881 = arith.constant 1.000000e+00 : f32
    %logistic3A_1882 = vector.broadcast %logistic3A_1881 : f32 to vector<3x128xf32>
    %logistic3A_1883 = arith.addf %logistic3A_1882, %logistic3A_1880 : vector<3x128xf32>
    %logistic3A_1884 = arith.divf %logistic3A_1882, %logistic3A_1883 : vector<3x128xf32>
    %slice3A_1885 = vector.extract_strided_slice %slice3A_1874 {offsets = [0, 128], sizes = [3, 128], strides = [1, 1]} : vector<3x384xf32> to vector<3x128xf32>
    %slice3A_1886 = vector.extract_strided_slice %get3A_1731 {offsets = [0, 128], sizes = [1, 128], strides = [1, 1]} : vector<1x384xf32> to vector<1x128xf32>
    %add3A_1887 = vector.broadcast %slice3A_1886 : vector<1x128xf32> to vector<3x128xf32>
    %add3A_1888 = arith.addf %slice3A_1885, %add3A_1887 : vector<3x128xf32>
    %logistic3A_1889 = arith.negf %add3A_1888 : vector<3x128xf32>
    %logistic3A_1890 = math.exp %logistic3A_1889 : vector<3x128xf32>
    %logistic3A_1891 = arith.constant 1.000000e+00 : f32
    %logistic3A_1892 = vector.broadcast %logistic3A_1891 : f32 to vector<3x128xf32>
    %logistic3A_1893 = arith.addf %logistic3A_1892, %logistic3A_1890 : vector<3x128xf32>
    %logistic3A_1894 = arith.divf %logistic3A_1892, %logistic3A_1893 : vector<3x128xf32>
    %slice3A_1895 = vector.extract_strided_slice %slice3A_1874 {offsets = [0, 256], sizes = [3, 128], strides = [1, 1]} : vector<3x384xf32> to vector<3x128xf32>
    %slice3A_1896 = vector.extract_strided_slice %get3A_1731 {offsets = [0, 256], sizes = [1, 128], strides = [1, 1]} : vector<1x384xf32> to vector<1x128xf32>
    %add3A_1897 = vector.broadcast %slice3A_1896 : vector<1x128xf32> to vector<3x128xf32>
    %add3A_1898 = arith.addf %slice3A_1895, %add3A_1897 : vector<3x128xf32>
    %tanh3A_1899 = math.tanh %add3A_1898 : vector<3x128xf32>
    %mul3A_1900 = arith.mulf %logistic3A_1884, %tanh3A_1899 : vector<3x128xf32>
    %add3A_1901 = arith.addf %mul3A_1900, %mul3A_1873 : vector<3x128xf32>
    %tanh3A_1902 = math.tanh %add3A_1901 : vector<3x128xf32>
    %mul3A_1903 = arith.mulf %logistic3A_1894, %tanh3A_1902 : vector<3x128xf32>
    %dot_general3A_1904 = arith.constant dense<0.000000e+00> : vector<3x512xf32>
    %dot_general3A_1905 = tpu.matmul %mul3A_1903, %get3A_1737, %dot_general3A_1904 {dimension_numbers = #tpu.dot_dimension_numbers<[1], [0], [0], [1], [0, 0, 1, 1], [], []>, transpose_lhs_hint = false} : vector<3x128xf32>, vector<128x512xf32>, vector<3x512xf32> -> vector<3x512xf32>
    %slice3A_1906 = vector.extract_strided_slice %dot_general3A_1905 {offsets = [0, 0], sizes = [3, 128], strides = [1, 1]} : vector<3x512xf32> to vector<3x128xf32>
    %add3A_1907 = vector.broadcast %get3A_1734 : vector<1x128xf32> to vector<3x128xf32>
    %add3A_1908 = arith.addf %slice3A_1906, %add3A_1907 : vector<3x128xf32>
    %logistic3A_1909 = arith.negf %add3A_1908 : vector<3x128xf32>
    %logistic3A_1910 = math.exp %logistic3A_1909 : vector<3x128xf32>
    %logistic3A_1911 = arith.constant 1.000000e+00 : f32
    %logistic3A_1912 = vector.broadcast %logistic3A_1911 : f32 to vector<3x128xf32>
    %logistic3A_1913 = arith.addf %logistic3A_1912, %logistic3A_1910 : vector<3x128xf32>
    %logistic3A_1914 = arith.divf %logistic3A_1912, %logistic3A_1913 : vector<3x128xf32>
    %mul3A_1915 = arith.mulf %logistic3A_1914, %add3A_1901 : vector<3x128xf32>
    %slice3A_1916 = vector.extract_strided_slice %dot_general3A_1905 {offsets = [0, 128], sizes = [3, 384], strides = [1, 1]} : vector<3x512xf32> to vector<3x384xf32>
    %slice3A_1917 = vector.extract_strided_slice %slice3A_1916 {offsets = [0, 0], sizes = [3, 128], strides = [1, 1]} : vector<3x384xf32> to vector<3x128xf32>
    %slice3A_1918 = vector.extract_strided_slice %get3A_1731 {offsets = [0, 0], sizes = [1, 128], strides = [1, 1]} : vector<1x384xf32> to vector<1x128xf32>
    %add3A_1919 = vector.broadcast %slice3A_1918 : vector<1x128xf32> to vector<3x128xf32>
    %add3A_1920 = arith.addf %slice3A_1917, %add3A_1919 : vector<3x128xf32>
    %logistic3A_1921 = arith.negf %add3A_1920 : vector<3x128xf32>
    %logistic3A_1922 = math.exp %logistic3A_1921 : vector<3x128xf32>
    %logistic3A_1923 = arith.constant 1.000000e+00 : f32
    %logistic3A_1924 = vector.broadcast %logistic3A_1923 : f32 to vector<3x128xf32>
    %logistic3A_1925 = arith.addf %logistic3A_1924, %logistic3A_1922 : vector<3x128xf32>
    %logistic3A_1926 = arith.divf %logistic3A_1924, %logistic3A_1925 : vector<3x128xf32>
    %slice3A_1927 = vector.extract_strided_slice %slice3A_1916 {offsets = [0, 128], sizes = [3, 128], strides = [1, 1]} : vector<3x384xf32> to vector<3x128xf32>
    %slice3A_1928 = vector.extract_strided_slice %get3A_1731 {offsets = [0, 128], sizes = [1, 128], strides = [1, 1]} : vector<1x384xf32> to vector<1x128xf32>
    %add3A_1929 = vector.broadcast %slice3A_1928 : vector<1x128xf32> to vector<3x128xf32>
    %add3A_1930 = arith.addf %slice3A_1927, %add3A_1929 : vector<3x128xf32>
    %logistic3A_1931 = arith.negf %add3A_1930 : vector<3x128xf32>
    %logistic3A_1932 = math.exp %logistic3A_1931 : vector<3x128xf32>
    %logistic3A_1933 = arith.constant 1.000000e+00 : f32
    %logistic3A_1934 = vector.broadcast %logistic3A_1933 : f32 to vector<3x128xf32>
    %logistic3A_1935 = arith.addf %logistic3A_1934, %logistic3A_1932 : vector<3x128xf32>
    %logistic3A_1936 = arith.divf %logistic3A_1934, %logistic3A_1935 : vector<3x128xf32>
    %slice3A_1937 = vector.extract_strided_slice %slice3A_1916 {offsets = [0, 256], sizes = [3, 128], strides = [1, 1]} : vector<3x384xf32> to vector<3x128xf32>
    %slice3A_1938 = vector.extract_strided_slice %get3A_1731 {offsets = [0, 256], sizes = [1, 128], strides = [1, 1]} : vector<1x384xf32> to vector<1x128xf32>
    %add3A_1939 = vector.broadcast %slice3A_1938 : vector<1x128xf32> to vector<3x128xf32>
    %add3A_1940 = arith.addf %slice3A_1937, %add3A_1939 : vector<3x128xf32>
    %tanh3A_1941 = math.tanh %add3A_1940 : vector<3x128xf32>
    %mul3A_1942 = arith.mulf %logistic3A_1926, %tanh3A_1941 : vector<3x128xf32>
    %add3A_1943 = arith.addf %mul3A_1942, %mul3A_1915 : vector<3x128xf32>
    %tanh3A_1944 = math.tanh %add3A_1943 : vector<3x128xf32>
    %mul3A_1945 = arith.mulf %logistic3A_1936, %tanh3A_1944 : vector<3x128xf32>
    %dot_general3A_1946 = arith.constant dense<0.000000e+00> : vector<3x512xf32>
    %dot_general3A_1947 = tpu.matmul %mul3A_1945, %get3A_1737, %dot_general3A_1946 {dimension_numbers = #tpu.dot_dimension_numbers<[1], [0], [0], [1], [0, 0, 1, 1], [], []>, transpose_lhs_hint = false} : vector<3x128xf32>, vector<128x512xf32>, vector<3x512xf32> -> vector<3x512xf32>
    %slice3A_1948 = vector.extract_strided_slice %dot_general3A_1947 {offsets = [0, 0], sizes = [3, 128], strides = [1, 1]} : vector<3x512xf32> to vector<3x128xf32>
    %add3A_1949 = vector.broadcast %get3A_1734 : vector<1x128xf32> to vector<3x128xf32>
    %add3A_1950 = arith.addf %slice3A_1948, %add3A_1949 : vector<3x128xf32>
    %logistic3A_1951 = arith.negf %add3A_1950 : vector<3x128xf32>
    %logistic3A_1952 = math.exp %logistic3A_1951 : vector<3x128xf32>
    %logistic3A_1953 = arith.constant 1.000000e+00 : f32
    %logistic3A_1954 = vector.broadcast %logistic3A_1953 : f32 to vector<3x128xf32>
    %logistic3A_1955 = arith.addf %logistic3A_1954, %logistic3A_1952 : vector<3x128xf32>
    %logistic3A_1956 = arith.divf %logistic3A_1954, %logistic3A_1955 : vector<3x128xf32>
    %mul3A_1957 = arith.mulf %logistic3A_1956, %add3A_1943 : vector<3x128xf32>
    %slice3A_1958 = vector.extract_strided_slice %dot_general3A_1947 {offsets = [0, 128], sizes = [3, 384], strides = [1, 1]} : vector<3x512xf32> to vector<3x384xf32>
    %slice3A_1959 = vector.extract_strided_slice %slice3A_1958 {offsets = [0, 0], sizes = [3, 128], strides = [1, 1]} : vector<3x384xf32> to vector<3x128xf32>
    %slice3A_1960 = vector.extract_strided_slice %get3A_1731 {offsets = [0, 0], sizes = [1, 128], strides = [1, 1]} : vector<1x384xf32> to vector<1x128xf32>
    %add3A_1961 = vector.broadcast %slice3A_1960 : vector<1x128xf32> to vector<3x128xf32>
    %add3A_1962 = arith.addf %slice3A_1959, %add3A_1961 : vector<3x128xf32>
    %logistic3A_1963 = arith.negf %add3A_1962 : vector<3x128xf32>
    %logistic3A_1964 = math.exp %logistic3A_1963 : vector<3x128xf32>
    %logistic3A_1965 = arith.constant 1.000000e+00 : f32
    %logistic3A_1966 = vector.broadcast %logistic3A_1965 : f32 to vector<3x128xf32>
    %logistic3A_1967 = arith.addf %logistic3A_1966, %logistic3A_1964 : vector<3x128xf32>
    %logistic3A_1968 = arith.divf %logistic3A_1966, %logistic3A_1967 : vector<3x128xf32>
    %slice3A_1969 = vector.extract_strided_slice %slice3A_1958 {offsets = [0, 128], sizes = [3, 128], strides = [1, 1]} : vector<3x384xf32> to vector<3x128xf32>
    %slice3A_1970 = vector.extract_strided_slice %get3A_1731 {offsets = [0, 128], sizes = [1, 128], strides = [1, 1]} : vector<1x384xf32> to vector<1x128xf32>
    %add3A_1971 = vector.broadcast %slice3A_1970 : vector<1x128xf32> to vector<3x128xf32>
    %add3A_1972 = arith.addf %slice3A_1969, %add3A_1971 : vector<3x128xf32>
    %logistic3A_1973 = arith.negf %add3A_1972 : vector<3x128xf32>
    %logistic3A_1974 = math.exp %logistic3A_1973 : vector<3x128xf32>
    %logistic3A_1975 = arith.constant 1.000000e+00 : f32
    %logistic3A_1976 = vector.broadcast %logistic3A_1975 : f32 to vector<3x128xf32>
    %logistic3A_1977 = arith.addf %logistic3A_1976, %logistic3A_1974 : vector<3x128xf32>
    %logistic3A_1978 = arith.divf %logistic3A_1976, %logistic3A_1977 : vector<3x128xf32>
    %slice3A_1979 = vector.extract_strided_slice %slice3A_1958 {offsets = [0, 256], sizes = [3, 128], strides = [1, 1]} : vector<3x384xf32> to vector<3x128xf32>
    %slice3A_1980 = vector.extract_strided_slice %get3A_1731 {offsets = [0, 256], sizes = [1, 128], strides = [1, 1]} : vector<1x384xf32> to vector<1x128xf32>
    %add3A_1981 = vector.broadcast %slice3A_1980 : vector<1x128xf32> to vector<3x128xf32>
    %add3A_1982 = arith.addf %slice3A_1979, %add3A_1981 : vector<3x128xf32>
    %tanh3A_1983 = math.tanh %add3A_1982 : vector<3x128xf32>
    %mul3A_1984 = arith.mulf %logistic3A_1968, %tanh3A_1983 : vector<3x128xf32>
    %add3A_1985 = arith.addf %mul3A_1984, %mul3A_1957 : vector<3x128xf32>
    %tanh3A_1986 = math.tanh %add3A_1985 : vector<3x128xf32>
    %mul3A_1987 = arith.mulf %logistic3A_1978, %tanh3A_1986 : vector<3x128xf32>
    %dot_general3A_1988 = arith.constant dense<0.000000e+00> : vector<3x512xf32>
    %dot_general3A_1989 = tpu.matmul %mul3A_1987, %get3A_1737, %dot_general3A_1988 {dimension_numbers = #tpu.dot_dimension_numbers<[1], [0], [0], [1], [0, 0, 1, 1], [], []>, transpose_lhs_hint = false} : vector<3x128xf32>, vector<128x512xf32>, vector<3x512xf32> -> vector<3x512xf32>
    %slice3A_1990 = vector.extract_strided_slice %dot_general3A_1989 {offsets = [0, 0], sizes = [3, 128], strides = [1, 1]} : vector<3x512xf32> to vector<3x128xf32>
    %add3A_1991 = vector.broadcast %get3A_1734 : vector<1x128xf32> to vector<3x128xf32>
    %add3A_1992 = arith.addf %slice3A_1990, %add3A_1991 : vector<3x128xf32>
    %logistic3A_1993 = arith.negf %add3A_1992 : vector<3x128xf32>
    %logistic3A_1994 = math.exp %logistic3A_1993 : vector<3x128xf32>
    %logistic3A_1995 = arith.constant 1.000000e+00 : f32
    %logistic3A_1996 = vector.broadcast %logistic3A_1995 : f32 to vector<3x128xf32>
    %logistic3A_1997 = arith.addf %logistic3A_1996, %logistic3A_1994 : vector<3x128xf32>
    %logistic3A_1998 = arith.divf %logistic3A_1996, %logistic3A_1997 : vector<3x128xf32>
    %mul3A_1999 = arith.mulf %logistic3A_1998, %add3A_1985 : vector<3x128xf32>
    %slice3A_2000 = vector.extract_strided_slice %dot_general3A_1989 {offsets = [0, 128], sizes = [3, 384], strides = [1, 1]} : vector<3x512xf32> to vector<3x384xf32>
    %slice3A_2001 = vector.extract_strided_slice %slice3A_2000 {offsets = [0, 0], sizes = [3, 128], strides = [1, 1]} : vector<3x384xf32> to vector<3x128xf32>
    %slice3A_2002 = vector.extract_strided_slice %get3A_1731 {offsets = [0, 0], sizes = [1, 128], strides = [1, 1]} : vector<1x384xf32> to vector<1x128xf32>
    %add3A_2003 = vector.broadcast %slice3A_2002 : vector<1x128xf32> to vector<3x128xf32>
    %add3A_2004 = arith.addf %slice3A_2001, %add3A_2003 : vector<3x128xf32>
    %logistic3A_2005 = arith.negf %add3A_2004 : vector<3x128xf32>
    %logistic3A_2006 = math.exp %logistic3A_2005 : vector<3x128xf32>
    %logistic3A_2007 = arith.constant 1.000000e+00 : f32
    %logistic3A_2008 = vector.broadcast %logistic3A_2007 : f32 to vector<3x128xf32>
    %logistic3A_2009 = arith.addf %logistic3A_2008, %logistic3A_2006 : vector<3x128xf32>
    %logistic3A_2010 = arith.divf %logistic3A_2008, %logistic3A_2009 : vector<3x128xf32>
    %slice3A_2011 = vector.extract_strided_slice %slice3A_2000 {offsets = [0, 128], sizes = [3, 128], strides = [1, 1]} : vector<3x384xf32> to vector<3x128xf32>
    %slice3A_2012 = vector.extract_strided_slice %get3A_1731 {offsets = [0, 128], sizes = [1, 128], strides = [1, 1]} : vector<1x384xf32> to vector<1x128xf32>
    %add3A_2013 = vector.broadcast %slice3A_2012 : vector<1x128xf32> to vector<3x128xf32>
    %add3A_2014 = arith.addf %slice3A_2011, %add3A_2013 : vector<3x128xf32>
    %logistic3A_2015 = arith.negf %add3A_2014 : vector<3x128xf32>
    %logistic3A_2016 = math.exp %logistic3A_2015 : vector<3x128xf32>
    %logistic3A_2017 = arith.constant 1.000000e+00 : f32
    %logistic3A_2018 = vector.broadcast %logistic3A_2017 : f32 to vector<3x128xf32>
    %logistic3A_2019 = arith.addf %logistic3A_2018, %logistic3A_2016 : vector<3x128xf32>
    %logistic3A_2020 = arith.divf %logistic3A_2018, %logistic3A_2019 : vector<3x128xf32>
    %slice3A_2021 = vector.extract_strided_slice %slice3A_2000 {offsets = [0, 256], sizes = [3, 128], strides = [1, 1]} : vector<3x384xf32> to vector<3x128xf32>
    %slice3A_2022 = vector.extract_strided_slice %get3A_1731 {offsets = [0, 256], sizes = [1, 128], strides = [1, 1]} : vector<1x384xf32> to vector<1x128xf32>
    %add3A_2023 = vector.broadcast %slice3A_2022 : vector<1x128xf32> to vector<3x128xf32>
    %add3A_2024 = arith.addf %slice3A_2021, %add3A_2023 : vector<3x128xf32>
    %tanh3A_2025 = math.tanh %add3A_2024 : vector<3x128xf32>
    %mul3A_2026 = arith.mulf %logistic3A_2010, %tanh3A_2025 : vector<3x128xf32>
    %add3A_2027 = arith.addf %mul3A_2026, %mul3A_1999 : vector<3x128xf32>
    %tanh3A_2028 = math.tanh %add3A_2027 : vector<3x128xf32>
    %mul3A_2029 = arith.mulf %logistic3A_2020, %tanh3A_2028 : vector<3x128xf32>
    %dot_general3A_2030 = arith.constant dense<0.000000e+00> : vector<3x512xf32>
    %dot_general3A_2031 = tpu.matmul %mul3A_2029, %get3A_1737, %dot_general3A_2030 {dimension_numbers = #tpu.dot_dimension_numbers<[1], [0], [0], [1], [0, 0, 1, 1], [], []>, transpose_lhs_hint = false} : vector<3x128xf32>, vector<128x512xf32>, vector<3x512xf32> -> vector<3x512xf32>
    %slice3A_2032 = vector.extract_strided_slice %dot_general3A_2031 {offsets = [0, 0], sizes = [3, 128], strides = [1, 1]} : vector<3x512xf32> to vector<3x128xf32>
    %add3A_2033 = vector.broadcast %get3A_1734 : vector<1x128xf32> to vector<3x128xf32>
    %add3A_2034 = arith.addf %slice3A_2032, %add3A_2033 : vector<3x128xf32>
    %logistic3A_2035 = arith.negf %add3A_2034 : vector<3x128xf32>
    %logistic3A_2036 = math.exp %logistic3A_2035 : vector<3x128xf32>
    %logistic3A_2037 = arith.constant 1.000000e+00 : f32
    %logistic3A_2038 = vector.broadcast %logistic3A_2037 : f32 to vector<3x128xf32>
    %logistic3A_2039 = arith.addf %logistic3A_2038, %logistic3A_2036 : vector<3x128xf32>
    %logistic3A_2040 = arith.divf %logistic3A_2038, %logistic3A_2039 : vector<3x128xf32>
    %mul3A_2041 = arith.mulf %logistic3A_2040, %add3A_2027 : vector<3x128xf32>
    %slice3A_2042 = vector.extract_strided_slice %dot_general3A_2031 {offsets = [0, 128], sizes = [3, 384], strides = [1, 1]} : vector<3x512xf32> to vector<3x384xf32>
    %slice3A_2043 = vector.extract_strided_slice %slice3A_2042 {offsets = [0, 0], sizes = [3, 128], strides = [1, 1]} : vector<3x384xf32> to vector<3x128xf32>
    %slice3A_2044 = vector.extract_strided_slice %get3A_1731 {offsets = [0, 0], sizes = [1, 128], strides = [1, 1]} : vector<1x384xf32> to vector<1x128xf32>
    %add3A_2045 = vector.broadcast %slice3A_2044 : vector<1x128xf32> to vector<3x128xf32>
    %add3A_2046 = arith.addf %slice3A_2043, %add3A_2045 : vector<3x128xf32>
    %logistic3A_2047 = arith.negf %add3A_2046 : vector<3x128xf32>
    %logistic3A_2048 = math.exp %logistic3A_2047 : vector<3x128xf32>
    %logistic3A_2049 = arith.constant 1.000000e+00 : f32
    %logistic3A_2050 = vector.broadcast %logistic3A_2049 : f32 to vector<3x128xf32>
    %logistic3A_2051 = arith.addf %logistic3A_2050, %logistic3A_2048 : vector<3x128xf32>
    %logistic3A_2052 = arith.divf %logistic3A_2050, %logistic3A_2051 : vector<3x128xf32>
    %slice3A_2053 = vector.extract_strided_slice %slice3A_2042 {offsets = [0, 128], sizes = [3, 128], strides = [1, 1]} : vector<3x384xf32> to vector<3x128xf32>
    %slice3A_2054 = vector.extract_strided_slice %get3A_1731 {offsets = [0, 128], sizes = [1, 128], strides = [1, 1]} : vector<1x384xf32> to vector<1x128xf32>
    %add3A_2055 = vector.broadcast %slice3A_2054 : vector<1x128xf32> to vector<3x128xf32>
    %add3A_2056 = arith.addf %slice3A_2053, %add3A_2055 : vector<3x128xf32>
    %logistic3A_2057 = arith.negf %add3A_2056 : vector<3x128xf32>
    %logistic3A_2058 = math.exp %logistic3A_2057 : vector<3x128xf32>
    %logistic3A_2059 = arith.constant 1.000000e+00 : f32
    %logistic3A_2060 = vector.broadcast %logistic3A_2059 : f32 to vector<3x128xf32>
    %logistic3A_2061 = arith.addf %logistic3A_2060, %logistic3A_2058 : vector<3x128xf32>
    %logistic3A_2062 = arith.divf %logistic3A_2060, %logistic3A_2061 : vector<3x128xf32>
    %slice3A_2063 = vector.extract_strided_slice %slice3A_2042 {offsets = [0, 256], sizes = [3, 128], strides = [1, 1]} : vector<3x384xf32> to vector<3x128xf32>
    %slice3A_2064 = vector.extract_strided_slice %get3A_1731 {offsets = [0, 256], sizes = [1, 128], strides = [1, 1]} : vector<1x384xf32> to vector<1x128xf32>
    %add3A_2065 = vector.broadcast %slice3A_2064 : vector<1x128xf32> to vector<3x128xf32>
    %add3A_2066 = arith.addf %slice3A_2063, %add3A_2065 : vector<3x128xf32>
    %tanh3A_2067 = math.tanh %add3A_2066 : vector<3x128xf32>
    %mul3A_2068 = arith.mulf %logistic3A_2052, %tanh3A_2067 : vector<3x128xf32>
    %add3A_2069 = arith.addf %mul3A_2068, %mul3A_2041 : vector<3x128xf32>
    %tanh3A_2070 = math.tanh %add3A_2069 : vector<3x128xf32>
    %mul3A_2071 = arith.mulf %logistic3A_2062, %tanh3A_2070 : vector<3x128xf32>
    %dot_general3A_2072 = arith.constant dense<0.000000e+00> : vector<3x512xf32>
    %dot_general3A_2073 = tpu.matmul %mul3A_2071, %get3A_1737, %dot_general3A_2072 {dimension_numbers = #tpu.dot_dimension_numbers<[1], [0], [0], [1], [0, 0, 1, 1], [], []>, transpose_lhs_hint = false} : vector<3x128xf32>, vector<128x512xf32>, vector<3x512xf32> -> vector<3x512xf32>
    %slice3A_2074 = vector.extract_strided_slice %dot_general3A_2073 {offsets = [0, 0], sizes = [3, 128], strides = [1, 1]} : vector<3x512xf32> to vector<3x128xf32>
    %add3A_2075 = vector.broadcast %get3A_1734 : vector<1x128xf32> to vector<3x128xf32>
    %add3A_2076 = arith.addf %slice3A_2074, %add3A_2075 : vector<3x128xf32>
    %logistic3A_2077 = arith.negf %add3A_2076 : vector<3x128xf32>
    %logistic3A_2078 = math.exp %logistic3A_2077 : vector<3x128xf32>
    %logistic3A_2079 = arith.constant 1.000000e+00 : f32
    %logistic3A_2080 = vector.broadcast %logistic3A_2079 : f32 to vector<3x128xf32>
    %logistic3A_2081 = arith.addf %logistic3A_2080, %logistic3A_2078 : vector<3x128xf32>
    %logistic3A_2082 = arith.divf %logistic3A_2080, %logistic3A_2081 : vector<3x128xf32>
    %mul3A_2083 = arith.mulf %logistic3A_2082, %add3A_2069 : vector<3x128xf32>
    %slice3A_2084 = vector.extract_strided_slice %dot_general3A_2073 {offsets = [0, 128], sizes = [3, 384], strides = [1, 1]} : vector<3x512xf32> to vector<3x384xf32>
    %slice3A_2085 = vector.extract_strided_slice %slice3A_2084 {offsets = [0, 0], sizes = [3, 128], strides = [1, 1]} : vector<3x384xf32> to vector<3x128xf32>
    %slice3A_2086 = vector.extract_strided_slice %get3A_1731 {offsets = [0, 0], sizes = [1, 128], strides = [1, 1]} : vector<1x384xf32> to vector<1x128xf32>
    %add3A_2087 = vector.broadcast %slice3A_2086 : vector<1x128xf32> to vector<3x128xf32>
    %add3A_2088 = arith.addf %slice3A_2085, %add3A_2087 : vector<3x128xf32>
    %logistic3A_2089 = arith.negf %add3A_2088 : vector<3x128xf32>
    %logistic3A_2090 = math.exp %logistic3A_2089 : vector<3x128xf32>
    %logistic3A_2091 = arith.constant 1.000000e+00 : f32
    %logistic3A_2092 = vector.broadcast %logistic3A_2091 : f32 to vector<3x128xf32>
    %logistic3A_2093 = arith.addf %logistic3A_2092, %logistic3A_2090 : vector<3x128xf32>
    %logistic3A_2094 = arith.divf %logistic3A_2092, %logistic3A_2093 : vector<3x128xf32>
    %slice3A_2095 = vector.extract_strided_slice %slice3A_2084 {offsets = [0, 128], sizes = [3, 128], strides = [1, 1]} : vector<3x384xf32> to vector<3x128xf32>
    %slice3A_2096 = vector.extract_strided_slice %get3A_1731 {offsets = [0, 128], sizes = [1, 128], strides = [1, 1]} : vector<1x384xf32> to vector<1x128xf32>
    %add3A_2097 = vector.broadcast %slice3A_2096 : vector<1x128xf32> to vector<3x128xf32>
    %add3A_2098 = arith.addf %slice3A_2095, %add3A_2097 : vector<3x128xf32>
    %logistic3A_2099 = arith.negf %add3A_2098 : vector<3x128xf32>
    %logistic3A_2100 = math.exp %logistic3A_2099 : vector<3x128xf32>
    %logistic3A_2101 = arith.constant 1.000000e+00 : f32
    %logistic3A_2102 = vector.broadcast %logistic3A_2101 : f32 to vector<3x128xf32>
    %logistic3A_2103 = arith.addf %logistic3A_2102, %logistic3A_2100 : vector<3x128xf32>
    %logistic3A_2104 = arith.divf %logistic3A_2102, %logistic3A_2103 : vector<3x128xf32>
    %slice3A_2105 = vector.extract_strided_slice %slice3A_2084 {offsets = [0, 256], sizes = [3, 128], strides = [1, 1]} : vector<3x384xf32> to vector<3x128xf32>
    %slice3A_2106 = vector.extract_strided_slice %get3A_1731 {offsets = [0, 256], sizes = [1, 128], strides = [1, 1]} : vector<1x384xf32> to vector<1x128xf32>
    %add3A_2107 = vector.broadcast %slice3A_2106 : vector<1x128xf32> to vector<3x128xf32>
    %add3A_2108 = arith.addf %slice3A_2105, %add3A_2107 : vector<3x128xf32>
    %tanh3A_2109 = math.tanh %add3A_2108 : vector<3x128xf32>
    %mul3A_2110 = arith.mulf %logistic3A_2094, %tanh3A_2109 : vector<3x128xf32>
    %add3A_2111 = arith.addf %mul3A_2110, %mul3A_2083 : vector<3x128xf32>
    %tanh3A_2112 = math.tanh %add3A_2111 : vector<3x128xf32>
    %mul3A_2113 = arith.mulf %logistic3A_2104, %tanh3A_2112 : vector<3x128xf32>
    %dot_general3A_2114 = arith.constant dense<0.000000e+00> : vector<3x512xf32>
    %dot_general3A_2115 = tpu.matmul %mul3A_2113, %get3A_1737, %dot_general3A_2114 {dimension_numbers = #tpu.dot_dimension_numbers<[1], [0], [0], [1], [0, 0, 1, 1], [], []>, transpose_lhs_hint = false} : vector<3x128xf32>, vector<128x512xf32>, vector<3x512xf32> -> vector<3x512xf32>
    %slice3A_2116 = vector.extract_strided_slice %dot_general3A_2115 {offsets = [0, 0], sizes = [3, 128], strides = [1, 1]} : vector<3x512xf32> to vector<3x128xf32>
    %add3A_2117 = vector.broadcast %get3A_1734 : vector<1x128xf32> to vector<3x128xf32>
    %add3A_2118 = arith.addf %slice3A_2116, %add3A_2117 : vector<3x128xf32>
    %logistic3A_2119 = arith.negf %add3A_2118 : vector<3x128xf32>
    %logistic3A_2120 = math.exp %logistic3A_2119 : vector<3x128xf32>
    %logistic3A_2121 = arith.constant 1.000000e+00 : f32
    %logistic3A_2122 = vector.broadcast %logistic3A_2121 : f32 to vector<3x128xf32>
    %logistic3A_2123 = arith.addf %logistic3A_2122, %logistic3A_2120 : vector<3x128xf32>
    %logistic3A_2124 = arith.divf %logistic3A_2122, %logistic3A_2123 : vector<3x128xf32>
    %mul3A_2125 = arith.mulf %logistic3A_2124, %add3A_2111 : vector<3x128xf32>
    %slice3A_2126 = vector.extract_strided_slice %dot_general3A_2115 {offsets = [0, 128], sizes = [3, 384], strides = [1, 1]} : vector<3x512xf32> to vector<3x384xf32>
    %slice3A_2127 = vector.extract_strided_slice %slice3A_2126 {offsets = [0, 0], sizes = [3, 128], strides = [1, 1]} : vector<3x384xf32> to vector<3x128xf32>
    %slice3A_2128 = vector.extract_strided_slice %get3A_1731 {offsets = [0, 0], sizes = [1, 128], strides = [1, 1]} : vector<1x384xf32> to vector<1x128xf32>
    %add3A_2129 = vector.broadcast %slice3A_2128 : vector<1x128xf32> to vector<3x128xf32>
    %add3A_2130 = arith.addf %slice3A_2127, %add3A_2129 : vector<3x128xf32>
    %logistic3A_2131 = arith.negf %add3A_2130 : vector<3x128xf32>
    %logistic3A_2132 = math.exp %logistic3A_2131 : vector<3x128xf32>
    %logistic3A_2133 = arith.constant 1.000000e+00 : f32
    %logistic3A_2134 = vector.broadcast %logistic3A_2133 : f32 to vector<3x128xf32>
    %logistic3A_2135 = arith.addf %logistic3A_2134, %logistic3A_2132 : vector<3x128xf32>
    %logistic3A_2136 = arith.divf %logistic3A_2134, %logistic3A_2135 : vector<3x128xf32>
    %slice3A_2137 = vector.extract_strided_slice %slice3A_2126 {offsets = [0, 128], sizes = [3, 128], strides = [1, 1]} : vector<3x384xf32> to vector<3x128xf32>
    %slice3A_2138 = vector.extract_strided_slice %get3A_1731 {offsets = [0, 128], sizes = [1, 128], strides = [1, 1]} : vector<1x384xf32> to vector<1x128xf32>
    %add3A_2139 = vector.broadcast %slice3A_2138 : vector<1x128xf32> to vector<3x128xf32>
    %add3A_2140 = arith.addf %slice3A_2137, %add3A_2139 : vector<3x128xf32>
    %logistic3A_2141 = arith.negf %add3A_2140 : vector<3x128xf32>
    %logistic3A_2142 = math.exp %logistic3A_2141 : vector<3x128xf32>
    %logistic3A_2143 = arith.constant 1.000000e+00 : f32
    %logistic3A_2144 = vector.broadcast %logistic3A_2143 : f32 to vector<3x128xf32>
    %logistic3A_2145 = arith.addf %logistic3A_2144, %logistic3A_2142 : vector<3x128xf32>
    %logistic3A_2146 = arith.divf %logistic3A_2144, %logistic3A_2145 : vector<3x128xf32>
    %slice3A_2147 = vector.extract_strided_slice %slice3A_2126 {offsets = [0, 256], sizes = [3, 128], strides = [1, 1]} : vector<3x384xf32> to vector<3x128xf32>
    %slice3A_2148 = vector.extract_strided_slice %get3A_1731 {offsets = [0, 256], sizes = [1, 128], strides = [1, 1]} : vector<1x384xf32> to vector<1x128xf32>
    %add3A_2149 = vector.broadcast %slice3A_2148 : vector<1x128xf32> to vector<3x128xf32>
    %add3A_2150 = arith.addf %slice3A_2147, %add3A_2149 : vector<3x128xf32>
    %tanh3A_2151 = math.tanh %add3A_2150 : vector<3x128xf32>
    %mul3A_2152 = arith.mulf %logistic3A_2136, %tanh3A_2151 : vector<3x128xf32>
    %add3A_2153 = arith.addf %mul3A_2152, %mul3A_2125 : vector<3x128xf32>
    %tanh3A_2154 = math.tanh %add3A_2153 : vector<3x128xf32>
    %mul3A_2155 = arith.mulf %logistic3A_2146, %tanh3A_2154 : vector<3x128xf32>
    %dot_general3A_2156 = arith.constant dense<0.000000e+00> : vector<3x512xf32>
    %dot_general3A_2157 = tpu.matmul %mul3A_2155, %get3A_1737, %dot_general3A_2156 {dimension_numbers = #tpu.dot_dimension_numbers<[1], [0], [0], [1], [0, 0, 1, 1], [], []>, transpose_lhs_hint = false} : vector<3x128xf32>, vector<128x512xf32>, vector<3x512xf32> -> vector<3x512xf32>
    %slice3A_2158 = vector.extract_strided_slice %dot_general3A_2157 {offsets = [0, 0], sizes = [3, 128], strides = [1, 1]} : vector<3x512xf32> to vector<3x128xf32>
    %add3A_2159 = vector.broadcast %get3A_1734 : vector<1x128xf32> to vector<3x128xf32>
    %add3A_2160 = arith.addf %slice3A_2158, %add3A_2159 : vector<3x128xf32>
    %logistic3A_2161 = arith.negf %add3A_2160 : vector<3x128xf32>
    %logistic3A_2162 = math.exp %logistic3A_2161 : vector<3x128xf32>
    %logistic3A_2163 = arith.constant 1.000000e+00 : f32
    %logistic3A_2164 = vector.broadcast %logistic3A_2163 : f32 to vector<3x128xf32>
    %logistic3A_2165 = arith.addf %logistic3A_2164, %logistic3A_2162 : vector<3x128xf32>
    %logistic3A_2166 = arith.divf %logistic3A_2164, %logistic3A_2165 : vector<3x128xf32>
    %mul3A_2167 = arith.mulf %logistic3A_2166, %add3A_2153 : vector<3x128xf32>
    %slice3A_2168 = vector.extract_strided_slice %dot_general3A_2157 {offsets = [0, 128], sizes = [3, 384], strides = [1, 1]} : vector<3x512xf32> to vector<3x384xf32>
    %slice3A_2169 = vector.extract_strided_slice %slice3A_2168 {offsets = [0, 0], sizes = [3, 128], strides = [1, 1]} : vector<3x384xf32> to vector<3x128xf32>
    %slice3A_2170 = vector.extract_strided_slice %get3A_1731 {offsets = [0, 0], sizes = [1, 128], strides = [1, 1]} : vector<1x384xf32> to vector<1x128xf32>
    %add3A_2171 = vector.broadcast %slice3A_2170 : vector<1x128xf32> to vector<3x128xf32>
    %add3A_2172 = arith.addf %slice3A_2169, %add3A_2171 : vector<3x128xf32>
    %logistic3A_2173 = arith.negf %add3A_2172 : vector<3x128xf32>
    %logistic3A_2174 = math.exp %logistic3A_2173 : vector<3x128xf32>
    %logistic3A_2175 = arith.constant 1.000000e+00 : f32
    %logistic3A_2176 = vector.broadcast %logistic3A_2175 : f32 to vector<3x128xf32>
    %logistic3A_2177 = arith.addf %logistic3A_2176, %logistic3A_2174 : vector<3x128xf32>
    %logistic3A_2178 = arith.divf %logistic3A_2176, %logistic3A_2177 : vector<3x128xf32>
    %slice3A_2179 = vector.extract_strided_slice %slice3A_2168 {offsets = [0, 128], sizes = [3, 128], strides = [1, 1]} : vector<3x384xf32> to vector<3x128xf32>
    %slice3A_2180 = vector.extract_strided_slice %get3A_1731 {offsets = [0, 128], sizes = [1, 128], strides = [1, 1]} : vector<1x384xf32> to vector<1x128xf32>
    %add3A_2181 = vector.broadcast %slice3A_2180 : vector<1x128xf32> to vector<3x128xf32>
    %add3A_2182 = arith.addf %slice3A_2179, %add3A_2181 : vector<3x128xf32>
    %logistic3A_2183 = arith.negf %add3A_2182 : vector<3x128xf32>
    %logistic3A_2184 = math.exp %logistic3A_2183 : vector<3x128xf32>
    %logistic3A_2185 = arith.constant 1.000000e+00 : f32
    %logistic3A_2186 = vector.broadcast %logistic3A_2185 : f32 to vector<3x128xf32>
    %logistic3A_2187 = arith.addf %logistic3A_2186, %logistic3A_2184 : vector<3x128xf32>
    %logistic3A_2188 = arith.divf %logistic3A_2186, %logistic3A_2187 : vector<3x128xf32>
    %slice3A_2189 = vector.extract_strided_slice %slice3A_2168 {offsets = [0, 256], sizes = [3, 128], strides = [1, 1]} : vector<3x384xf32> to vector<3x128xf32>
    %slice3A_2190 = vector.extract_strided_slice %get3A_1731 {offsets = [0, 256], sizes = [1, 128], strides = [1, 1]} : vector<1x384xf32> to vector<1x128xf32>
    %add3A_2191 = vector.broadcast %slice3A_2190 : vector<1x128xf32> to vector<3x128xf32>
    %add3A_2192 = arith.addf %slice3A_2189, %add3A_2191 : vector<3x128xf32>
    %tanh3A_2193 = math.tanh %add3A_2192 : vector<3x128xf32>
    %mul3A_2194 = arith.mulf %logistic3A_2178, %tanh3A_2193 : vector<3x128xf32>
    %add3A_2195 = arith.addf %mul3A_2194, %mul3A_2167 : vector<3x128xf32>
    %tanh3A_2196 = math.tanh %add3A_2195 : vector<3x128xf32>
    %mul3A_2197 = arith.mulf %logistic3A_2188, %tanh3A_2196 : vector<3x128xf32>
    %dot_general3A_2198 = arith.constant dense<0.000000e+00> : vector<3x512xf32>
    %dot_general3A_2199 = tpu.matmul %mul3A_2197, %get3A_1737, %dot_general3A_2198 {dimension_numbers = #tpu.dot_dimension_numbers<[1], [0], [0], [1], [0, 0, 1, 1], [], []>, transpose_lhs_hint = false} : vector<3x128xf32>, vector<128x512xf32>, vector<3x512xf32> -> vector<3x512xf32>
    %slice3A_2200 = vector.extract_strided_slice %dot_general3A_2199 {offsets = [0, 0], sizes = [3, 128], strides = [1, 1]} : vector<3x512xf32> to vector<3x128xf32>
    %add3A_2201 = vector.broadcast %get3A_1734 : vector<1x128xf32> to vector<3x128xf32>
    %add3A_2202 = arith.addf %slice3A_2200, %add3A_2201 : vector<3x128xf32>
    %logistic3A_2203 = arith.negf %add3A_2202 : vector<3x128xf32>
    %logistic3A_2204 = math.exp %logistic3A_2203 : vector<3x128xf32>
    %logistic3A_2205 = arith.constant 1.000000e+00 : f32
    %logistic3A_2206 = vector.broadcast %logistic3A_2205 : f32 to vector<3x128xf32>
    %logistic3A_2207 = arith.addf %logistic3A_2206, %logistic3A_2204 : vector<3x128xf32>
    %logistic3A_2208 = arith.divf %logistic3A_2206, %logistic3A_2207 : vector<3x128xf32>
    %mul3A_2209 = arith.mulf %logistic3A_2208, %add3A_2195 : vector<3x128xf32>
    %slice3A_2210 = vector.extract_strided_slice %dot_general3A_2199 {offsets = [0, 128], sizes = [3, 384], strides = [1, 1]} : vector<3x512xf32> to vector<3x384xf32>
    %slice3A_2211 = vector.extract_strided_slice %slice3A_2210 {offsets = [0, 0], sizes = [3, 128], strides = [1, 1]} : vector<3x384xf32> to vector<3x128xf32>
    %slice3A_2212 = vector.extract_strided_slice %get3A_1731 {offsets = [0, 0], sizes = [1, 128], strides = [1, 1]} : vector<1x384xf32> to vector<1x128xf32>
    %add3A_2213 = vector.broadcast %slice3A_2212 : vector<1x128xf32> to vector<3x128xf32>
    %add3A_2214 = arith.addf %slice3A_2211, %add3A_2213 : vector<3x128xf32>
    %logistic3A_2215 = arith.negf %add3A_2214 : vector<3x128xf32>
    %logistic3A_2216 = math.exp %logistic3A_2215 : vector<3x128xf32>
    %logistic3A_2217 = arith.constant 1.000000e+00 : f32
    %logistic3A_2218 = vector.broadcast %logistic3A_2217 : f32 to vector<3x128xf32>
    %logistic3A_2219 = arith.addf %logistic3A_2218, %logistic3A_2216 : vector<3x128xf32>
    %logistic3A_2220 = arith.divf %logistic3A_2218, %logistic3A_2219 : vector<3x128xf32>
    %slice3A_2221 = vector.extract_strided_slice %slice3A_2210 {offsets = [0, 128], sizes = [3, 128], strides = [1, 1]} : vector<3x384xf32> to vector<3x128xf32>
    %slice3A_2222 = vector.extract_strided_slice %get3A_1731 {offsets = [0, 128], sizes = [1, 128], strides = [1, 1]} : vector<1x384xf32> to vector<1x128xf32>
    %add3A_2223 = vector.broadcast %slice3A_2222 : vector<1x128xf32> to vector<3x128xf32>
    %add3A_2224 = arith.addf %slice3A_2221, %add3A_2223 : vector<3x128xf32>
    %logistic3A_2225 = arith.negf %add3A_2224 : vector<3x128xf32>
    %logistic3A_2226 = math.exp %logistic3A_2225 : vector<3x128xf32>
    %logistic3A_2227 = arith.constant 1.000000e+00 : f32
    %logistic3A_2228 = vector.broadcast %logistic3A_2227 : f32 to vector<3x128xf32>
    %logistic3A_2229 = arith.addf %logistic3A_2228, %logistic3A_2226 : vector<3x128xf32>
    %logistic3A_2230 = arith.divf %logistic3A_2228, %logistic3A_2229 : vector<3x128xf32>
    %slice3A_2231 = vector.extract_strided_slice %slice3A_2210 {offsets = [0, 256], sizes = [3, 128], strides = [1, 1]} : vector<3x384xf32> to vector<3x128xf32>
    %slice3A_2232 = vector.extract_strided_slice %get3A_1731 {offsets = [0, 256], sizes = [1, 128], strides = [1, 1]} : vector<1x384xf32> to vector<1x128xf32>
    %add3A_2233 = vector.broadcast %slice3A_2232 : vector<1x128xf32> to vector<3x128xf32>
    %add3A_2234 = arith.addf %slice3A_2231, %add3A_2233 : vector<3x128xf32>
    %tanh3A_2235 = math.tanh %add3A_2234 : vector<3x128xf32>
    %mul3A_2236 = arith.mulf %logistic3A_2220, %tanh3A_2235 : vector<3x128xf32>
    %add3A_2237 = arith.addf %mul3A_2236, %mul3A_2209 : vector<3x128xf32>
    %tanh3A_2238 = math.tanh %add3A_2237 : vector<3x128xf32>
    %mul3A_2239 = arith.mulf %logistic3A_2230, %tanh3A_2238 : vector<3x128xf32>
    %dot_general3A_2240 = arith.constant dense<0.000000e+00> : vector<3x512xf32>
    %dot_general3A_2241 = tpu.matmul %mul3A_2239, %get3A_1737, %dot_general3A_2240 {dimension_numbers = #tpu.dot_dimension_numbers<[1], [0], [0], [1], [0, 0, 1, 1], [], []>, transpose_lhs_hint = false} : vector<3x128xf32>, vector<128x512xf32>, vector<3x512xf32> -> vector<3x512xf32>
    %slice3A_2242 = vector.extract_strided_slice %dot_general3A_2241 {offsets = [0, 0], sizes = [3, 128], strides = [1, 1]} : vector<3x512xf32> to vector<3x128xf32>
    %add3A_2243 = vector.broadcast %get3A_1734 : vector<1x128xf32> to vector<3x128xf32>
    %add3A_2244 = arith.addf %slice3A_2242, %add3A_2243 : vector<3x128xf32>
    %logistic3A_2245 = arith.negf %add3A_2244 : vector<3x128xf32>
    %logistic3A_2246 = math.exp %logistic3A_2245 : vector<3x128xf32>
    %logistic3A_2247 = arith.constant 1.000000e+00 : f32
    %logistic3A_2248 = vector.broadcast %logistic3A_2247 : f32 to vector<3x128xf32>
    %logistic3A_2249 = arith.addf %logistic3A_2248, %logistic3A_2246 : vector<3x128xf32>
    %logistic3A_2250 = arith.divf %logistic3A_2248, %logistic3A_2249 : vector<3x128xf32>
    %mul3A_2251 = arith.mulf %logistic3A_2250, %add3A_2237 : vector<3x128xf32>
    %slice3A_2252 = vector.extract_strided_slice %dot_general3A_2241 {offsets = [0, 128], sizes = [3, 384], strides = [1, 1]} : vector<3x512xf32> to vector<3x384xf32>
    %slice3A_2253 = vector.extract_strided_slice %slice3A_2252 {offsets = [0, 0], sizes = [3, 128], strides = [1, 1]} : vector<3x384xf32> to vector<3x128xf32>
    %slice3A_2254 = vector.extract_strided_slice %get3A_1731 {offsets = [0, 0], sizes = [1, 128], strides = [1, 1]} : vector<1x384xf32> to vector<1x128xf32>
    %add3A_2255 = vector.broadcast %slice3A_2254 : vector<1x128xf32> to vector<3x128xf32>
    %add3A_2256 = arith.addf %slice3A_2253, %add3A_2255 : vector<3x128xf32>
    %logistic3A_2257 = arith.negf %add3A_2256 : vector<3x128xf32>
    %logistic3A_2258 = math.exp %logistic3A_2257 : vector<3x128xf32>
    %logistic3A_2259 = arith.constant 1.000000e+00 : f32
    %logistic3A_2260 = vector.broadcast %logistic3A_2259 : f32 to vector<3x128xf32>
    %logistic3A_2261 = arith.addf %logistic3A_2260, %logistic3A_2258 : vector<3x128xf32>
    %logistic3A_2262 = arith.divf %logistic3A_2260, %logistic3A_2261 : vector<3x128xf32>
    %slice3A_2263 = vector.extract_strided_slice %slice3A_2252 {offsets = [0, 128], sizes = [3, 128], strides = [1, 1]} : vector<3x384xf32> to vector<3x128xf32>
    %slice3A_2264 = vector.extract_strided_slice %get3A_1731 {offsets = [0, 128], sizes = [1, 128], strides = [1, 1]} : vector<1x384xf32> to vector<1x128xf32>
    %add3A_2265 = vector.broadcast %slice3A_2264 : vector<1x128xf32> to vector<3x128xf32>
    %add3A_2266 = arith.addf %slice3A_2263, %add3A_2265 : vector<3x128xf32>
    %logistic3A_2267 = arith.negf %add3A_2266 : vector<3x128xf32>
    %logistic3A_2268 = math.exp %logistic3A_2267 : vector<3x128xf32>
    %logistic3A_2269 = arith.constant 1.000000e+00 : f32
    %logistic3A_2270 = vector.broadcast %logistic3A_2269 : f32 to vector<3x128xf32>
    %logistic3A_2271 = arith.addf %logistic3A_2270, %logistic3A_2268 : vector<3x128xf32>
    %logistic3A_2272 = arith.divf %logistic3A_2270, %logistic3A_2271 : vector<3x128xf32>
    %slice3A_2273 = vector.extract_strided_slice %slice3A_2252 {offsets = [0, 256], sizes = [3, 128], strides = [1, 1]} : vector<3x384xf32> to vector<3x128xf32>
    %slice3A_2274 = vector.extract_strided_slice %get3A_1731 {offsets = [0, 256], sizes = [1, 128], strides = [1, 1]} : vector<1x384xf32> to vector<1x128xf32>
    %add3A_2275 = vector.broadcast %slice3A_2274 : vector<1x128xf32> to vector<3x128xf32>
    %add3A_2276 = arith.addf %slice3A_2273, %add3A_2275 : vector<3x128xf32>
    %tanh3A_2277 = math.tanh %add3A_2276 : vector<3x128xf32>
    %mul3A_2278 = arith.mulf %logistic3A_2262, %tanh3A_2277 : vector<3x128xf32>
    %add3A_2279 = arith.addf %mul3A_2278, %mul3A_2251 : vector<3x128xf32>
    %tanh3A_2280 = math.tanh %add3A_2279 : vector<3x128xf32>
    %mul3A_2281 = arith.mulf %logistic3A_2272, %tanh3A_2280 : vector<3x128xf32>
    %dot_general3A_2282 = arith.constant dense<0.000000e+00> : vector<3x512xf32>
    %dot_general3A_2283 = tpu.matmul %mul3A_2281, %get3A_1737, %dot_general3A_2282 {dimension_numbers = #tpu.dot_dimension_numbers<[1], [0], [0], [1], [0, 0, 1, 1], [], []>, transpose_lhs_hint = false} : vector<3x128xf32>, vector<128x512xf32>, vector<3x512xf32> -> vector<3x512xf32>
    %slice3A_2284 = vector.extract_strided_slice %dot_general3A_2283 {offsets = [0, 0], sizes = [3, 128], strides = [1, 1]} : vector<3x512xf32> to vector<3x128xf32>
    %add3A_2285 = vector.broadcast %get3A_1734 : vector<1x128xf32> to vector<3x128xf32>
    %add3A_2286 = arith.addf %slice3A_2284, %add3A_2285 : vector<3x128xf32>
    %logistic3A_2287 = arith.negf %add3A_2286 : vector<3x128xf32>
    %logistic3A_2288 = math.exp %logistic3A_2287 : vector<3x128xf32>
    %logistic3A_2289 = arith.constant 1.000000e+00 : f32
    %logistic3A_2290 = vector.broadcast %logistic3A_2289 : f32 to vector<3x128xf32>
    %logistic3A_2291 = arith.addf %logistic3A_2290, %logistic3A_2288 : vector<3x128xf32>
    %logistic3A_2292 = arith.divf %logistic3A_2290, %logistic3A_2291 : vector<3x128xf32>
    %mul3A_2293 = arith.mulf %logistic3A_2292, %add3A_2279 : vector<3x128xf32>
    %slice3A_2294 = vector.extract_strided_slice %dot_general3A_2283 {offsets = [0, 128], sizes = [3, 384], strides = [1, 1]} : vector<3x512xf32> to vector<3x384xf32>
    %slice3A_2295 = vector.extract_strided_slice %slice3A_2294 {offsets = [0, 0], sizes = [3, 128], strides = [1, 1]} : vector<3x384xf32> to vector<3x128xf32>
    %slice3A_2296 = vector.extract_strided_slice %get3A_1731 {offsets = [0, 0], sizes = [1, 128], strides = [1, 1]} : vector<1x384xf32> to vector<1x128xf32>
    %add3A_2297 = vector.broadcast %slice3A_2296 : vector<1x128xf32> to vector<3x128xf32>
    %add3A_2298 = arith.addf %slice3A_2295, %add3A_2297 : vector<3x128xf32>
    %logistic3A_2299 = arith.negf %add3A_2298 : vector<3x128xf32>
    %logistic3A_2300 = math.exp %logistic3A_2299 : vector<3x128xf32>
    %logistic3A_2301 = arith.constant 1.000000e+00 : f32
    %logistic3A_2302 = vector.broadcast %logistic3A_2301 : f32 to vector<3x128xf32>
    %logistic3A_2303 = arith.addf %logistic3A_2302, %logistic3A_2300 : vector<3x128xf32>
    %logistic3A_2304 = arith.divf %logistic3A_2302, %logistic3A_2303 : vector<3x128xf32>
    %slice3A_2305 = vector.extract_strided_slice %slice3A_2294 {offsets = [0, 128], sizes = [3, 128], strides = [1, 1]} : vector<3x384xf32> to vector<3x128xf32>
    %slice3A_2306 = vector.extract_strided_slice %get3A_1731 {offsets = [0, 128], sizes = [1, 128], strides = [1, 1]} : vector<1x384xf32> to vector<1x128xf32>
    %add3A_2307 = vector.broadcast %slice3A_2306 : vector<1x128xf32> to vector<3x128xf32>
    %add3A_2308 = arith.addf %slice3A_2305, %add3A_2307 : vector<3x128xf32>
    %logistic3A_2309 = arith.negf %add3A_2308 : vector<3x128xf32>
    %logistic3A_2310 = math.exp %logistic3A_2309 : vector<3x128xf32>
    %logistic3A_2311 = arith.constant 1.000000e+00 : f32
    %logistic3A_2312 = vector.broadcast %logistic3A_2311 : f32 to vector<3x128xf32>
    %logistic3A_2313 = arith.addf %logistic3A_2312, %logistic3A_2310 : vector<3x128xf32>
    %logistic3A_2314 = arith.divf %logistic3A_2312, %logistic3A_2313 : vector<3x128xf32>
    %slice3A_2315 = vector.extract_strided_slice %slice3A_2294 {offsets = [0, 256], sizes = [3, 128], strides = [1, 1]} : vector<3x384xf32> to vector<3x128xf32>
    %slice3A_2316 = vector.extract_strided_slice %get3A_1731 {offsets = [0, 256], sizes = [1, 128], strides = [1, 1]} : vector<1x384xf32> to vector<1x128xf32>
    %add3A_2317 = vector.broadcast %slice3A_2316 : vector<1x128xf32> to vector<3x128xf32>
    %add3A_2318 = arith.addf %slice3A_2315, %add3A_2317 : vector<3x128xf32>
    %tanh3A_2319 = math.tanh %add3A_2318 : vector<3x128xf32>
    %mul3A_2320 = arith.mulf %logistic3A_2304, %tanh3A_2319 : vector<3x128xf32>
    %add3A_2321 = arith.addf %mul3A_2320, %mul3A_2293 : vector<3x128xf32>
    %tanh3A_2322 = math.tanh %add3A_2321 : vector<3x128xf32>
    %mul3A_2323 = arith.mulf %logistic3A_2314, %tanh3A_2322 : vector<3x128xf32>
    %swap3A_2324 = arith.constant 0 : index
    %swap3A_2325 = arith.constant 0 : index
    %swap3A_2326 = vector.load %arg10[%swap3A_2324, %swap3A_2325] : memref<3x256xf32, #tpu.memory_space<vmem>>, vector<3x128xf32>
    tpu.vector_store %arg10[%swap3A_2324, %swap3A_2325], %get3A_1728 {strides = array<i32>} : memref<3x256xf32, #tpu.memory_space<vmem>>, vector<3x128xf32>,
    %swap3A_2327 = arith.constant 0 : index
    %swap3A_2328 = arith.constant 128 : index
    %swap3A_2329 = vector.load %arg10[%swap3A_2327, %swap3A_2328] : memref<3x256xf32, #tpu.memory_space<vmem>>, vector<3x128xf32>
    tpu.vector_store %arg10[%swap3A_2327, %swap3A_2328], %mul3A_2323 {strides = array<i32>} : memref<3x256xf32, #tpu.memory_space<vmem>>, vector<3x128xf32>,
    return
  }
}

</mosaic_0001>

<sc_bundles>
// kernel: gather_offload_async_start
scs
__scs_entry_jumppad:
0x0: {  	(pc) =	sbr.rel $0x88, $3  }
0x1: {  	(tag) =	ssettag $0x0;
	lr =	simm.s32 $0x1  }
0x2: {  	[smem:$0x3F96] =	sst lr;
	_ =	strace $0xD0000000  }
0x3: {  	_ = 	snop  }
0x4: {  	_ = 	snop  }
0x5: {  	_ = 	snop  }
0x6: {  	_ = 	snop  }
0x7: {  	_ = 	snop  }
__scs_overlays_trampoline_lowered:
0x8: {  	[smem:$0x3FA5] =	sst s0  }
0x9: {  	[smem:$0x3FA6] =	sst s1  }
0xa: {  	[smem:$0x3FA7] =	sst s2  }
0xb: {  	[smem:$0x3FA8] =	sst s3  }
0xc: {  	[smem:$0x3FA9] =	sst s4  }
0xd: {  	[smem:$0x3FAA] =	sst s5  }
0xe: {  	[smem:$0x3FAB] =	sst s6  }
0xf: {  	[smem:$0x3FAC] =	sst s7  }
0x10: {  	[smem:$0x3FAD] =	sst s8  }
0x11: {  	[smem:$0x3FAE] =	sst s9;
	s0 =	simm.s32 @!p0 $0x0  }
0x12: {  	s1 =	sld [smem:$0x3F94];
	s0 =	simm.s32 @p0 $0x1  }
0x13: {  	[smem:$0x3FAF] =	sst s0;
	s0 =	simm.s32 @!p1 $0x0  }
0x14: {  	s2 =	sld [smem:$0x3F93];
	s0 =	simm.s32 @p1 $0x1  }
0x15: {  	[smem:$0x3FB0] =	sst s0;
	s0 =	simm.s32 @!p2 $0x0  }
0x16: {  	s3 =	sld [smem:$0x3FDB];
	s0 =	simm.s32 @p2 $0x1  }
0x17: {  	s4 =	simm.s32 $0x1BF5;
	[smem:$0x3FB2] =	sst s0  }
0x18: {  	s0 =	sld [smem:$0x3F95];
	_ =	swait.ge [sflag:s4], $0x0  }
0x19: {  	s7 =	sld [smem:$0x3F96]  }
0x1a: {  	s8 =	sadd.s32 $0xFFFFE003, lr  }
0x1b: {  	s9 =	sadd.s32 $0xFFFFFEF7, lr;
	s5 =	simm.s32 $0xFFFFFFFF;
	p2 =	slt.u32 s8, $0xFFFFF086  }
0x1c: {  	p1 =	slt.u32 s9, $0xF7A;
	s5 =	simm.s32 @!p2 $0x0  }
0x1d: {  	s5 =	simm.s32 @p1 $0x1;
	p0 =	seq.s32 s7, s2  }
0x1e: {  	s7 =	smul.u32 @!p0 $0xF7A, s2;
	p2 =	seq.s32 @!p0 s5, $0x0  }
0x1f: {  	s9 =	smul.u32 $0xF7A, s1;
	s8 =	simm.s32 @!p0 $0x1BF5;
	p2 =	por !p2, p0  }
0x20: {  	[sflag:s8] =	ssyncset.s32 @!p0 $0xFFFFF086;
	s6 =	sadd.s32 @!p0 s3, s7;
	s7 =	simm.s32 @!p0 $0x108  }
0x21: {  	s3 =	sadd.s32 s3, s9;
	s6 =	sadd.s32 @!p0 $0x88, s6;
	s7 =	simm.s32 @p2 $0x1082  }
0x22: {  	[simem:s7], [sflag:s8] =	dma.local @!p0 [hbm:s6], $0xF7A  }
0x23: {  	s9 =	sor.u32 $0xD0000000, s2;
	s6 =	simm.s32 $0x108;
	_ =	swait.ge @!p0 [sflag:s8], $0x0  }
0x24: {  	s3 =	sadd.s32 $0x88, s3;
	s6 =	simm.s32 @!p1 $0x1082;
	[sflag:s4] =	ssyncset.s32 $0xFFFFF086  }
0x25: {  	[simem:s6], [sflag:s4] =	dma.local [hbm:s3], $0xF7A  }
0x26: {  	[smem:$0x3F96] =	sst s1;
	(tag) =	ssettag s2;
	_ =	strace s9  }
0x27: {  	s1 =	sld [smem:$0x3FA6]  }
0x28: {  	s2 =	sld [smem:$0x3FA7]  }
0x29: {  	s4 =	sld [smem:$0x3FA9]  }
0x2a: {  	p0 =	seq.s32 s5, $0x0;
	s5 =	sld [smem:$0x3FAA]  }
0x2b: {  	s6 =	sld [smem:$0x3FAB]  }
0x2c: {  	s7 =	sld [smem:$0x3FAC]  }
0x2d: {  	s3 =	simm.s32 $0x108;
	s8 =	sld [smem:$0x3FAD]  }
0x2e: {  	s3 =	simm.s32 @!p0 $0x1082;
	s9 =	sld [smem:$0x3FAE]  }
0x2f: {  	lr =	sadd.s32 s0, s3;
	s0 =	sld [smem:$0x3FA5]  }
0x30: {  	s3 =	sld [smem:$0x3FA8]  }
0x31: {  	[smem:$0x3FB1] =	sst s10  }
0x32: {  	s10 =	sld [smem:$0x3FAF];
	_ =	sdelay $0x3  }
0x33: {  	p0 =	seq.s32 s10, $0x1;
	s10 =	sld [smem:$0x3FB1];
	_ =	sdelay $0x3  }
0x34: {  	[smem:$0x3FB1] =	sst s10  }
0x35: {  	s10 =	sld [smem:$0x3FB0];
	_ =	sdelay $0x3  }
0x36: {  	p1 =	seq.s32 s10, $0x1;
	s10 =	sld [smem:$0x3FB1];
	_ =	sdelay $0x3  }
0x37: {  	[smem:$0x3FB1] =	sst s10  }
0x38: {  	s10 =	sld [smem:$0x3FB2]  }
0x39: {  	_ = 	snop;
	(pc) =	sbr.ind lr, $3  }
0x3a: {  	_ = 	snop  }
0x3b: {  	_ = 	snop  }
0x3c: {  	p2 =	seq.s32 s10, $0x1;
	s10 =	sld [smem:$0x3FB1]  }
0x3d: {  	_ =	shalt  }
0x3e: {  	_ =	shalt  }
0x3f: {  	_ =	shalt  }
0x40: {  	_ =	shalt  }
0x41: {  	_ =	shalt  }
0x42: {  	_ =	shalt  }
0x43: {  	_ =	shalt  }
0x44: {  	_ =	shalt  }
0x45: {  	_ =	shalt  }
0x46: {  	_ =	shalt  }
0x47: {  	_ =	shalt  }
0x48: {  	_ =	shalt  }
0x49: {  	_ =	shalt  }
0x4a: {  	_ =	shalt  }
0x4b: {  	_ =	shalt  }
0x4c: {  	_ =	shalt  }
0x4d: {  	_ =	shalt  }
0x4e: {  	_ =	shalt  }
0x4f: {  	_ =	shalt  }
0x50: {  	_ =	shalt  }
0x51: {  	_ =	shalt  }
0x52: {  	_ =	shalt  }
0x53: {  	_ =	shalt  }
0x54: {  	_ =	shalt  }
0x55: {  	_ =	shalt  }
0x56: {  	_ =	shalt  }
0x57: {  	_ =	shalt  }
0x58: {  	_ =	shalt  }
0x59: {  	_ =	shalt  }
0x5a: {  	_ =	shalt  }
0x5b: {  	_ =	shalt  }
0x5c: {  	_ =	shalt  }
0x5d: {  	_ =	shalt  }
0x5e: {  	_ =	shalt  }
0x5f: {  	_ =	shalt  }
0x60: {  	_ =	shalt  }
0x61: {  	_ =	shalt  }
0x62: {  	_ =	shalt  }
0x63: {  	_ =	shalt  }
0x64: {  	_ =	shalt  }
0x65: {  	_ =	shalt  }
0x66: {  	_ =	shalt  }
0x67: {  	_ =	shalt  }
0x68: {  	_ =	shalt  }
0x69: {  	_ =	shalt  }
0x6a: {  	_ =	shalt  }
0x6b: {  	_ =	shalt  }
0x6c: {  	_ =	shalt  }
0x6d: {  	_ =	shalt  }
0x6e: {  	_ =	shalt  }
0x6f: {  	_ =	shalt  }
0x70: {  	_ =	shalt  }
0x71: {  	_ =	shalt  }
0x72: {  	_ =	shalt  }
0x73: {  	_ =	shalt  }
0x74: {  	_ =	shalt  }
0x75: {  	_ =	shalt  }
0x76: {  	_ =	shalt  }
0x77: {  	_ =	shalt  }
0x78: {  	_ =	shalt  }
0x79: {  	_ =	shalt  }
0x7a: {  	_ =	shalt  }
0x7b: {  	_ =	shalt  }
0x7c: {  	_ =	shalt  }
0x7d: {  	_ =	shalt  }
0x7e: {  	_ =	shalt  }
0x7f: {  	_ =	shalt  }
0x80: {  	_ =	shalt  }
0x81: {  	_ =	shalt  }
0x82: {  	_ =	shalt  }
0x83: {  	_ =	shalt  }
0x84: {  	_ =	shalt  }
0x85: {  	_ =	shalt  }
0x86: {  	_ =	shalt  }
0x87: {  	_ =	shalt  }
.Lfunc_end0:
.L_simem_size_0:
called_computation_lowered:
.L_overlay_start_0:
0x88: {  	s2 =	sld [smem:$0x3FD9]  }
0x89: {  	s3 =	sld [smem:$0x3FFE];
	_ =	sdelay $0x1  }
0x8a: {  	s1 =	srdreg.scid  }
0x8b: {  	s0 =	sand.u32 $0x1, s1  }
0x8c: {  	s17 =	sshll.u32 s0, $0xA;
	s2 =	sadd.s32 s3, s2  }
0x8d: {  	s2 =	sadd.s32 s2, s17  }
0x8e: {  	[smem:$0x3FBD] =	sst s2  }
0x8f: {  	_ = 	snop  }
0x90: {  	s2 =	sld [smem:$0x3FC9];
	(tm) =	ssettm $0x1  }
0x91: {  	s18 =	sld [smem:$0x3FFB];
	_ =	sdelay $0x3  }
0x92: {  	_ =	strace s18  }
0x93: {  	s3 =	sld [smem:$0x3FFC];
	_ =	sdelay $0x3  }
0x94: {  	_ =	strace s3  }
0x95: {  	s3 =	sld [smem:$0x3FFD];
	_ =	sdelay $0x3  }
0x96: {  	_ =	strace s3  }
0x97: {  	_ =	strace $0x8FFFFFFF  }
0x98: {  	s19 =	sld [smem:$0x3FDB];
	_ =	sdelay $0x1  }
0x99: {  	s4 =	simm.s32 $_scs_section_size  }
0x9a: {  	s5 =	simm.s32 $_size__tile_overlayer_lowered;
	s6 =	simm.s32 $_tile_overlayer_lowered  }
0x9b: {  	s22 =	simm.s32 $0x1BFF;
	s21 =	sshll.u32 s6, $0x1;
	s3 =	sadd.s32 s4, s19  }
0x9c: {  	s7 =	simm.s32 $0x0;
	s20 =	sshll.u32 s5, $0x1;
	s5 =	sadd.s32 s21, s3  }
0x9d: {  	[timem:s7], [sflag:s22] =	dma.local [hbm:s5], s20  }
0x9e: {  	_ =	swait.ge [sflag:s22], s20  }
0x9f: {  	s4 =	ssub.s32 $0x0, s20;
	[sflag:s22] =	ssyncset.done $0x0  }
0xa0: {  	[sflag:s22] =	ssyncadd.s32 s4;
	_ =	sdelay $0x1  }
0xa1: {  	s23 =	simm.s32 $0x1B8B  }
0xa2: {  	_ =	swait.ge [sflag:s23], $0x1  }
0xa3: {  	[sflag:s23] =	ssyncset.done $0x0  }
0xa4: {  	s25 =	simm.s32 $0x1B8E;
	s24 =	sld [smem:$0x3FFE];
	[sflag:s23] =	ssyncadd.s32 $0xFFFFFFFF  }
0xa5: {  	s26 =	simm.s32 $execute0_lowered;
	[smem:$0x3FD2] =	sst s25  }
0xa6: {  	s5 =	sshll.u32 s26, $0x1;
	_ =	strace $0x80000046;
	[dreg:$0x1] =	wrdreg $0xFFFFFFFF  }
0xa7: {  	s28 =	simm.s32 $_size_execute0_lowered;
	s3 =	sadd.s32 s3, s5;
	[dreg:$0x0] =	wrdreg $0x0  }
0xa8: {  	s5 =	sshll.u32 s28, $0x1;
	[dreg:$0x2] =	wrdreg s3  }
0xa9: {  	[dreg:$0x3] =	wrdreg s5  }
0xaa: {  	[dreg:$0x4] =	wrdreg $0xC0  }
0xab: {  	_ =	task [dreg:s7], $0x5FFFF  }
0xac: {  	[dreg:$0x1] =	wrdreg $0xFFFFFFFF  }
0xad: {  	[dreg:$0x0] =	wrdreg $0x60  }
0xae: {  	[dreg:$0x2] =	wrdreg s2  }
0xaf: {  	[dreg:$0x3] =	wrdreg s24  }
0xb0: {  	[dreg:$0x4] =	wrdreg $0x9  }
0xb1: {  	_ =	task.clear_ibuf [dreg:s7], $0x5FFFF;
	_ =	strace $0x90000046  }
0xb2: {  	s29 =	simm.s32 $0x9;
	_ =	strace $0x80000048  }
0xb3: {  	_ =	swait.ge [sflag:s29], $0x1  }
0xb4: {  	[sflag:s29] =	ssyncadd.s32 $0xFFFFFFFF  }
0xb5: {  	_ =	strace $0x90000048  }
0xb6: {  	_ =	sfence  }
0xb7: {  	s30 =	sld [smem:$0x0];
	_ =	sdelay $0x2  }
0xb8: {  	s31 =	sshll.u32 s1, $0xD;
	s1 =	sshrl.u32 s1, $0x2  }
0xb9: {  	s3 =	sand.u32 $0x4000, s31;
	s1 =	sadd.s32 s1, s30  }
0xba: {  	s0 =	sor.u32 s3, s0;
	s1 =	sshll.u32 s1, $0x11  }
0xbb: {  	s0 =	sor.u32 s1, s0  }
0xbc: {  	s0 =	sadd.s32 $0x8F2B, s0  }
0xbd: {  	[sflag:s0] =	ssyncadd.remote.s32 $0x1  }
0xbe: {  	_ =	sfence.sel $0xFFFF  }
0xbf: {  	[dreg:$0x0] =	wrdreg $0xFFFFFFFF;
	(pc) =	sbr.abs _section_cstart, $3  }
0xc0: {  	[dreg:$0x1] =	wrdreg $0xFFFFFFFF  }
0xc1: {  	_ =	task.clear_ibuf [dreg:s7], $0x2FFFF;
	_ =	strace $0x9FFFFFFF  }
0xc2: {  	(tm) =	ssettm $0x7FFFFFFF  }
0xc3: {  	_ =	shalt  }
tec
execute0_lowered:
.L_overlay_start_1:
0x0: {  	(tag) =	ssettag $0x1  }
0x1: {  	s2 =	rddreg [dreg:$0x0]  }
0x2: {  	s0 =	srdreg.scid;
	s7 =	rddreg [dreg:$0x1]  }
0x3: {  	s1 =	stileid.u32;
	s5 =	simm.s32 $0x2;
	s9 =	simm.s32 $0x3  }
0x4: {  	s3 =	sshll.u32 s0, $0x4;
	s0 =	rddreg [dreg:$0x2];
	_ =	strace $0x80000047  }
.Ltmp0:
0x5: {  	s4 =	sand.u32 $0x10, s3;
	s3 =	simm.s32 $0x1;
	(pc) =	sbr.rel .LBB2_1-.Ltmp0, $4  }
0x6: {  	s11 =	simm.s32 $0x0;
	s4 =	sor.u32 s1, s4;
	[sflag:s3] =	ssyncpa.u1 $0x0  }
0x7: {  	p0 =	por $0x0, $0x0;
	s4 =	smul.u32 $0x300, s4;
	[sflag:s5] =	ssyncpa.u1 $0x0  }
0x8: {  	s6 =	sadd.s32 $0x1C00, s7;
	s7 =	sadd.s32 $0x2800, s7;
	[sflag:s9] =	ssyncpa.u1 $0x0  }
0x9: {  	vm0 =	vmmov $0xff;
	vm1 =	vcmask $0x3F20;
	s9 =	simm.s32 $0x0;
	s8 =	sadd.s32 $0x300, s4;
	s10 =	smov.u32 s4  }
.LBB2_6:
0xa: {  	[hbm:s15] =	stream.linear.scatter [tilespmem:s12], [sflag:$0x3], $0x400, $0x38;
	[tilespmem:$0x18300] =	vst v63  }
.LBB2_7:
0xb: {  	p1 =	slt.u32 s9, $0x2;
	s11 =	sadd.s32 $0x180, s10  }
0xc: {  	s13 =	smov.u32 s4;
	s9 =	sadd.s32 $0x1, s9;
	p2 =	slt.s32 s11, s8  }
0xd: {  	s13 =	smov.u32 @p2 s11;
	p2 =	sne.s32 s9, $0x4  }
.Ltmp1:
0xe: {  	_ = 	snop;
	(pc) =	sbr.rel @!p2 .LBB2_8-.Ltmp1, $4  }
0xf: {  	s12 =	simm.s32 @!p1 $0x3  }
0x10: {  	_ =	swait.ge @!p1 [sflag:s12], $0xC000  }
0x11: {  	p0 =	por !p0, !p0;
	[sflag:s12] =	ssyncset.done @!p1 $0x0  }
0x12: {  	s11 =	smov.u32 s10;
	s10 =	smov.u32 s13;
	[sflag:s12] =	ssyncadd.s32 @!p1 $0xFFFF4000  }
.LBB2_1:
0x13: {  	p1 =	sgt.u32 s9, $0x1  }
0x14: {  	s12 =	sxor.u32 @!p1 $0x1, s9  }
0x15: {  	s12 =	smul.u32 @!p1 $0x600, s12  }
0x16: {  	s31 =	sadd.s32 $0xFFFFFFFF, s9;
	s13 =	sshrl.u32 @!p1 s10, $0x3  }
0x17: {  	s14 =	sand.u32 @!p1 $0x7, s10;
	s13 =	sadd.s32 @!p1 s6, s13;
	s12 =	sshra.s32 @!p1 s12, $0x2  }
0x18: {  	[tilespmem:s12], [sflag:$0x2] =	stream.linear.gather @!p1 [hbm4b:s13+s14], $0x180, $0x38;
	[tilespmem:$0x18300] =	vst v63  }
0x19: {  	p1 =	sgt.u32 s31, $0x1  }
.Ltmp2:
0x1a: {  	_ = 	snop;
	(pc) =	sbr.rel @p1 .LBB2_7-.Ltmp2, $1  }
0x1b: {  	_ =	sdelay $0x3  }
0x1c: {  	s12 =	simm.s32 $0x1  }
0x1d: {  	s12 =	simm.s32 @!p0 $0x0  }
0x1e: {  	s13 =	smul.u32 $0x600, s12  }
0x1f: {  	_ =	swait.ge [sflag:s5], $0x180  }
0x20: {  	[sflag:s5] =	ssyncset.done $0x0;
	s14 =	sshrl.u32 s13, $0x2  }
0x21: {  	[sflag:s5] =	ssyncadd.s32 $0xFFFFFE80;
	s13 =	sadd.s32 $0x0, s14  }
0x22: {  	v0 =	vld.msk [tilespmem:s13+$0x0 ss:$0x1], $0xffff;
	_ =	sdelay $0x4  }
0x23: {  	vm2 =	vgt.s32 v0, $0x0  }
0x24: {  	v0 =	vnsel vm2, $0x0, v0  }
0x25: {  	v0 =	vmin.u32 v0, $0xBFFC  }
0x26: {  	v0 =	vshll.u32 v0, $0x4  }
0x27: {  	s12 =	smul.u32 $0x30000, s12;
	_ =	sdelay $0x1  }
0x28: {  	s12 =	sshrl.u32 s12, $0x2  }
0x29: {  	s12 =	sor.u32 $0x300, s12  }
0x2a: {  	[tilespmem:s12], [sflag:$0x1] =	stream.indirect_vreg.gather [hbm:s2], $0x80, v0, vm0, $0x38;
	[tilespmem:$0x18300] =	vst v63  }
0x2b: {  	s15 =	sadd.s32 $0x10, s14;
	s13 =	sadd.s32 $0x400, s12  }
0x2c: {  	[tilespmem:s13], [sflag:$0x1] =	stream.indirect_vreg.gather [hbm:s2], $0x80, v0, vm1, $0x38;
	[tilespmem:$0x18300] =	vst v63  }
0x2d: {  	s16 =	simm.s32 $0x80;
	v0 =	vld.msk [tilespmem:s15+$0x0 ss:$0x1], $0xffff;
	s15 =	smov.u32 s12  }
.LBB2_3:
0x2e: {  	p1 =	sne.s32 s16, $0x5C0;
	_ =	sdelay $0x4  }
0x2f: {  	vm2 =	vgt.s32 v0, $0x0  }
0x30: {  	v0 =	vnsel vm2, $0x0, v0  }
0x31: {  	v0 =	vmin.u32 v0, $0xBFFC  }
0x32: {  	v0 =	vshll.u32 v0, $0x4;
	_ =	sdelay $0x3  }
.Ltmp3:
0x33: {  	s17 =	sshra.s32 s16, $0x2;
	s15 =	sadd.s32 $0x800, s15;
	(pc) =	sbr.rel @p1 .LBB2_3-.Ltmp3, $4  }
0x34: {  	[tilespmem:s15], [sflag:$0x1] =	stream.indirect_vreg.gather [hbm:s2], $0x80, v0, vm0, $0x38;
	[tilespmem:$0x18300] =	vst v63  }
0x35: {  	s17 =	sadd.s32 s17, s14;
	s18 =	sadd.s32 $0x400, s15  }
0x36: {  	[tilespmem:s18], [sflag:$0x1] =	stream.indirect_vreg.gather [hbm:s2], $0x80, v0, vm1, $0x38;
	[tilespmem:$0x18300] =	vst v63  }
0x37: {  	s16 =	sadd.s32 $0x40, s16;
	v0 =	vld.msk [tilespmem:s17+$0x0 ss:$0x1], $0xffff  }
0x38: {  	_ =	sdelay $0x3  }
0x39: {  	vm2 =	vgt.s32 v0, $0x0  }
0x3a: {  	v0 =	vnsel vm2, $0x0, v0  }
0x3b: {  	v0 =	vmin.u32 v0, $0xBFFC  }
0x3c: {  	v0 =	vshll.u32 v0, $0x4;
	_ =	sdelay $0x3  }
0x3d: {  	s14 =	sadd.s32 $0x800, s15  }
0x3e: {  	[tilespmem:s14], [sflag:$0x1] =	stream.indirect_vreg.gather [hbm:s2], $0x80, v0, vm0, $0x38;
	[tilespmem:$0x18300] =	vst v63  }
0x3f: {  	s14 =	sadd.s32 $0x400, s14  }
0x40: {  	[tilespmem:s14], [sflag:$0x1] =	stream.indirect_vreg.gather [hbm:s2], $0x80, v0, vm1, $0x38;
	[tilespmem:$0x18300] =	vst v63  }
0x41: {  	s11 =	sshll.u32 s11, $0x4;
	_ =	swait.ge [sflag:s3], $0xC000  }
0x42: {  	s11 =	sadd.s32 s11, s7;
	[sflag:s3] =	ssyncset.done $0x0  }
0x43: {  	s15 =	sadd.s32 $0x0, s11;
	s14 =	simm.s32 $0x80;
	[sflag:s3] =	ssyncadd.s32 $0xFFFF4000  }
.LBB2_5:
0x44: {  	[hbm:s15] =	stream.linear.scatter [tilespmem:s12], [sflag:$0x3], $0x400, $0x38;
	[tilespmem:$0x18300] =	vst v63  }
0x45: {  	s15 =	smov.u32 s14;
	s12 =	smov.u32 s13;
	p1 =	sne.s32 s14, $0x1780  }
.Ltmp4:
0x46: {  	s14 =	sadd.s32 $0x80, s14;
	(pc) =	sbr.rel @p1 .LBB2_5-.Ltmp4, $2  }
0x47: {  	_ =	sdelay $0x2  }
0x48: {  	s13 =	sadd.s32 $0x400, s13;
	s15 =	sadd.s32 s15, s11  }
.Ltmp5:
0x49: {  	_ = 	snop;
	(pc) =	sbr.rel .LBB2_6-.Ltmp5, $1  }
0x4a: {  	_ =	sdelay $0x3  }
.LBB2_8:
0x4b: {  	_ =	sfence.sel $0x180000  }
0x4c: {  	s2 =	simm.s32 $0x2;
	[bflag:$0x0] =	sbarrier.arrive $0xFFFF  }
0x4d: {  	s30 =	simm.s32 $0x3;
	[sflag:s2] =	ssyncpa.u1 $0x1  }
0x4e: {  	s31 =	simm.s32 $0x1;
	[sflag:s30] =	ssyncpa.u1 $0x1  }
0x4f: {  	[sflag:s31] =	ssyncpa.u1 $0x1  }
0x50: {  	p0 =	sne.s32 s1, $0x0;
	_ =	strace $0x90000047  }
0x51: {  	s0 =	sadd.s32 @!p0 $0x100000, s0;
	[bflag:$0x2] =	sbarrier.arrive $0xFFFF  }
0x52: {  	[sflag:s0] =	ssyncadd.tile.s32 @!p0 $0x1;
	_ =	shalt  }
.Lfunc_end2:
_tile_overlayer_lowered:
.L_overlay_start_2:
0x53: {  	(tag) =	ssettag $0x2  }
0x54: {  	s0 =	rddreg [dreg:$0x0];
	s2 =	stileid.u32  }
0x55: {  	s1 =	rddreg [dreg:$0x1];
	p0 =	sne.s32 s2, $0x0  }
0x56: {  	s3 =	rddreg [dreg:$0x2];
	[bflag:$0x3] =	sbarrier.arrive $0xFFFF;
	s2 =	simm.s32 @!p0 $0x1C01  }
0x57: {  	[timem:s3], [sflag:s2] =	dma.local @!p0 [hbm:s0], s1  }
0x58: {  	s0 =	simm.s32 @!p0 $0x1  }
0x59: {  	_ =	swait.ge @!p0 [sflag:s0], s1  }
0x5a: {  	s1 =	ssub.s32 @!p0 $0x0, s1;
	[sflag:s0] =	ssyncset.done @!p0 $0x0  }
0x5b: {  	[sflag:s0] =	ssyncadd.s32 @!p0 s1  }
0x5c: {  	[bflag:$0x3] =	sbarrier.arrive $0xFFFF  }
0x5d: {  	_ =	shalt  }

</sc_bundles>
